<compile_context>
chip_gen: v7x
topology: tpu7x:2x2x1
jax: 0.10.2.dev20260603
libtpu: 0.0.44.dev20260713+nightly
codegen_flags: <defaults>
</compile_context>

<pallas_src>
import jax
import jax.numpy as jnp
from jax import lax
from jax.experimental import pallas as pl
from jax.experimental.pallas import tpu as pltpu
from jax.experimental.pallas import tpu_sc as plsc

N_NODES = 10000
N_EDGES = 320000
F = 128

NP = 10240
NC, NS = 2, 16
NW = NC * NS
CH = 128
NPASS = 2
CPP = 40
CPW = NPASS * CPP
EPW = CPW * CH
EP = NW * EPW
RPT = NP // NS

_sc_mesh = plsc.VectorSubcoreMesh(
    core_axis_name="c", subcore_axis_name="s", num_cores=NC, num_subcores=NS)


def _sc_agg_body(y_hbm, srcs_hbm, dsts_hbm, zeros_hbm, agg_hbm, deg_hbm,
                 src_v, dst_v, rows_v, ones_v, zd_v, acc_s, deg_s,
                 gsem0, gsem1, ssem0, ssem1, osem):
    cid = lax.axis_index("c")
    sid = lax.axis_index("s")
    wid = sid * NC + cid
    row0 = pl.multiple_of(sid * RPT, RPT)

    pltpu.sync_copy(zeros_hbm.at[pl.ds(row0, RPT)], acc_s.at[pl.ds(row0, RPT)])

    def _zbody(i, carry):
        zd_v[pl.ds(pl.multiple_of(i * 16, 16), 16)] = jnp.zeros((16,), jnp.float32)
        return carry
    lax.fori_loop(0, RPT // 16, _zbody, 0)
    pltpu.sync_copy(zd_v, deg_s.at[pl.ds(row0, RPT)])

    for j in range(CH // 16):
        ones_v[pl.ds(j * 16, 16)] = jnp.ones((16,), jnp.float32)

    plsc.subcore_barrier()

    gsem = (gsem0, gsem1)
    ssem = (ssem0, ssem1)

    def _gather(c, b):
        pltpu.async_copy(y_hbm.at[src_v.at[c]], rows_v.at[b], gsem[b])

    def _gwait(c, b):
        pltpu.make_async_copy(y_hbm.at[src_v.at[c]], rows_v.at[b],
                              gsem[b]).wait()

    def _scatter(c, b):
        pltpu.async_copy(rows_v.at[b], acc_s.at[dst_v.at[c]], ssem[b],
                         add=True)

    def _swait(c, b):
        pltpu.make_async_copy(rows_v.at[b], acc_s.at[dst_v.at[c]],
                              ssem[b]).wait()

    def _ones(c):
        pltpu.async_copy(ones_v, deg_s.at[dst_v.at[c]], osem, add=True)

    for p in range(NPASS):
        pltpu.sync_copy(srcs_hbm.at[wid, p], src_v)
        pltpu.sync_copy(dsts_hbm.at[wid, p], dst_v)

        _gather(0, 0)
        _gwait(0, 0)
        _scatter(0, 0)
        _ones(0)
        _gather(1, 1)

        def _ebody(i, carry):
            for off, b in ((1, 1), (2, 0)):
                c = 2 * i + off
                _gwait(c, b)
                _scatter(c, b)
                _ones(c)
                _swait(c - 1, 1 - b)
                _gather(c + 1, 1 - b)
            return carry
        lax.fori_loop(0, (CPP - 2) // 2, _ebody, 0)

        _gwait(CPP - 1, 1)
        _scatter(CPP - 1, 1)
        _ones(CPP - 1)
        _swait(CPP - 2, 0)
        _swait(CPP - 1, 1)
        for _ in range(CPP):
            pltpu.make_async_copy(ones_v, deg_s.at[dst_v.at[0]], osem).wait()

    plsc.subcore_barrier()

    pltpu.sync_copy(acc_s.at[pl.ds(row0, RPT)], agg_hbm.at[cid, pl.ds(row0, RPT)])
    pltpu.sync_copy(deg_s.at[pl.ds(row0, RPT)], deg_hbm.at[cid, pl.ds(row0, RPT)])


_sc_agg = pl.kernel(
    _sc_agg_body,
    out_type=(jax.ShapeDtypeStruct((NC, NP, F), jnp.float32),
              jax.ShapeDtypeStruct((NC, NP), jnp.float32)),
    mesh=_sc_mesh,
    scratch_types=[
        pltpu.VMEM((CPP, CH), jnp.int32),
        pltpu.VMEM((CPP, CH), jnp.int32),
        pltpu.VMEM((2, CH, F), jnp.float32),
        pltpu.VMEM((CH,), jnp.float32),
        pltpu.VMEM((RPT,), jnp.float32),
        pltpu.VMEM_SHARED((NP, F), jnp.float32),
        pltpu.VMEM_SHARED((NP,), jnp.float32),
        pltpu.SemaphoreType.DMA,
        pltpu.SemaphoreType.DMA,
        pltpu.SemaphoreType.DMA,
        pltpu.SemaphoreType.DMA,
        pltpu.SemaphoreType.DMA,
    ],
    compiler_params=pltpu.CompilerParams(needs_layout_passes=False),
)


def _mid_body(aggp_ref, degp_ref, x_ref, w1l_ref, b1_ref, w1r_ref,
              w2l_ref, s_ref, h_ref):
    deg = degp_ref[0] + degp_ref[1]
    inv = 1.0 / jnp.maximum(deg, 1.0)
    agg = (aggp_ref[0] + aggp_ref[1]) * inv
    dn = (((1,), (1,)), ((), ()))
    z = lax.dot_general(agg, w1l_ref[...], dn,
                        preferred_element_type=jnp.float32)
    z = z + lax.dot_general(x_ref[...], w1r_ref[...], dn,
                            preferred_element_type=jnp.float32)
    h = jnp.maximum(z + b1_ref[...], 0.0)
    rows = lax.broadcasted_iota(jnp.int32, (NP, 1), 0)
    live = rows < N_NODES
    s = jnp.sum(h * w2l_ref[...], axis=1, keepdims=True)
    s_ref[...] = jnp.where(live, s, 0.0)
    h_ref[...] = h


_mid = pl.pallas_call(
    _mid_body,
    out_shape=(jax.ShapeDtypeStruct((NP, 1), jnp.float32),
               jax.ShapeDtypeStruct((NP, F), jnp.float32)),
)


def _mid2_body(h_ref, w2r_ref, b2_ref, t_ref):
    t_ref[...] = (jnp.sum(h_ref[...] * w2r_ref[...], axis=1, keepdims=True)
                  + b2_ref[...])


_mid2 = pl.pallas_call(
    _mid2_body,
    out_shape=jax.ShapeDtypeStruct((NP, 1), jnp.float32),
)


def _sc_scalar_body(s_hbm, srcs_hbm, dsts_hbm, parts_hbm,
                    s_v, acc_v, src_v, dst_v):
    cid = lax.axis_index("c")
    sid = lax.axis_index("s")
    wid = sid * NC + cid

    pltpu.sync_copy(s_hbm, s_v)
    for p in range(NPASS):
        pltpu.sync_copy(srcs_hbm.at[wid, p], src_v.at[p])
        pltpu.sync_copy(dsts_hbm.at[wid, p], dst_v.at[p])

    def _zbody(i, carry):
        acc_v[pl.ds(pl.multiple_of(i * 16, 16), 16)] = jnp.zeros((16,), jnp.float32)
        return carry
    lax.fori_loop(0, NP // 16, _zbody, 0)

    def _ebody(r, carry):
        for pp in range(NPASS):
            for j in range(CH // 16):
                srcv = src_v[pp, r, pl.ds(j * 16, 16)]
                dstv = dst_v[pp, r, pl.ds(j * 16, 16)]
                vals = plsc.load_gather(s_v, [srcv])
                plsc.addupdate_scatter(acc_v, [dstv], vals)
        return carry
    lax.fori_loop(0, CPP, _ebody, 0)

    pltpu.sync_copy(acc_v, parts_hbm.at[wid])


_sc_scalar = pl.kernel(
    _sc_scalar_body,
    out_type=jax.ShapeDtypeStruct((NW, NP), jnp.float32),
    mesh=_sc_mesh,
    scratch_types=[
        pltpu.VMEM((NP,), jnp.float32),
        pltpu.VMEM((NP,), jnp.float32),
        pltpu.VMEM((NPASS, CPP, CH), jnp.int32),
        pltpu.VMEM((NPASS, CPP, CH), jnp.int32),
    ],
    compiler_params=pltpu.CompilerParams(needs_layout_passes=False),
)


GR = NP // 128


def _final_body(parts_ref, degp_ref, t_ref, out_ref):
    acc = parts_ref[0]
    for w in range(1, NW):
        acc = acc + parts_ref[w]
    deg = degp_ref[0] + degp_ref[1]
    inv = 1.0 / jnp.maximum(deg, 1.0)
    out_ref[...] = acc * inv + t_ref[...]


_final = pl.pallas_call(
    _final_body,
    out_shape=jax.ShapeDtypeStruct((GR, 128), jnp.float32),
)


def kernel(x, edge_index, W1l, b1, W1r, W2l, b2, W2r):
    src = edge_index[0].astype(jnp.int32)
    dst = edge_index[1].astype(jnp.int32)
    pad = EP - N_EDGES
    ppw = pad // NW
    dums = N_NODES + (jnp.arange(ppw, dtype=jnp.int32) % (NP - N_NODES))
    dums = jnp.broadcast_to(dums, (NW, ppw))
    srcp = jnp.concatenate([src.reshape(NW, EPW - ppw), dums], axis=1
                           ).reshape(NW, NPASS, CPP, CH)
    dstp = jnp.concatenate([dst.reshape(NW, EPW - ppw), dums], axis=1
                           ).reshape(NW, NPASS, CPP, CH)
    xp = jnp.pad(x, ((0, NP - N_NODES), (0, 0)))
    zeros_np = jnp.zeros((NP, F), jnp.float32)

    aggp, degp = _sc_agg(xp, srcp, dstp, zeros_np)
    s2, h = _mid(aggp, degp.reshape(NC, NP, 1), xp, W1l, b1, W1r, W2l)
    parts = _sc_scalar(s2.reshape(NP), srcp, dstp)
    t2 = _mid2(h, W2r, b2)
    res = _final(parts.reshape(NW, GR, 128),
                 degp.reshape(NC, GR, 128), t2.reshape(GR, 128))
    return res.reshape(NP, 1)[:N_NODES]

# --- scband reference (transcript-rebuilt; emitter-appended) ---
"""Pipeline reference for scband-sageregression0-51170240364594 (READ-ONLY COPY).

The authoritative reference and input builder live on the scoring server;
editing this copy changes nothing except your own understanding.
"""

import jax, jax.numpy as jnp
import numpy as np

N_NODES = 10000
N_EDGES = 320000
IN_FEATS = 128
HID_FEATS = 128
OUT_FEATS = 1


def setup_inputs(seed: int = 0) -> dict:
    key = jax.random.key(seed)
    ks = jax.random.split(key, 8)
    x = jax.random.normal(ks[0], (N_NODES, IN_FEATS), dtype=jnp.float32)
    edge_index = jax.random.randint(ks[1], (2, N_EDGES), 0, N_NODES, dtype=jnp.int64)
    # SAGEConv layer 1 params (PyG: lin_l applied to aggregated neighbors w/ bias, lin_r to root w/o bias)
    s1 = 1.0 / np.sqrt(IN_FEATS)
    W1l = jax.random.uniform(ks[2], (HID_FEATS, IN_FEATS), dtype=jnp.float32, minval=-s1, maxval=s1)
    b1 = jax.random.uniform(ks[3], (HID_FEATS,), dtype=jnp.float32, minval=-s1, maxval=s1)
    W1r = jax.random.uniform(ks[4], (HID_FEATS, IN_FEATS), dtype=jnp.float32, minval=-s1, maxval=s1)
    s2 = 1.0 / np.sqrt(HID_FEATS)
    W2l = jax.random.uniform(ks[5], (OUT_FEATS, HID_FEATS), dtype=jnp.float32, minval=-s2, maxval=s2)
    b2 = jax.random.uniform(ks[6], (OUT_FEATS,), dtype=jnp.float32, minval=-s2, maxval=s2)
    W2r = jax.random.uniform(ks[7], (OUT_FEATS, HID_FEATS), dtype=jnp.float32, minval=-s2, maxval=s2)
    return {"x": x, "edge_index": edge_index, "W1l": W1l, "b1": b1, "W1r": W1r,
            "W2l": W2l, "b2": b2, "W2r": W2r}


def _sage_conv_mean(x, src, dst, Wl, bl, Wr, num_nodes):
    # gather source node features along edges
    msgs = jnp.take(x, src, axis=0)
    # scatter-add into destination nodes, then mean by in-degree
    agg = jax.ops.segment_sum(msgs, dst, num_segments=num_nodes)
    deg = jax.ops.segment_sum(jnp.ones((src.shape[0],), dtype=x.dtype), dst, num_segments=num_nodes)
    agg = agg / jnp.clip(deg, 1.0, None)[:, None]
    return agg @ Wl.T + bl + x @ Wr.T


def reference(x, edge_index, W1l, b1, W1r, W2l, b2, W2r):
    src = edge_index[0]
    dst = edge_index[1]
    n = x.shape[0]
    h = _sage_conv_mean(x, src, dst, W1l, b1, W1r, n)
    h = jax.nn.relu(h)
    out = _sage_conv_mean(h, src, dst, W2l, b2, W2r, n)
    return out

if __name__ == "__main__":
    import jax
    _d = setup_inputs()
    print(jax.jit(kernel)(*tuple(_d.values())))

</pallas_src>

<mosaic_0001>
#map = affine_map<(d0, d1) -> (0, 0)>
#map1 = affine_map<(d0, d1) -> (0, 0, 0, 0)>
#map2 = affine_map<(d0, d1) -> (0, 0, 0)>
module attributes {stable_mosaic.version = 14 : i64} {
  func.func @_sc_agg_body(%arg0: i32, %arg1: i32, %arg2: memref<10240x128xf32, #tpu.memory_space<hbm>>, %arg3: memref<32x2x40x128xi32, #tpu.memory_space<hbm>>, %arg4: memref<32x2x40x128xi32, #tpu.memory_space<hbm>>, %arg5: memref<10240x128xf32, #tpu.memory_space<hbm>>, %arg6: memref<2x10240x128xf32, #tpu.memory_space<hbm>>, %arg7: memref<2x10240xf32, #tpu.memory_space<hbm>>, %arg8: memref<40x128xi32, #tpu.memory_space<vmem>>, %arg9: memref<40x128xi32, #tpu.memory_space<vmem>>, %arg10: memref<2x128x128xf32, #tpu.memory_space<vmem>>, %arg11: memref<128xf32, #tpu.memory_space<vmem>>, %arg12: memref<640xf32, #tpu.memory_space<vmem>>, %arg13: memref<10240x128xf32, #tpu.memory_space<vmem_shared>>, %arg14: memref<10240xf32, #tpu.memory_space<vmem_shared>>, %arg15: memref<!tpu.dma_semaphore, #tpu.memory_space<semaphore_mem>>, %arg16: memref<!tpu.dma_semaphore, #tpu.memory_space<semaphore_mem>>, %arg17: memref<!tpu.dma_semaphore, #tpu.memory_space<semaphore_mem>>, %arg18: memref<!tpu.dma_semaphore, #tpu.memory_space<semaphore_mem>>, %arg19: memref<!tpu.dma_semaphore, #tpu.memory_space<semaphore_mem>>) attributes {dimension_semantics = [#tpu.dimension_semantics<core_parallel>, #tpu.dimension_semantics<subcore_parallel>], iteration_bounds = array<i64: 2, 16>, scalar_prefetch = 0 : i64, scratch_operands = 12 : i64, tpu.core_type = #tpu.core_type<sc_vector_subcore>, window_params = [{transform_indices = #map}, {transform_indices = #map1}, {transform_indices = #map1}, {transform_indices = #map}, {transform_indices = #map2}, {transform_indices = #map}]} {
    %mul3A = arith.constant 2 : i32
    %mul3A_0 = arith.muli %arg1, %mul3A : i32
    %add3A = arith.addi %mul3A_0, %arg0 : i32
    %mul3A_1 = arith.constant 640 : i32
    %mul3A_2 = arith.muli %arg1, %mul3A_1 : i32
    %multiple_of3A = tpu.assume_multiple %mul3A_2, 640 : i32
    "tpu.region"() ({
      %run_scoped3A_748 = tpu.sem_alloc : memref<!tpu.dma_semaphore, #tpu.memory_space<semaphore_mem>>
      %dma_start3A_749 = arith.constant 0 : i32
      %dma_start3A_750 = tpu.memref_slice %arg13[%multiple_of3A, %dma_start3A_749] : memref<10240x128xf32, #tpu.memory_space<vmem_shared>> -> memref<640x128xf32, #tpu.memory_space<vmem_shared>>
      %dma_start3A_751 = arith.constant 0 : i32
      %dma_start3A_752 = tpu.memref_slice %arg5[%multiple_of3A, %dma_start3A_751] : memref<10240x128xf32, #tpu.memory_space<hbm>> -> memref<640x128xf32, #tpu.memory_space<hbm>>
      tpu.enqueue_dma source(%dma_start3A_752 : memref<640x128xf32, #tpu.memory_space<hbm>>) target(%dma_start3A_750 : memref<640x128xf32, #tpu.memory_space<vmem_shared>>) target_semaphore(%run_scoped3A_748 : memref<!tpu.dma_semaphore, #tpu.memory_space<semaphore_mem>>)
      %dma_wait3A_753 = arith.constant 0 : i32
      %dma_wait3A_754 = tpu.memref_slice %arg13[%multiple_of3A, %dma_wait3A_753] : memref<10240x128xf32, #tpu.memory_space<vmem_shared>> -> memref<640x128xf32, #tpu.memory_space<vmem_shared>>
      %dma_wait3A_755 = arith.constant 0 : i32
      %dma_wait3A_756 = tpu.memref_slice %arg5[%multiple_of3A, %dma_wait3A_755] : memref<10240x128xf32, #tpu.memory_space<hbm>> -> memref<640x128xf32, #tpu.memory_space<hbm>>
      tpu.wait_dma2 semaphore(%run_scoped3A_748 : memref<!tpu.dma_semaphore, #tpu.memory_space<semaphore_mem>>) src(%dma_wait3A_756 : memref<640x128xf32, #tpu.memory_space<hbm>>) dst(%dma_wait3A_754 : memref<640x128xf32, #tpu.memory_space<vmem_shared>>)
      tpu.yield
    }) : () -> ()
    %scan3A = arith.constant 0 : i32
    %scan3A_3 = arith.constant 0 : i32
    %scan3A_4 = arith.constant 40 : i32
    %scan3A_5 = arith.addi %scan3A_3, %scan3A_4 : i32
    %scan3A_6 = arith.constant 1 : i32
    scf.for %scan3A_748 = %scan3A_3 to %scan3A_5 step %scan3A_6  : i32 {
      %broadcast_in_dim3A_749 = arith.constant 0.000000e+00 : f32
      %broadcast_in_dim3A_750 = vector.broadcast %broadcast_in_dim3A_749 : f32 to vector<16xf32>
      %mul3A_751 = arith.constant 16 : i32
      %mul3A_752 = arith.muli %scan3A_748, %mul3A_751 : i32
      %multiple_of3A_753 = tpu.assume_multiple %mul3A_752, 16 : i32
      %swap3A_754 = arith.index_cast %multiple_of3A_753 : i32 to index
      %swap3A_755 = tpu.vector_load %arg12[%swap3A_754] {strides = array<i32>} : memref<640xf32, #tpu.memory_space<vmem>>, vector<16xf32>,
      tpu.vector_store %arg12[%swap3A_754], %broadcast_in_dim3A_750 {strides = array<i32>} : memref<640xf32, #tpu.memory_space<vmem>>, vector<16xf32>,
    }
    %scan3A_7 = arith.constant 40 : i32
    "tpu.region"() ({
      %run_scoped3A_748 = tpu.sem_alloc : memref<!tpu.dma_semaphore, #tpu.memory_space<semaphore_mem>>
      %dma_start3A_749 = tpu.memref_slice %arg14[%multiple_of3A] : memref<10240xf32, #tpu.memory_space<vmem_shared>> -> memref<640xf32, #tpu.memory_space<vmem_shared>>
      %dma_start3A_750 = tpu.memref_slice %arg14[%multiple_of3A] : memref<10240xf32, #tpu.memory_space<vmem_shared>> -> memref<640xf32, #tpu.memory_space<vmem_shared>>
      tpu.enqueue_dma source(%arg12 : memref<640xf32, #tpu.memory_space<vmem>>) target(%dma_start3A_750 : memref<640xf32, #tpu.memory_space<vmem_shared>>) target_semaphore(%run_scoped3A_748 : memref<!tpu.dma_semaphore, #tpu.memory_space<semaphore_mem>>)
      %dma_wait3A_751 = tpu.memref_slice %arg14[%multiple_of3A] : memref<10240xf32, #tpu.memory_space<vmem_shared>> -> memref<640xf32, #tpu.memory_space<vmem_shared>>
      %dma_wait3A_752 = tpu.memref_slice %arg14[%multiple_of3A] : memref<10240xf32, #tpu.memory_space<vmem_shared>> -> memref<640xf32, #tpu.memory_space<vmem_shared>>
      tpu.wait_dma2 semaphore(%run_scoped3A_748 : memref<!tpu.dma_semaphore, #tpu.memory_space<semaphore_mem>>) src(%arg12 : memref<640xf32, #tpu.memory_space<vmem>>) dst(%dma_wait3A_752 : memref<640xf32, #tpu.memory_space<vmem_shared>>)
      tpu.yield
    }) : () -> ()
    %broadcast_in_dim3A = arith.constant 1.000000e+00 : f32
    %broadcast_in_dim3A_8 = vector.broadcast %broadcast_in_dim3A : f32 to vector<16xf32>
    %swap3A = arith.constant 0 : index
    %swap3A_9 = tpu.vector_load %arg11[%swap3A] {strides = array<i32>} : memref<128xf32, #tpu.memory_space<vmem>>, vector<16xf32>,
    tpu.vector_store %arg11[%swap3A], %broadcast_in_dim3A_8 {strides = array<i32>} : memref<128xf32, #tpu.memory_space<vmem>>, vector<16xf32>,
    %broadcast_in_dim3A_10 = arith.constant 1.000000e+00 : f32
    %broadcast_in_dim3A_11 = vector.broadcast %broadcast_in_dim3A_10 : f32 to vector<16xf32>
    %swap3A_12 = arith.constant 16 : index
    %swap3A_13 = tpu.vector_load %arg11[%swap3A_12] {strides = array<i32>} : memref<128xf32, #tpu.memory_space<vmem>>, vector<16xf32>,
    tpu.vector_store %arg11[%swap3A_12], %broadcast_in_dim3A_11 {strides = array<i32>} : memref<128xf32, #tpu.memory_space<vmem>>, vector<16xf32>,
    %broadcast_in_dim3A_14 = arith.constant 1.000000e+00 : f32
    %broadcast_in_dim3A_15 = vector.broadcast %broadcast_in_dim3A_14 : f32 to vector<16xf32>
    %swap3A_16 = arith.constant 32 : index
    %swap3A_17 = tpu.vector_load %arg11[%swap3A_16] {strides = array<i32>} : memref<128xf32, #tpu.memory_space<vmem>>, vector<16xf32>,
    tpu.vector_store %arg11[%swap3A_16], %broadcast_in_dim3A_15 {strides = array<i32>} : memref<128xf32, #tpu.memory_space<vmem>>, vector<16xf32>,
    %broadcast_in_dim3A_18 = arith.constant 1.000000e+00 : f32
    %broadcast_in_dim3A_19 = vector.broadcast %broadcast_in_dim3A_18 : f32 to vector<16xf32>
    %swap3A_20 = arith.constant 48 : index
    %swap3A_21 = tpu.vector_load %arg11[%swap3A_20] {strides = array<i32>} : memref<128xf32, #tpu.memory_space<vmem>>, vector<16xf32>,
    tpu.vector_store %arg11[%swap3A_20], %broadcast_in_dim3A_19 {strides = array<i32>} : memref<128xf32, #tpu.memory_space<vmem>>, vector<16xf32>,
    %broadcast_in_dim3A_22 = arith.constant 1.000000e+00 : f32
    %broadcast_in_dim3A_23 = vector.broadcast %broadcast_in_dim3A_22 : f32 to vector<16xf32>
    %swap3A_24 = arith.constant 64 : index
    %swap3A_25 = tpu.vector_load %arg11[%swap3A_24] {strides = array<i32>} : memref<128xf32, #tpu.memory_space<vmem>>, vector<16xf32>,
    tpu.vector_store %arg11[%swap3A_24], %broadcast_in_dim3A_23 {strides = array<i32>} : memref<128xf32, #tpu.memory_space<vmem>>, vector<16xf32>,
    %broadcast_in_dim3A_26 = arith.constant 1.000000e+00 : f32
    %broadcast_in_dim3A_27 = vector.broadcast %broadcast_in_dim3A_26 : f32 to vector<16xf32>
    %swap3A_28 = arith.constant 80 : index
    %swap3A_29 = tpu.vector_load %arg11[%swap3A_28] {strides = array<i32>} : memref<128xf32, #tpu.memory_space<vmem>>, vector<16xf32>,
    tpu.vector_store %arg11[%swap3A_28], %broadcast_in_dim3A_27 {strides = array<i32>} : memref<128xf32, #tpu.memory_space<vmem>>, vector<16xf32>,
    %broadcast_in_dim3A_30 = arith.constant 1.000000e+00 : f32
    %broadcast_in_dim3A_31 = vector.broadcast %broadcast_in_dim3A_30 : f32 to vector<16xf32>
    %swap3A_32 = arith.constant 96 : index
    %swap3A_33 = tpu.vector_load %arg11[%swap3A_32] {strides = array<i32>} : memref<128xf32, #tpu.memory_space<vmem>>, vector<16xf32>,
    tpu.vector_store %arg11[%swap3A_32], %broadcast_in_dim3A_31 {strides = array<i32>} : memref<128xf32, #tpu.memory_space<vmem>>, vector<16xf32>,
    %broadcast_in_dim3A_34 = arith.constant 1.000000e+00 : f32
    %broadcast_in_dim3A_35 = vector.broadcast %broadcast_in_dim3A_34 : f32 to vector<16xf32>
    %swap3A_36 = arith.constant 112 : index
    %swap3A_37 = tpu.vector_load %arg11[%swap3A_36] {strides = array<i32>} : memref<128xf32, #tpu.memory_space<vmem>>, vector<16xf32>,
    tpu.vector_store %arg11[%swap3A_36], %broadcast_in_dim3A_35 {strides = array<i32>} : memref<128xf32, #tpu.memory_space<vmem>>, vector<16xf32>,
    %barrier3A = arith.constant 0 : index
    tpu.barrier barrier_id(%barrier3A)
    %run_scoped3A = arith.constant 0 : i32
    "tpu.region"() ({
      %run_scoped3A_748 = tpu.sem_alloc : memref<!tpu.dma_semaphore, #tpu.memory_space<semaphore_mem>>
      %dma_start3A_749 = arith.constant 0 : i32
      %dma_start3A_750 = arith.constant 0 : i32
      %dma_start3A_751 = tpu.memref_slice %arg3[%add3A, %run_scoped3A, %dma_start3A_749, %dma_start3A_750] : memref<32x2x40x128xi32, #tpu.memory_space<hbm>> -> memref<1x1x40x128xi32, #tpu.memory_space<hbm>>
      %dma_start3A_752 = tpu.memref_squeeze %dma_start3A_751 : memref<1x1x40x128xi32, #tpu.memory_space<hbm>> -> memref<40x128xi32, #tpu.memory_space<hbm>>
      %dma_start3A_753 = arith.constant 0 : i32
      %dma_start3A_754 = arith.constant 0 : i32
      %dma_start3A_755 = tpu.memref_slice %arg3[%add3A, %run_scoped3A, %dma_start3A_753, %dma_start3A_754] : memref<32x2x40x128xi32, #tpu.memory_space<hbm>> -> memref<1x1x40x128xi32, #tpu.memory_space<hbm>>
      %dma_start3A_756 = tpu.memref_squeeze %dma_start3A_755 : memref<1x1x40x128xi32, #tpu.memory_space<hbm>> -> memref<40x128xi32, #tpu.memory_space<hbm>>
      tpu.enqueue_dma source(%dma_start3A_756 : memref<40x128xi32, #tpu.memory_space<hbm>>) target(%arg8 : memref<40x128xi32, #tpu.memory_space<vmem>>) target_semaphore(%run_scoped3A_748 : memref<!tpu.dma_semaphore, #tpu.memory_space<semaphore_mem>>)
      %dma_wait3A_757 = arith.constant 0 : i32
      %dma_wait3A_758 = arith.constant 0 : i32
      %dma_wait3A_759 = tpu.memref_slice %arg3[%add3A, %run_scoped3A, %dma_wait3A_757, %dma_wait3A_758] : memref<32x2x40x128xi32, #tpu.memory_space<hbm>> -> memref<1x1x40x128xi32, #tpu.memory_space<hbm>>
      %dma_wait3A_760 = tpu.memref_squeeze %dma_wait3A_759 : memref<1x1x40x128xi32, #tpu.memory_space<hbm>> -> memref<40x128xi32, #tpu.memory_space<hbm>>
      %dma_wait3A_761 = arith.constant 0 : i32
      %dma_wait3A_762 = arith.constant 0 : i32
      %dma_wait3A_763 = tpu.memref_slice %arg3[%add3A, %run_scoped3A, %dma_wait3A_761, %dma_wait3A_762] : memref<32x2x40x128xi32, #tpu.memory_space<hbm>> -> memref<1x1x40x128xi32, #tpu.memory_space<hbm>>
      %dma_wait3A_764 = tpu.memref_squeeze %dma_wait3A_763 : memref<1x1x40x128xi32, #tpu.memory_space<hbm>> -> memref<40x128xi32, #tpu.memory_space<hbm>>
      tpu.wait_dma2 semaphore(%run_scoped3A_748 : memref<!tpu.dma_semaphore, #tpu.memory_space<semaphore_mem>>) src(%dma_wait3A_764 : memref<40x128xi32, #tpu.memory_space<hbm>>) dst(%arg8 : memref<40x128xi32, #tpu.memory_space<vmem>>)
      tpu.yield
    }) : () -> ()
    %run_scoped3A_38 = arith.constant 0 : i32
    "tpu.region"() ({
      %run_scoped3A_748 = tpu.sem_alloc : memref<!tpu.dma_semaphore, #tpu.memory_space<semaphore_mem>>
      %dma_start3A_749 = arith.constant 0 : i32
      %dma_start3A_750 = arith.constant 0 : i32
      %dma_start3A_751 = tpu.memref_slice %arg4[%add3A, %run_scoped3A_38, %dma_start3A_749, %dma_start3A_750] : memref<32x2x40x128xi32, #tpu.memory_space<hbm>> -> memref<1x1x40x128xi32, #tpu.memory_space<hbm>>
      %dma_start3A_752 = tpu.memref_squeeze %dma_start3A_751 : memref<1x1x40x128xi32, #tpu.memory_space<hbm>> -> memref<40x128xi32, #tpu.memory_space<hbm>>
      %dma_start3A_753 = arith.constant 0 : i32
      %dma_start3A_754 = arith.constant 0 : i32
      %dma_start3A_755 = tpu.memref_slice %arg4[%add3A, %run_scoped3A_38, %dma_start3A_753, %dma_start3A_754] : memref<32x2x40x128xi32, #tpu.memory_space<hbm>> -> memref<1x1x40x128xi32, #tpu.memory_space<hbm>>
      %dma_start3A_756 = tpu.memref_squeeze %dma_start3A_755 : memref<1x1x40x128xi32, #tpu.memory_space<hbm>> -> memref<40x128xi32, #tpu.memory_space<hbm>>
      tpu.enqueue_dma source(%dma_start3A_756 : memref<40x128xi32, #tpu.memory_space<hbm>>) target(%arg9 : memref<40x128xi32, #tpu.memory_space<vmem>>) target_semaphore(%run_scoped3A_748 : memref<!tpu.dma_semaphore, #tpu.memory_space<semaphore_mem>>)
      %dma_wait3A_757 = arith.constant 0 : i32
      %dma_wait3A_758 = arith.constant 0 : i32
      %dma_wait3A_759 = tpu.memref_slice %arg4[%add3A, %run_scoped3A_38, %dma_wait3A_757, %dma_wait3A_758] : memref<32x2x40x128xi32, #tpu.memory_space<hbm>> -> memref<1x1x40x128xi32, #tpu.memory_space<hbm>>
      %dma_wait3A_760 = tpu.memref_squeeze %dma_wait3A_759 : memref<1x1x40x128xi32, #tpu.memory_space<hbm>> -> memref<40x128xi32, #tpu.memory_space<hbm>>
      %dma_wait3A_761 = arith.constant 0 : i32
      %dma_wait3A_762 = arith.constant 0 : i32
      %dma_wait3A_763 = tpu.memref_slice %arg4[%add3A, %run_scoped3A_38, %dma_wait3A_761, %dma_wait3A_762] : memref<32x2x40x128xi32, #tpu.memory_space<hbm>> -> memref<1x1x40x128xi32, #tpu.memory_space<hbm>>
      %dma_wait3A_764 = tpu.memref_squeeze %dma_wait3A_763 : memref<1x1x40x128xi32, #tpu.memory_space<hbm>> -> memref<40x128xi32, #tpu.memory_space<hbm>>
      tpu.wait_dma2 semaphore(%run_scoped3A_748 : memref<!tpu.dma_semaphore, #tpu.memory_space<semaphore_mem>>) src(%dma_wait3A_764 : memref<40x128xi32, #tpu.memory_space<hbm>>) dst(%arg9 : memref<40x128xi32, #tpu.memory_space<vmem>>)
      tpu.yield
    }) : () -> ()
    %dma_start3A = arith.constant 0 : i32
    %dma_start3A_39 = arith.constant 0 : i32
    %dma_start3A_40 = arith.constant 0 : i32
    %dma_start3A_41 = arith.constant 0 : i32
    %dma_start3A_42 = tpu.memref_slice %arg10[%dma_start3A_39, %dma_start3A_40, %dma_start3A_41] : memref<2x128x128xf32, #tpu.memory_space<vmem>> -> memref<1x128x128xf32, #tpu.memory_space<vmem>>
    %dma_start3A_43 = tpu.memref_squeeze %dma_start3A_42 : memref<1x128x128xf32, #tpu.memory_space<vmem>> -> memref<128x128xf32, #tpu.memory_space<vmem>>
    %dma_start3A_44 = arith.constant 0 : i32
    %dma_start3A_45 = tpu.memref_slice %arg8[%dma_start3A, %dma_start3A_44] : memref<40x128xi32, #tpu.memory_space<vmem>> -> memref<1x128xi32, #tpu.memory_space<vmem>>
    %dma_start3A_46 = tpu.memref_squeeze %dma_start3A_45 : memref<1x128xi32, #tpu.memory_space<vmem>> -> memref<128xi32, #tpu.memory_space<vmem>>
    %dma_start3A_47 = arith.constant 0 : i32
    %dma_start3A_48 = arith.constant 0 : i32
    %dma_start3A_49 = tpu.memref_slice %arg2[%dma_start3A_47, %dma_start3A_48] : memref<10240x128xf32, #tpu.memory_space<hbm>> -> memref<10240x128xf32, #tpu.memory_space<hbm>>
    tpu.enqueue_indirect_dma source(%dma_start3A_49 : memref<10240x128xf32, #tpu.memory_space<hbm>>) target(%dma_start3A_43 : memref<128x128xf32, #tpu.memory_space<vmem>>) offsets(%dma_start3A_46 : memref<128xi32, #tpu.memory_space<vmem>>) semaphore(%arg15 : memref<!tpu.dma_semaphore, #tpu.memory_space<semaphore_mem>>)
    %dma_wait3A = arith.constant 0 : i32
    %dma_wait3A_50 = arith.constant 0 : i32
    %dma_wait3A_51 = arith.constant 0 : i32
    %dma_wait3A_52 = arith.constant 0 : i32
    %dma_wait3A_53 = tpu.memref_slice %arg10[%dma_wait3A_50, %dma_wait3A_51, %dma_wait3A_52] : memref<2x128x128xf32, #tpu.memory_space<vmem>> -> memref<1x128x128xf32, #tpu.memory_space<vmem>>
    %dma_wait3A_54 = tpu.memref_squeeze %dma_wait3A_53 : memref<1x128x128xf32, #tpu.memory_space<vmem>> -> memref<128x128xf32, #tpu.memory_space<vmem>>
    %dma_wait3A_55 = arith.constant 0 : i32
    %dma_wait3A_56 = tpu.memref_slice %arg8[%dma_wait3A, %dma_wait3A_55] : memref<40x128xi32, #tpu.memory_space<vmem>> -> memref<1x128xi32, #tpu.memory_space<vmem>>
    %dma_wait3A_57 = tpu.memref_squeeze %dma_wait3A_56 : memref<1x128xi32, #tpu.memory_space<vmem>> -> memref<128xi32, #tpu.memory_space<vmem>>
    %dma_wait3A_58 = arith.constant 0 : i32
    %dma_wait3A_59 = arith.constant 0 : i32
    %dma_wait3A_60 = tpu.memref_slice %arg2[%dma_wait3A_58, %dma_wait3A_59] : memref<10240x128xf32, #tpu.memory_space<hbm>> -> memref<10240x128xf32, #tpu.memory_space<hbm>>
    tpu.wait_indirect_dma semaphore(%arg15 : memref<!tpu.dma_semaphore, #tpu.memory_space<semaphore_mem>>) src(%dma_wait3A_60 : memref<10240x128xf32, #tpu.memory_space<hbm>>) dst(%dma_wait3A_54 : memref<128x128xf32, #tpu.memory_space<vmem>>)
    %dma_start3A_61 = arith.constant 0 : i32
    %dma_start3A_62 = arith.constant 0 : i32
    %dma_start3A_63 = arith.constant 0 : i32
    %dma_start3A_64 = arith.constant 0 : i32
    %dma_start3A_65 = tpu.memref_slice %arg10[%dma_start3A_61, %dma_start3A_63, %dma_start3A_64] : memref<2x128x128xf32, #tpu.memory_space<vmem>> -> memref<1x128x128xf32, #tpu.memory_space<vmem>>
    %dma_start3A_66 = tpu.memref_squeeze %dma_start3A_65 : memref<1x128x128xf32, #tpu.memory_space<vmem>> -> memref<128x128xf32, #tpu.memory_space<vmem>>
    %dma_start3A_67 = arith.constant 0 : i32
    %dma_start3A_68 = tpu.memref_slice %arg9[%dma_start3A_62, %dma_start3A_67] : memref<40x128xi32, #tpu.memory_space<vmem>> -> memref<1x128xi32, #tpu.memory_space<vmem>>
    %dma_start3A_69 = tpu.memref_squeeze %dma_start3A_68 : memref<1x128xi32, #tpu.memory_space<vmem>> -> memref<128xi32, #tpu.memory_space<vmem>>
    %dma_start3A_70 = arith.constant 0 : i32
    %dma_start3A_71 = arith.constant 0 : i32
    %dma_start3A_72 = tpu.memref_slice %arg13[%dma_start3A_70, %dma_start3A_71] : memref<10240x128xf32, #tpu.memory_space<vmem_shared>> -> memref<10240x128xf32, #tpu.memory_space<vmem_shared>>
    tpu.enqueue_indirect_dma source(%dma_start3A_66 : memref<128x128xf32, #tpu.memory_space<vmem>>) target(%dma_start3A_72 : memref<10240x128xf32, #tpu.memory_space<vmem_shared>>) offsets(%dma_start3A_69 : memref<128xi32, #tpu.memory_space<vmem>>) semaphore(%arg17 : memref<!tpu.dma_semaphore, #tpu.memory_space<semaphore_mem>>) {add = true}
    %dma_start3A_73 = arith.constant 0 : i32
    %dma_start3A_74 = arith.constant 0 : i32
    %dma_start3A_75 = tpu.memref_slice %arg9[%dma_start3A_73, %dma_start3A_74] : memref<40x128xi32, #tpu.memory_space<vmem>> -> memref<1x128xi32, #tpu.memory_space<vmem>>
    %dma_start3A_76 = tpu.memref_squeeze %dma_start3A_75 : memref<1x128xi32, #tpu.memory_space<vmem>> -> memref<128xi32, #tpu.memory_space<vmem>>
    %dma_start3A_77 = arith.constant 0 : i32
    %dma_start3A_78 = tpu.memref_slice %arg14[%dma_start3A_77] : memref<10240xf32, #tpu.memory_space<vmem_shared>> -> memref<10240xf32, #tpu.memory_space<vmem_shared>>
    tpu.enqueue_indirect_dma source(%arg11 : memref<128xf32, #tpu.memory_space<vmem>>) target(%dma_start3A_78 : memref<10240xf32, #tpu.memory_space<vmem_shared>>) offsets(%dma_start3A_76 : memref<128xi32, #tpu.memory_space<vmem>>) semaphore(%arg19 : memref<!tpu.dma_semaphore, #tpu.memory_space<semaphore_mem>>) {add = true}
    %dma_start3A_79 = arith.constant 1 : i32
    %dma_start3A_80 = arith.constant 1 : i32
    %dma_start3A_81 = arith.constant 0 : i32
    %dma_start3A_82 = arith.constant 0 : i32
    %dma_start3A_83 = tpu.memref_slice %arg10[%dma_start3A_80, %dma_start3A_81, %dma_start3A_82] : memref<2x128x128xf32, #tpu.memory_space<vmem>> -> memref<1x128x128xf32, #tpu.memory_space<vmem>>
    %dma_start3A_84 = tpu.memref_squeeze %dma_start3A_83 : memref<1x128x128xf32, #tpu.memory_space<vmem>> -> memref<128x128xf32, #tpu.memory_space<vmem>>
    %dma_start3A_85 = arith.constant 0 : i32
    %dma_start3A_86 = tpu.memref_slice %arg8[%dma_start3A_79, %dma_start3A_85] : memref<40x128xi32, #tpu.memory_space<vmem>> -> memref<1x128xi32, #tpu.memory_space<vmem>>
    %dma_start3A_87 = tpu.memref_squeeze %dma_start3A_86 : memref<1x128xi32, #tpu.memory_space<vmem>> -> memref<128xi32, #tpu.memory_space<vmem>>
    %dma_start3A_88 = arith.constant 0 : i32
    %dma_start3A_89 = arith.constant 0 : i32
    %dma_start3A_90 = tpu.memref_slice %arg2[%dma_start3A_88, %dma_start3A_89] : memref<10240x128xf32, #tpu.memory_space<hbm>> -> memref<10240x128xf32, #tpu.memory_space<hbm>>
    tpu.enqueue_indirect_dma source(%dma_start3A_90 : memref<10240x128xf32, #tpu.memory_space<hbm>>) target(%dma_start3A_84 : memref<128x128xf32, #tpu.memory_space<vmem>>) offsets(%dma_start3A_87 : memref<128xi32, #tpu.memory_space<vmem>>) semaphore(%arg16 : memref<!tpu.dma_semaphore, #tpu.memory_space<semaphore_mem>>)
    %scan3A_91 = arith.constant 0 : i32
    %scan3A_92 = arith.constant 0 : i32
    %scan3A_93 = arith.constant 19 : i32
    %scan3A_94 = arith.addi %scan3A_92, %scan3A_93 : i32
    %scan3A_95 = arith.constant 1 : i32
    scf.for %scan3A_748 = %scan3A_92 to %scan3A_94 step %scan3A_95  : i32 {
      %mul3A_749 = arith.constant 2 : i32
      %mul3A_750 = arith.muli %mul3A_749, %scan3A_748 : i32
      %add3A_751 = arith.constant 1 : i32
      %add3A_752 = arith.addi %mul3A_750, %add3A_751 : i32
      %dma_wait3A_753 = arith.constant 1 : i32
      %dma_wait3A_754 = arith.constant 0 : i32
      %dma_wait3A_755 = arith.constant 0 : i32
      %dma_wait3A_756 = tpu.memref_slice %arg10[%dma_wait3A_753, %dma_wait3A_754, %dma_wait3A_755] : memref<2x128x128xf32, #tpu.memory_space<vmem>> -> memref<1x128x128xf32, #tpu.memory_space<vmem>>
      %dma_wait3A_757 = tpu.memref_squeeze %dma_wait3A_756 : memref<1x128x128xf32, #tpu.memory_space<vmem>> -> memref<128x128xf32, #tpu.memory_space<vmem>>
      %dma_wait3A_758 = arith.constant 0 : i32
      %dma_wait3A_759 = tpu.memref_slice %arg8[%add3A_752, %dma_wait3A_758] : memref<40x128xi32, #tpu.memory_space<vmem>> -> memref<1x128xi32, #tpu.memory_space<vmem>>
      %dma_wait3A_760 = tpu.memref_squeeze %dma_wait3A_759 : memref<1x128xi32, #tpu.memory_space<vmem>> -> memref<128xi32, #tpu.memory_space<vmem>>
      %dma_wait3A_761 = arith.constant 0 : i32
      %dma_wait3A_762 = arith.constant 0 : i32
      %dma_wait3A_763 = tpu.memref_slice %arg2[%dma_wait3A_761, %dma_wait3A_762] : memref<10240x128xf32, #tpu.memory_space<hbm>> -> memref<10240x128xf32, #tpu.memory_space<hbm>>
      tpu.wait_indirect_dma semaphore(%arg16 : memref<!tpu.dma_semaphore, #tpu.memory_space<semaphore_mem>>) src(%dma_wait3A_763 : memref<10240x128xf32, #tpu.memory_space<hbm>>) dst(%dma_wait3A_757 : memref<128x128xf32, #tpu.memory_space<vmem>>)
      %dma_start3A_764 = arith.constant 1 : i32
      %dma_start3A_765 = arith.constant 0 : i32
      %dma_start3A_766 = arith.constant 0 : i32
      %dma_start3A_767 = tpu.memref_slice %arg10[%dma_start3A_764, %dma_start3A_765, %dma_start3A_766] : memref<2x128x128xf32, #tpu.memory_space<vmem>> -> memref<1x128x128xf32, #tpu.memory_space<vmem>>
      %dma_start3A_768 = tpu.memref_squeeze %dma_start3A_767 : memref<1x128x128xf32, #tpu.memory_space<vmem>> -> memref<128x128xf32, #tpu.memory_space<vmem>>
      %dma_start3A_769 = arith.constant 0 : i32
      %dma_start3A_770 = tpu.memref_slice %arg9[%add3A_752, %dma_start3A_769] : memref<40x128xi32, #tpu.memory_space<vmem>> -> memref<1x128xi32, #tpu.memory_space<vmem>>
      %dma_start3A_771 = tpu.memref_squeeze %dma_start3A_770 : memref<1x128xi32, #tpu.memory_space<vmem>> -> memref<128xi32, #tpu.memory_space<vmem>>
      %dma_start3A_772 = arith.constant 0 : i32
      %dma_start3A_773 = arith.constant 0 : i32
      %dma_start3A_774 = tpu.memref_slice %arg13[%dma_start3A_772, %dma_start3A_773] : memref<10240x128xf32, #tpu.memory_space<vmem_shared>> -> memref<10240x128xf32, #tpu.memory_space<vmem_shared>>
      tpu.enqueue_indirect_dma source(%dma_start3A_768 : memref<128x128xf32, #tpu.memory_space<vmem>>) target(%dma_start3A_774 : memref<10240x128xf32, #tpu.memory_space<vmem_shared>>) offsets(%dma_start3A_771 : memref<128xi32, #tpu.memory_space<vmem>>) semaphore(%arg18 : memref<!tpu.dma_semaphore, #tpu.memory_space<semaphore_mem>>) {add = true}
      %dma_start3A_775 = arith.constant 0 : i32
      %dma_start3A_776 = tpu.memref_slice %arg9[%add3A_752, %dma_start3A_775] : memref<40x128xi32, #tpu.memory_space<vmem>> -> memref<1x128xi32, #tpu.memory_space<vmem>>
      %dma_start3A_777 = tpu.memref_squeeze %dma_start3A_776 : memref<1x128xi32, #tpu.memory_space<vmem>> -> memref<128xi32, #tpu.memory_space<vmem>>
      %dma_start3A_778 = arith.constant 0 : i32
      %dma_start3A_779 = tpu.memref_slice %arg14[%dma_start3A_778] : memref<10240xf32, #tpu.memory_space<vmem_shared>> -> memref<10240xf32, #tpu.memory_space<vmem_shared>>
      tpu.enqueue_indirect_dma source(%arg11 : memref<128xf32, #tpu.memory_space<vmem>>) target(%dma_start3A_779 : memref<10240xf32, #tpu.memory_space<vmem_shared>>) offsets(%dma_start3A_777 : memref<128xi32, #tpu.memory_space<vmem>>) semaphore(%arg19 : memref<!tpu.dma_semaphore, #tpu.memory_space<semaphore_mem>>) {add = true}
      %sub3A = arith.constant 1 : i32
      %sub3A_780 = arith.subi %add3A_752, %sub3A : i32
      %dma_wait3A_781 = arith.constant 0 : i32
      %dma_wait3A_782 = arith.constant 0 : i32
      %dma_wait3A_783 = arith.constant 0 : i32
      %dma_wait3A_784 = tpu.memref_slice %arg10[%dma_wait3A_781, %dma_wait3A_782, %dma_wait3A_783] : memref<2x128x128xf32, #tpu.memory_space<vmem>> -> memref<1x128x128xf32, #tpu.memory_space<vmem>>
      %dma_wait3A_785 = tpu.memref_squeeze %dma_wait3A_784 : memref<1x128x128xf32, #tpu.memory_space<vmem>> -> memref<128x128xf32, #tpu.memory_space<vmem>>
      %dma_wait3A_786 = arith.constant 0 : i32
      %dma_wait3A_787 = tpu.memref_slice %arg9[%sub3A_780, %dma_wait3A_786] : memref<40x128xi32, #tpu.memory_space<vmem>> -> memref<1x128xi32, #tpu.memory_space<vmem>>
      %dma_wait3A_788 = tpu.memref_squeeze %dma_wait3A_787 : memref<1x128xi32, #tpu.memory_space<vmem>> -> memref<128xi32, #tpu.memory_space<vmem>>
      %dma_wait3A_789 = arith.constant 0 : i32
      %dma_wait3A_790 = arith.constant 0 : i32
      %dma_wait3A_791 = tpu.memref_slice %arg13[%dma_wait3A_789, %dma_wait3A_790] : memref<10240x128xf32, #tpu.memory_space<vmem_shared>> -> memref<10240x128xf32, #tpu.memory_space<vmem_shared>>
      tpu.wait_indirect_dma semaphore(%arg17 : memref<!tpu.dma_semaphore, #tpu.memory_space<semaphore_mem>>) src(%dma_wait3A_785 : memref<128x128xf32, #tpu.memory_space<vmem>>) dst(%dma_wait3A_791 : memref<10240x128xf32, #tpu.memory_space<vmem_shared>>)
      %add3A_792 = arith.constant 1 : i32
      %add3A_793 = arith.addi %add3A_752, %add3A_792 : i32
      %dma_start3A_794 = arith.constant 0 : i32
      %dma_start3A_795 = arith.constant 0 : i32
      %dma_start3A_796 = arith.constant 0 : i32
      %dma_start3A_797 = tpu.memref_slice %arg10[%dma_start3A_794, %dma_start3A_795, %dma_start3A_796] : memref<2x128x128xf32, #tpu.memory_space<vmem>> -> memref<1x128x128xf32, #tpu.memory_space<vmem>>
      %dma_start3A_798 = tpu.memref_squeeze %dma_start3A_797 : memref<1x128x128xf32, #tpu.memory_space<vmem>> -> memref<128x128xf32, #tpu.memory_space<vmem>>
      %dma_start3A_799 = arith.constant 0 : i32
      %dma_start3A_800 = tpu.memref_slice %arg8[%add3A_793, %dma_start3A_799] : memref<40x128xi32, #tpu.memory_space<vmem>> -> memref<1x128xi32, #tpu.memory_space<vmem>>
      %dma_start3A_801 = tpu.memref_squeeze %dma_start3A_800 : memref<1x128xi32, #tpu.memory_space<vmem>> -> memref<128xi32, #tpu.memory_space<vmem>>
      %dma_start3A_802 = arith.constant 0 : i32
      %dma_start3A_803 = arith.constant 0 : i32
      %dma_start3A_804 = tpu.memref_slice %arg2[%dma_start3A_802, %dma_start3A_803] : memref<10240x128xf32, #tpu.memory_space<hbm>> -> memref<10240x128xf32, #tpu.memory_space<hbm>>
      tpu.enqueue_indirect_dma source(%dma_start3A_804 : memref<10240x128xf32, #tpu.memory_space<hbm>>) target(%dma_start3A_798 : memref<128x128xf32, #tpu.memory_space<vmem>>) offsets(%dma_start3A_801 : memref<128xi32, #tpu.memory_space<vmem>>) semaphore(%arg15 : memref<!tpu.dma_semaphore, #tpu.memory_space<semaphore_mem>>)
      %mul3A_805 = arith.constant 2 : i32
      %mul3A_806 = arith.muli %mul3A_805, %scan3A_748 : i32
      %add3A_807 = arith.constant 2 : i32
      %add3A_808 = arith.addi %mul3A_806, %add3A_807 : i32
      %dma_wait3A_809 = arith.constant 0 : i32
      %dma_wait3A_810 = arith.constant 0 : i32
      %dma_wait3A_811 = arith.constant 0 : i32
      %dma_wait3A_812 = tpu.memref_slice %arg10[%dma_wait3A_809, %dma_wait3A_810, %dma_wait3A_811] : memref<2x128x128xf32, #tpu.memory_space<vmem>> -> memref<1x128x128xf32, #tpu.memory_space<vmem>>
      %dma_wait3A_813 = tpu.memref_squeeze %dma_wait3A_812 : memref<1x128x128xf32, #tpu.memory_space<vmem>> -> memref<128x128xf32, #tpu.memory_space<vmem>>
      %dma_wait3A_814 = arith.constant 0 : i32
      %dma_wait3A_815 = tpu.memref_slice %arg8[%add3A_808, %dma_wait3A_814] : memref<40x128xi32, #tpu.memory_space<vmem>> -> memref<1x128xi32, #tpu.memory_space<vmem>>
      %dma_wait3A_816 = tpu.memref_squeeze %dma_wait3A_815 : memref<1x128xi32, #tpu.memory_space<vmem>> -> memref<128xi32, #tpu.memory_space<vmem>>
      %dma_wait3A_817 = arith.constant 0 : i32
      %dma_wait3A_818 = arith.constant 0 : i32
      %dma_wait3A_819 = tpu.memref_slice %arg2[%dma_wait3A_817, %dma_wait3A_818] : memref<10240x128xf32, #tpu.memory_space<hbm>> -> memref<10240x128xf32, #tpu.memory_space<hbm>>
      tpu.wait_indirect_dma semaphore(%arg15 : memref<!tpu.dma_semaphore, #tpu.memory_space<semaphore_mem>>) src(%dma_wait3A_819 : memref<10240x128xf32, #tpu.memory_space<hbm>>) dst(%dma_wait3A_813 : memref<128x128xf32, #tpu.memory_space<vmem>>)
      %dma_start3A_820 = arith.constant 0 : i32
      %dma_start3A_821 = arith.constant 0 : i32
      %dma_start3A_822 = arith.constant 0 : i32
      %dma_start3A_823 = tpu.memref_slice %arg10[%dma_start3A_820, %dma_start3A_821, %dma_start3A_822] : memref<2x128x128xf32, #tpu.memory_space<vmem>> -> memref<1x128x128xf32, #tpu.memory_space<vmem>>
      %dma_start3A_824 = tpu.memref_squeeze %dma_start3A_823 : memref<1x128x128xf32, #tpu.memory_space<vmem>> -> memref<128x128xf32, #tpu.memory_space<vmem>>
      %dma_start3A_825 = arith.constant 0 : i32
      %dma_start3A_826 = tpu.memref_slice %arg9[%add3A_808, %dma_start3A_825] : memref<40x128xi32, #tpu.memory_space<vmem>> -> memref<1x128xi32, #tpu.memory_space<vmem>>
      %dma_start3A_827 = tpu.memref_squeeze %dma_start3A_826 : memref<1x128xi32, #tpu.memory_space<vmem>> -> memref<128xi32, #tpu.memory_space<vmem>>
      %dma_start3A_828 = arith.constant 0 : i32
      %dma_start3A_829 = arith.constant 0 : i32
      %dma_start3A_830 = tpu.memref_slice %arg13[%dma_start3A_828, %dma_start3A_829] : memref<10240x128xf32, #tpu.memory_space<vmem_shared>> -> memref<10240x128xf32, #tpu.memory_space<vmem_shared>>
      tpu.enqueue_indirect_dma source(%dma_start3A_824 : memref<128x128xf32, #tpu.memory_space<vmem>>) target(%dma_start3A_830 : memref<10240x128xf32, #tpu.memory_space<vmem_shared>>) offsets(%dma_start3A_827 : memref<128xi32, #tpu.memory_space<vmem>>) semaphore(%arg17 : memref<!tpu.dma_semaphore, #tpu.memory_space<semaphore_mem>>) {add = true}
      %dma_start3A_831 = arith.constant 0 : i32
      %dma_start3A_832 = tpu.memref_slice %arg9[%add3A_808, %dma_start3A_831] : memref<40x128xi32, #tpu.memory_space<vmem>> -> memref<1x128xi32, #tpu.memory_space<vmem>>
      %dma_start3A_833 = tpu.memref_squeeze %dma_start3A_832 : memref<1x128xi32, #tpu.memory_space<vmem>> -> memref<128xi32, #tpu.memory_space<vmem>>
      %dma_start3A_834 = arith.constant 0 : i32
      %dma_start3A_835 = tpu.memref_slice %arg14[%dma_start3A_834] : memref<10240xf32, #tpu.memory_space<vmem_shared>> -> memref<10240xf32, #tpu.memory_space<vmem_shared>>
      tpu.enqueue_indirect_dma source(%arg11 : memref<128xf32, #tpu.memory_space<vmem>>) target(%dma_start3A_835 : memref<10240xf32, #tpu.memory_space<vmem_shared>>) offsets(%dma_start3A_833 : memref<128xi32, #tpu.memory_space<vmem>>) semaphore(%arg19 : memref<!tpu.dma_semaphore, #tpu.memory_space<semaphore_mem>>) {add = true}
      %sub3A_836 = arith.constant 1 : i32
      %sub3A_837 = arith.subi %add3A_808, %sub3A_836 : i32
      %dma_wait3A_838 = arith.constant 1 : i32
      %dma_wait3A_839 = arith.constant 0 : i32
      %dma_wait3A_840 = arith.constant 0 : i32
      %dma_wait3A_841 = tpu.memref_slice %arg10[%dma_wait3A_838, %dma_wait3A_839, %dma_wait3A_840] : memref<2x128x128xf32, #tpu.memory_space<vmem>> -> memref<1x128x128xf32, #tpu.memory_space<vmem>>
      %dma_wait3A_842 = tpu.memref_squeeze %dma_wait3A_841 : memref<1x128x128xf32, #tpu.memory_space<vmem>> -> memref<128x128xf32, #tpu.memory_space<vmem>>
      %dma_wait3A_843 = arith.constant 0 : i32
      %dma_wait3A_844 = tpu.memref_slice %arg9[%sub3A_837, %dma_wait3A_843] : memref<40x128xi32, #tpu.memory_space<vmem>> -> memref<1x128xi32, #tpu.memory_space<vmem>>
      %dma_wait3A_845 = tpu.memref_squeeze %dma_wait3A_844 : memref<1x128xi32, #tpu.memory_space<vmem>> -> memref<128xi32, #tpu.memory_space<vmem>>
      %dma_wait3A_846 = arith.constant 0 : i32
      %dma_wait3A_847 = arith.constant 0 : i32
      %dma_wait3A_848 = tpu.memref_slice %arg13[%dma_wait3A_846, %dma_wait3A_847] : memref<10240x128xf32, #tpu.memory_space<vmem_shared>> -> memref<10240x128xf32, #tpu.memory_space<vmem_shared>>
      tpu.wait_indirect_dma semaphore(%arg18 : memref<!tpu.dma_semaphore, #tpu.memory_space<semaphore_mem>>) src(%dma_wait3A_842 : memref<128x128xf32, #tpu.memory_space<vmem>>) dst(%dma_wait3A_848 : memref<10240x128xf32, #tpu.memory_space<vmem_shared>>)
      %add3A_849 = arith.constant 1 : i32
      %add3A_850 = arith.addi %add3A_808, %add3A_849 : i32
      %dma_start3A_851 = arith.constant 1 : i32
      %dma_start3A_852 = arith.constant 0 : i32
      %dma_start3A_853 = arith.constant 0 : i32
      %dma_start3A_854 = tpu.memref_slice %arg10[%dma_start3A_851, %dma_start3A_852, %dma_start3A_853] : memref<2x128x128xf32, #tpu.memory_space<vmem>> -> memref<1x128x128xf32, #tpu.memory_space<vmem>>
      %dma_start3A_855 = tpu.memref_squeeze %dma_start3A_854 : memref<1x128x128xf32, #tpu.memory_space<vmem>> -> memref<128x128xf32, #tpu.memory_space<vmem>>
      %dma_start3A_856 = arith.constant 0 : i32
      %dma_start3A_857 = tpu.memref_slice %arg8[%add3A_850, %dma_start3A_856] : memref<40x128xi32, #tpu.memory_space<vmem>> -> memref<1x128xi32, #tpu.memory_space<vmem>>
      %dma_start3A_858 = tpu.memref_squeeze %dma_start3A_857 : memref<1x128xi32, #tpu.memory_space<vmem>> -> memref<128xi32, #tpu.memory_space<vmem>>
      %dma_start3A_859 = arith.constant 0 : i32
      %dma_start3A_860 = arith.constant 0 : i32
      %dma_start3A_861 = tpu.memref_slice %arg2[%dma_start3A_859, %dma_start3A_860] : memref<10240x128xf32, #tpu.memory_space<hbm>> -> memref<10240x128xf32, #tpu.memory_space<hbm>>
      tpu.enqueue_indirect_dma source(%dma_start3A_861 : memref<10240x128xf32, #tpu.memory_space<hbm>>) target(%dma_start3A_855 : memref<128x128xf32, #tpu.memory_space<vmem>>) offsets(%dma_start3A_858 : memref<128xi32, #tpu.memory_space<vmem>>) semaphore(%arg16 : memref<!tpu.dma_semaphore, #tpu.memory_space<semaphore_mem>>)
    }
    %scan3A_96 = arith.constant 19 : i32
    %dma_wait3A_97 = arith.constant 39 : i32
    %dma_wait3A_98 = arith.constant 1 : i32
    %dma_wait3A_99 = arith.constant 0 : i32
    %dma_wait3A_100 = arith.constant 0 : i32
    %dma_wait3A_101 = tpu.memref_slice %arg10[%dma_wait3A_98, %dma_wait3A_99, %dma_wait3A_100] : memref<2x128x128xf32, #tpu.memory_space<vmem>> -> memref<1x128x128xf32, #tpu.memory_space<vmem>>
    %dma_wait3A_102 = tpu.memref_squeeze %dma_wait3A_101 : memref<1x128x128xf32, #tpu.memory_space<vmem>> -> memref<128x128xf32, #tpu.memory_space<vmem>>
    %dma_wait3A_103 = arith.constant 0 : i32
    %dma_wait3A_104 = tpu.memref_slice %arg8[%dma_wait3A_97, %dma_wait3A_103] : memref<40x128xi32, #tpu.memory_space<vmem>> -> memref<1x128xi32, #tpu.memory_space<vmem>>
    %dma_wait3A_105 = tpu.memref_squeeze %dma_wait3A_104 : memref<1x128xi32, #tpu.memory_space<vmem>> -> memref<128xi32, #tpu.memory_space<vmem>>
    %dma_wait3A_106 = arith.constant 0 : i32
    %dma_wait3A_107 = arith.constant 0 : i32
    %dma_wait3A_108 = tpu.memref_slice %arg2[%dma_wait3A_106, %dma_wait3A_107] : memref<10240x128xf32, #tpu.memory_space<hbm>> -> memref<10240x128xf32, #tpu.memory_space<hbm>>
    tpu.wait_indirect_dma semaphore(%arg16 : memref<!tpu.dma_semaphore, #tpu.memory_space<semaphore_mem>>) src(%dma_wait3A_108 : memref<10240x128xf32, #tpu.memory_space<hbm>>) dst(%dma_wait3A_102 : memref<128x128xf32, #tpu.memory_space<vmem>>)
    %dma_start3A_109 = arith.constant 1 : i32
    %dma_start3A_110 = arith.constant 39 : i32
    %dma_start3A_111 = arith.constant 0 : i32
    %dma_start3A_112 = arith.constant 0 : i32
    %dma_start3A_113 = tpu.memref_slice %arg10[%dma_start3A_109, %dma_start3A_111, %dma_start3A_112] : memref<2x128x128xf32, #tpu.memory_space<vmem>> -> memref<1x128x128xf32, #tpu.memory_space<vmem>>
    %dma_start3A_114 = tpu.memref_squeeze %dma_start3A_113 : memref<1x128x128xf32, #tpu.memory_space<vmem>> -> memref<128x128xf32, #tpu.memory_space<vmem>>
    %dma_start3A_115 = arith.constant 0 : i32
    %dma_start3A_116 = tpu.memref_slice %arg9[%dma_start3A_110, %dma_start3A_115] : memref<40x128xi32, #tpu.memory_space<vmem>> -> memref<1x128xi32, #tpu.memory_space<vmem>>
    %dma_start3A_117 = tpu.memref_squeeze %dma_start3A_116 : memref<1x128xi32, #tpu.memory_space<vmem>> -> memref<128xi32, #tpu.memory_space<vmem>>
    %dma_start3A_118 = arith.constant 0 : i32
    %dma_start3A_119 = arith.constant 0 : i32
    %dma_start3A_120 = tpu.memref_slice %arg13[%dma_start3A_118, %dma_start3A_119] : memref<10240x128xf32, #tpu.memory_space<vmem_shared>> -> memref<10240x128xf32, #tpu.memory_space<vmem_shared>>
    tpu.enqueue_indirect_dma source(%dma_start3A_114 : memref<128x128xf32, #tpu.memory_space<vmem>>) target(%dma_start3A_120 : memref<10240x128xf32, #tpu.memory_space<vmem_shared>>) offsets(%dma_start3A_117 : memref<128xi32, #tpu.memory_space<vmem>>) semaphore(%arg18 : memref<!tpu.dma_semaphore, #tpu.memory_space<semaphore_mem>>) {add = true}
    %dma_start3A_121 = arith.constant 39 : i32
    %dma_start3A_122 = arith.constant 0 : i32
    %dma_start3A_123 = tpu.memref_slice %arg9[%dma_start3A_121, %dma_start3A_122] : memref<40x128xi32, #tpu.memory_space<vmem>> -> memref<1x128xi32, #tpu.memory_space<vmem>>
    %dma_start3A_124 = tpu.memref_squeeze %dma_start3A_123 : memref<1x128xi32, #tpu.memory_space<vmem>> -> memref<128xi32, #tpu.memory_space<vmem>>
    %dma_start3A_125 = arith.constant 0 : i32
    %dma_start3A_126 = tpu.memref_slice %arg14[%dma_start3A_125] : memref<10240xf32, #tpu.memory_space<vmem_shared>> -> memref<10240xf32, #tpu.memory_space<vmem_shared>>
    tpu.enqueue_indirect_dma source(%arg11 : memref<128xf32, #tpu.memory_space<vmem>>) target(%dma_start3A_126 : memref<10240xf32, #tpu.memory_space<vmem_shared>>) offsets(%dma_start3A_124 : memref<128xi32, #tpu.memory_space<vmem>>) semaphore(%arg19 : memref<!tpu.dma_semaphore, #tpu.memory_space<semaphore_mem>>) {add = true}
    %dma_wait3A_127 = arith.constant 0 : i32
    %dma_wait3A_128 = arith.constant 38 : i32
    %dma_wait3A_129 = arith.constant 0 : i32
    %dma_wait3A_130 = arith.constant 0 : i32
    %dma_wait3A_131 = tpu.memref_slice %arg10[%dma_wait3A_127, %dma_wait3A_129, %dma_wait3A_130] : memref<2x128x128xf32, #tpu.memory_space<vmem>> -> memref<1x128x128xf32, #tpu.memory_space<vmem>>
    %dma_wait3A_132 = tpu.memref_squeeze %dma_wait3A_131 : memref<1x128x128xf32, #tpu.memory_space<vmem>> -> memref<128x128xf32, #tpu.memory_space<vmem>>
    %dma_wait3A_133 = arith.constant 0 : i32
    %dma_wait3A_134 = tpu.memref_slice %arg9[%dma_wait3A_128, %dma_wait3A_133] : memref<40x128xi32, #tpu.memory_space<vmem>> -> memref<1x128xi32, #tpu.memory_space<vmem>>
    %dma_wait3A_135 = tpu.memref_squeeze %dma_wait3A_134 : memref<1x128xi32, #tpu.memory_space<vmem>> -> memref<128xi32, #tpu.memory_space<vmem>>
    %dma_wait3A_136 = arith.constant 0 : i32
    %dma_wait3A_137 = arith.constant 0 : i32
    %dma_wait3A_138 = tpu.memref_slice %arg13[%dma_wait3A_136, %dma_wait3A_137] : memref<10240x128xf32, #tpu.memory_space<vmem_shared>> -> memref<10240x128xf32, #tpu.memory_space<vmem_shared>>
    tpu.wait_indirect_dma semaphore(%arg17 : memref<!tpu.dma_semaphore, #tpu.memory_space<semaphore_mem>>) src(%dma_wait3A_132 : memref<128x128xf32, #tpu.memory_space<vmem>>) dst(%dma_wait3A_138 : memref<10240x128xf32, #tpu.memory_space<vmem_shared>>)
    %dma_wait3A_139 = arith.constant 1 : i32
    %dma_wait3A_140 = arith.constant 39 : i32
    %dma_wait3A_141 = arith.constant 0 : i32
    %dma_wait3A_142 = arith.constant 0 : i32
    %dma_wait3A_143 = tpu.memref_slice %arg10[%dma_wait3A_139, %dma_wait3A_141, %dma_wait3A_142] : memref<2x128x128xf32, #tpu.memory_space<vmem>> -> memref<1x128x128xf32, #tpu.memory_space<vmem>>
    %dma_wait3A_144 = tpu.memref_squeeze %dma_wait3A_143 : memref<1x128x128xf32, #tpu.memory_space<vmem>> -> memref<128x128xf32, #tpu.memory_space<vmem>>
    %dma_wait3A_145 = arith.constant 0 : i32
    %dma_wait3A_146 = tpu.memref_slice %arg9[%dma_wait3A_140, %dma_wait3A_145] : memref<40x128xi32, #tpu.memory_space<vmem>> -> memref<1x128xi32, #tpu.memory_space<vmem>>
    %dma_wait3A_147 = tpu.memref_squeeze %dma_wait3A_146 : memref<1x128xi32, #tpu.memory_space<vmem>> -> memref<128xi32, #tpu.memory_space<vmem>>
    %dma_wait3A_148 = arith.constant 0 : i32
    %dma_wait3A_149 = arith.constant 0 : i32
    %dma_wait3A_150 = tpu.memref_slice %arg13[%dma_wait3A_148, %dma_wait3A_149] : memref<10240x128xf32, #tpu.memory_space<vmem_shared>> -> memref<10240x128xf32, #tpu.memory_space<vmem_shared>>
    tpu.wait_indirect_dma semaphore(%arg18 : memref<!tpu.dma_semaphore, #tpu.memory_space<semaphore_mem>>) src(%dma_wait3A_144 : memref<128x128xf32, #tpu.memory_space<vmem>>) dst(%dma_wait3A_150 : memref<10240x128xf32, #tpu.memory_space<vmem_shared>>)
    %dma_wait3A_151 = arith.constant 0 : i32
    %dma_wait3A_152 = arith.constant 0 : i32
    %dma_wait3A_153 = tpu.memref_slice %arg9[%dma_wait3A_151, %dma_wait3A_152] : memref<40x128xi32, #tpu.memory_space<vmem>> -> memref<1x128xi32, #tpu.memory_space<vmem>>
    %dma_wait3A_154 = tpu.memref_squeeze %dma_wait3A_153 : memref<1x128xi32, #tpu.memory_space<vmem>> -> memref<128xi32, #tpu.memory_space<vmem>>
    %dma_wait3A_155 = arith.constant 0 : i32
    %dma_wait3A_156 = tpu.memref_slice %arg14[%dma_wait3A_155] : memref<10240xf32, #tpu.memory_space<vmem_shared>> -> memref<10240xf32, #tpu.memory_space<vmem_shared>>
    tpu.wait_indirect_dma semaphore(%arg19 : memref<!tpu.dma_semaphore, #tpu.memory_space<semaphore_mem>>) src(%arg11 : memref<128xf32, #tpu.memory_space<vmem>>) dst(%dma_wait3A_156 : memref<10240xf32, #tpu.memory_space<vmem_shared>>)
    %dma_wait3A_157 = arith.constant 0 : i32
    %dma_wait3A_158 = arith.constant 0 : i32
    %dma_wait3A_159 = tpu.memref_slice %arg9[%dma_wait3A_157, %dma_wait3A_158] : memref<40x128xi32, #tpu.memory_space<vmem>> -> memref<1x128xi32, #tpu.memory_space<vmem>>
    %dma_wait3A_160 = tpu.memref_squeeze %dma_wait3A_159 : memref<1x128xi32, #tpu.memory_space<vmem>> -> memref<128xi32, #tpu.memory_space<vmem>>
    %dma_wait3A_161 = arith.constant 0 : i32
    %dma_wait3A_162 = tpu.memref_slice %arg14[%dma_wait3A_161] : memref<10240xf32, #tpu.memory_space<vmem_shared>> -> memref<10240xf32, #tpu.memory_space<vmem_shared>>
    tpu.wait_indirect_dma semaphore(%arg19 : memref<!tpu.dma_semaphore, #tpu.memory_space<semaphore_mem>>) src(%arg11 : memref<128xf32, #tpu.memory_space<vmem>>) dst(%dma_wait3A_162 : memref<10240xf32, #tpu.memory_space<vmem_shared>>)
    %dma_wait3A_163 = arith.constant 0 : i32
    %dma_wait3A_164 = arith.constant 0 : i32
    %dma_wait3A_165 = tpu.memref_slice %arg9[%dma_wait3A_163, %dma_wait3A_164] : memref<40x128xi32, #tpu.memory_space<vmem>> -> memref<1x128xi32, #tpu.memory_space<vmem>>
    %dma_wait3A_166 = tpu.memref_squeeze %dma_wait3A_165 : memref<1x128xi32, #tpu.memory_space<vmem>> -> memref<128xi32, #tpu.memory_space<vmem>>
    %dma_wait3A_167 = arith.constant 0 : i32
    %dma_wait3A_168 = tpu.memref_slice %arg14[%dma_wait3A_167] : memref<10240xf32, #tpu.memory_space<vmem_shared>> -> memref<10240xf32, #tpu.memory_space<vmem_shared>>
    tpu.wait_indirect_dma semaphore(%arg19 : memref<!tpu.dma_semaphore, #tpu.memory_space<semaphore_mem>>) src(%arg11 : memref<128xf32, #tpu.memory_space<vmem>>) dst(%dma_wait3A_168 : memref<10240xf32, #tpu.memory_space<vmem_shared>>)
    %dma_wait3A_169 = arith.constant 0 : i32
    %dma_wait3A_170 = arith.constant 0 : i32
    %dma_wait3A_171 = tpu.memref_slice %arg9[%dma_wait3A_169, %dma_wait3A_170] : memref<40x128xi32, #tpu.memory_space<vmem>> -> memref<1x128xi32, #tpu.memory_space<vmem>>
    %dma_wait3A_172 = tpu.memref_squeeze %dma_wait3A_171 : memref<1x128xi32, #tpu.memory_space<vmem>> -> memref<128xi32, #tpu.memory_space<vmem>>
    %dma_wait3A_173 = arith.constant 0 : i32
    %dma_wait3A_174 = tpu.memref_slice %arg14[%dma_wait3A_173] : memref<10240xf32, #tpu.memory_space<vmem_shared>> -> memref<10240xf32, #tpu.memory_space<vmem_shared>>
    tpu.wait_indirect_dma semaphore(%arg19 : memref<!tpu.dma_semaphore, #tpu.memory_space<semaphore_mem>>) src(%arg11 : memref<128xf32, #tpu.memory_space<vmem>>) dst(%dma_wait3A_174 : memref<10240xf32, #tpu.memory_space<vmem_shared>>)
    %dma_wait3A_175 = arith.constant 0 : i32
    %dma_wait3A_176 = arith.constant 0 : i32
    %dma_wait3A_177 = tpu.memref_slice %arg9[%dma_wait3A_175, %dma_wait3A_176] : memref<40x128xi32, #tpu.memory_space<vmem>> -> memref<1x128xi32, #tpu.memory_space<vmem>>
    %dma_wait3A_178 = tpu.memref_squeeze %dma_wait3A_177 : memref<1x128xi32, #tpu.memory_space<vmem>> -> memref<128xi32, #tpu.memory_space<vmem>>
    %dma_wait3A_179 = arith.constant 0 : i32
    %dma_wait3A_180 = tpu.memref_slice %arg14[%dma_wait3A_179] : memref<10240xf32, #tpu.memory_space<vmem_shared>> -> memref<10240xf32, #tpu.memory_space<vmem_shared>>
    tpu.wait_indirect_dma semaphore(%arg19 : memref<!tpu.dma_semaphore, #tpu.memory_space<semaphore_mem>>) src(%arg11 : memref<128xf32, #tpu.memory_space<vmem>>) dst(%dma_wait3A_180 : memref<10240xf32, #tpu.memory_space<vmem_shared>>)
    %dma_wait3A_181 = arith.constant 0 : i32
    %dma_wait3A_182 = arith.constant 0 : i32
    %dma_wait3A_183 = tpu.memref_slice %arg9[%dma_wait3A_181, %dma_wait3A_182] : memref<40x128xi32, #tpu.memory_space<vmem>> -> memref<1x128xi32, #tpu.memory_space<vmem>>
    %dma_wait3A_184 = tpu.memref_squeeze %dma_wait3A_183 : memref<1x128xi32, #tpu.memory_space<vmem>> -> memref<128xi32, #tpu.memory_space<vmem>>
    %dma_wait3A_185 = arith.constant 0 : i32
    %dma_wait3A_186 = tpu.memref_slice %arg14[%dma_wait3A_185] : memref<10240xf32, #tpu.memory_space<vmem_shared>> -> memref<10240xf32, #tpu.memory_space<vmem_shared>>
    tpu.wait_indirect_dma semaphore(%arg19 : memref<!tpu.dma_semaphore, #tpu.memory_space<semaphore_mem>>) src(%arg11 : memref<128xf32, #tpu.memory_space<vmem>>) dst(%dma_wait3A_186 : memref<10240xf32, #tpu.memory_space<vmem_shared>>)
    %dma_wait3A_187 = arith.constant 0 : i32
    %dma_wait3A_188 = arith.constant 0 : i32
    %dma_wait3A_189 = tpu.memref_slice %arg9[%dma_wait3A_187, %dma_wait3A_188] : memref<40x128xi32, #tpu.memory_space<vmem>> -> memref<1x128xi32, #tpu.memory_space<vmem>>
    %dma_wait3A_190 = tpu.memref_squeeze %dma_wait3A_189 : memref<1x128xi32, #tpu.memory_space<vmem>> -> memref<128xi32, #tpu.memory_space<vmem>>
    %dma_wait3A_191 = arith.constant 0 : i32
    %dma_wait3A_192 = tpu.memref_slice %arg14[%dma_wait3A_191] : memref<10240xf32, #tpu.memory_space<vmem_shared>> -> memref<10240xf32, #tpu.memory_space<vmem_shared>>
    tpu.wait_indirect_dma semaphore(%arg19 : memref<!tpu.dma_semaphore, #tpu.memory_space<semaphore_mem>>) src(%arg11 : memref<128xf32, #tpu.memory_space<vmem>>) dst(%dma_wait3A_192 : memref<10240xf32, #tpu.memory_space<vmem_shared>>)
    %dma_wait3A_193 = arith.constant 0 : i32
    %dma_wait3A_194 = arith.constant 0 : i32
    %dma_wait3A_195 = tpu.memref_slice %arg9[%dma_wait3A_193, %dma_wait3A_194] : memref<40x128xi32, #tpu.memory_space<vmem>> -> memref<1x128xi32, #tpu.memory_space<vmem>>
    %dma_wait3A_196 = tpu.memref_squeeze %dma_wait3A_195 : memref<1x128xi32, #tpu.memory_space<vmem>> -> memref<128xi32, #tpu.memory_space<vmem>>
    %dma_wait3A_197 = arith.constant 0 : i32
    %dma_wait3A_198 = tpu.memref_slice %arg14[%dma_wait3A_197] : memref<10240xf32, #tpu.memory_space<vmem_shared>> -> memref<10240xf32, #tpu.memory_space<vmem_shared>>
    tpu.wait_indirect_dma semaphore(%arg19 : memref<!tpu.dma_semaphore, #tpu.memory_space<semaphore_mem>>) src(%arg11 : memref<128xf32, #tpu.memory_space<vmem>>) dst(%dma_wait3A_198 : memref<10240xf32, #tpu.memory_space<vmem_shared>>)
    %dma_wait3A_199 = arith.constant 0 : i32
    %dma_wait3A_200 = arith.constant 0 : i32
    %dma_wait3A_201 = tpu.memref_slice %arg9[%dma_wait3A_199, %dma_wait3A_200] : memref<40x128xi32, #tpu.memory_space<vmem>> -> memref<1x128xi32, #tpu.memory_space<vmem>>
    %dma_wait3A_202 = tpu.memref_squeeze %dma_wait3A_201 : memref<1x128xi32, #tpu.memory_space<vmem>> -> memref<128xi32, #tpu.memory_space<vmem>>
    %dma_wait3A_203 = arith.constant 0 : i32
    %dma_wait3A_204 = tpu.memref_slice %arg14[%dma_wait3A_203] : memref<10240xf32, #tpu.memory_space<vmem_shared>> -> memref<10240xf32, #tpu.memory_space<vmem_shared>>
    tpu.wait_indirect_dma semaphore(%arg19 : memref<!tpu.dma_semaphore, #tpu.memory_space<semaphore_mem>>) src(%arg11 : memref<128xf32, #tpu.memory_space<vmem>>) dst(%dma_wait3A_204 : memref<10240xf32, #tpu.memory_space<vmem_shared>>)
    %dma_wait3A_205 = arith.constant 0 : i32
    %dma_wait3A_206 = arith.constant 0 : i32
    %dma_wait3A_207 = tpu.memref_slice %arg9[%dma_wait3A_205, %dma_wait3A_206] : memref<40x128xi32, #tpu.memory_space<vmem>> -> memref<1x128xi32, #tpu.memory_space<vmem>>
    %dma_wait3A_208 = tpu.memref_squeeze %dma_wait3A_207 : memref<1x128xi32, #tpu.memory_space<vmem>> -> memref<128xi32, #tpu.memory_space<vmem>>
    %dma_wait3A_209 = arith.constant 0 : i32
    %dma_wait3A_210 = tpu.memref_slice %arg14[%dma_wait3A_209] : memref<10240xf32, #tpu.memory_space<vmem_shared>> -> memref<10240xf32, #tpu.memory_space<vmem_shared>>
    tpu.wait_indirect_dma semaphore(%arg19 : memref<!tpu.dma_semaphore, #tpu.memory_space<semaphore_mem>>) src(%arg11 : memref<128xf32, #tpu.memory_space<vmem>>) dst(%dma_wait3A_210 : memref<10240xf32, #tpu.memory_space<vmem_shared>>)
    %dma_wait3A_211 = arith.constant 0 : i32
    %dma_wait3A_212 = arith.constant 0 : i32
    %dma_wait3A_213 = tpu.memref_slice %arg9[%dma_wait3A_211, %dma_wait3A_212] : memref<40x128xi32, #tpu.memory_space<vmem>> -> memref<1x128xi32, #tpu.memory_space<vmem>>
    %dma_wait3A_214 = tpu.memref_squeeze %dma_wait3A_213 : memref<1x128xi32, #tpu.memory_space<vmem>> -> memref<128xi32, #tpu.memory_space<vmem>>
    %dma_wait3A_215 = arith.constant 0 : i32
    %dma_wait3A_216 = tpu.memref_slice %arg14[%dma_wait3A_215] : memref<10240xf32, #tpu.memory_space<vmem_shared>> -> memref<10240xf32, #tpu.memory_space<vmem_shared>>
    tpu.wait_indirect_dma semaphore(%arg19 : memref<!tpu.dma_semaphore, #tpu.memory_space<semaphore_mem>>) src(%arg11 : memref<128xf32, #tpu.memory_space<vmem>>) dst(%dma_wait3A_216 : memref<10240xf32, #tpu.memory_space<vmem_shared>>)
    %dma_wait3A_217 = arith.constant 0 : i32
    %dma_wait3A_218 = arith.constant 0 : i32
    %dma_wait3A_219 = tpu.memref_slice %arg9[%dma_wait3A_217, %dma_wait3A_218] : memref<40x128xi32, #tpu.memory_space<vmem>> -> memref<1x128xi32, #tpu.memory_space<vmem>>
    %dma_wait3A_220 = tpu.memref_squeeze %dma_wait3A_219 : memref<1x128xi32, #tpu.memory_space<vmem>> -> memref<128xi32, #tpu.memory_space<vmem>>
    %dma_wait3A_221 = arith.constant 0 : i32
    %dma_wait3A_222 = tpu.memref_slice %arg14[%dma_wait3A_221] : memref<10240xf32, #tpu.memory_space<vmem_shared>> -> memref<10240xf32, #tpu.memory_space<vmem_shared>>
    tpu.wait_indirect_dma semaphore(%arg19 : memref<!tpu.dma_semaphore, #tpu.memory_space<semaphore_mem>>) src(%arg11 : memref<128xf32, #tpu.memory_space<vmem>>) dst(%dma_wait3A_222 : memref<10240xf32, #tpu.memory_space<vmem_shared>>)
    %dma_wait3A_223 = arith.constant 0 : i32
    %dma_wait3A_224 = arith.constant 0 : i32
    %dma_wait3A_225 = tpu.memref_slice %arg9[%dma_wait3A_223, %dma_wait3A_224] : memref<40x128xi32, #tpu.memory_space<vmem>> -> memref<1x128xi32, #tpu.memory_space<vmem>>
    %dma_wait3A_226 = tpu.memref_squeeze %dma_wait3A_225 : memref<1x128xi32, #tpu.memory_space<vmem>> -> memref<128xi32, #tpu.memory_space<vmem>>
    %dma_wait3A_227 = arith.constant 0 : i32
    %dma_wait3A_228 = tpu.memref_slice %arg14[%dma_wait3A_227] : memref<10240xf32, #tpu.memory_space<vmem_shared>> -> memref<10240xf32, #tpu.memory_space<vmem_shared>>
    tpu.wait_indirect_dma semaphore(%arg19 : memref<!tpu.dma_semaphore, #tpu.memory_space<semaphore_mem>>) src(%arg11 : memref<128xf32, #tpu.memory_space<vmem>>) dst(%dma_wait3A_228 : memref<10240xf32, #tpu.memory_space<vmem_shared>>)
    %dma_wait3A_229 = arith.constant 0 : i32
    %dma_wait3A_230 = arith.constant 0 : i32
    %dma_wait3A_231 = tpu.memref_slice %arg9[%dma_wait3A_229, %dma_wait3A_230] : memref<40x128xi32, #tpu.memory_space<vmem>> -> memref<1x128xi32, #tpu.memory_space<vmem>>
    %dma_wait3A_232 = tpu.memref_squeeze %dma_wait3A_231 : memref<1x128xi32, #tpu.memory_space<vmem>> -> memref<128xi32, #tpu.memory_space<vmem>>
    %dma_wait3A_233 = arith.constant 0 : i32
    %dma_wait3A_234 = tpu.memref_slice %arg14[%dma_wait3A_233] : memref<10240xf32, #tpu.memory_space<vmem_shared>> -> memref<10240xf32, #tpu.memory_space<vmem_shared>>
    tpu.wait_indirect_dma semaphore(%arg19 : memref<!tpu.dma_semaphore, #tpu.memory_space<semaphore_mem>>) src(%arg11 : memref<128xf32, #tpu.memory_space<vmem>>) dst(%dma_wait3A_234 : memref<10240xf32, #tpu.memory_space<vmem_shared>>)
    %dma_wait3A_235 = arith.constant 0 : i32
    %dma_wait3A_236 = arith.constant 0 : i32
    %dma_wait3A_237 = tpu.memref_slice %arg9[%dma_wait3A_235, %dma_wait3A_236] : memref<40x128xi32, #tpu.memory_space<vmem>> -> memref<1x128xi32, #tpu.memory_space<vmem>>
    %dma_wait3A_238 = tpu.memref_squeeze %dma_wait3A_237 : memref<1x128xi32, #tpu.memory_space<vmem>> -> memref<128xi32, #tpu.memory_space<vmem>>
    %dma_wait3A_239 = arith.constant 0 : i32
    %dma_wait3A_240 = tpu.memref_slice %arg14[%dma_wait3A_239] : memref<10240xf32, #tpu.memory_space<vmem_shared>> -> memref<10240xf32, #tpu.memory_space<vmem_shared>>
    tpu.wait_indirect_dma semaphore(%arg19 : memref<!tpu.dma_semaphore, #tpu.memory_space<semaphore_mem>>) src(%arg11 : memref<128xf32, #tpu.memory_space<vmem>>) dst(%dma_wait3A_240 : memref<10240xf32, #tpu.memory_space<vmem_shared>>)
    %dma_wait3A_241 = arith.constant 0 : i32
    %dma_wait3A_242 = arith.constant 0 : i32
    %dma_wait3A_243 = tpu.memref_slice %arg9[%dma_wait3A_241, %dma_wait3A_242] : memref<40x128xi32, #tpu.memory_space<vmem>> -> memref<1x128xi32, #tpu.memory_space<vmem>>
    %dma_wait3A_244 = tpu.memref_squeeze %dma_wait3A_243 : memref<1x128xi32, #tpu.memory_space<vmem>> -> memref<128xi32, #tpu.memory_space<vmem>>
    %dma_wait3A_245 = arith.constant 0 : i32
    %dma_wait3A_246 = tpu.memref_slice %arg14[%dma_wait3A_245] : memref<10240xf32, #tpu.memory_space<vmem_shared>> -> memref<10240xf32, #tpu.memory_space<vmem_shared>>
    tpu.wait_indirect_dma semaphore(%arg19 : memref<!tpu.dma_semaphore, #tpu.memory_space<semaphore_mem>>) src(%arg11 : memref<128xf32, #tpu.memory_space<vmem>>) dst(%dma_wait3A_246 : memref<10240xf32, #tpu.memory_space<vmem_shared>>)
    %dma_wait3A_247 = arith.constant 0 : i32
    %dma_wait3A_248 = arith.constant 0 : i32
    %dma_wait3A_249 = tpu.memref_slice %arg9[%dma_wait3A_247, %dma_wait3A_248] : memref<40x128xi32, #tpu.memory_space<vmem>> -> memref<1x128xi32, #tpu.memory_space<vmem>>
    %dma_wait3A_250 = tpu.memref_squeeze %dma_wait3A_249 : memref<1x128xi32, #tpu.memory_space<vmem>> -> memref<128xi32, #tpu.memory_space<vmem>>
    %dma_wait3A_251 = arith.constant 0 : i32
    %dma_wait3A_252 = tpu.memref_slice %arg14[%dma_wait3A_251] : memref<10240xf32, #tpu.memory_space<vmem_shared>> -> memref<10240xf32, #tpu.memory_space<vmem_shared>>
    tpu.wait_indirect_dma semaphore(%arg19 : memref<!tpu.dma_semaphore, #tpu.memory_space<semaphore_mem>>) src(%arg11 : memref<128xf32, #tpu.memory_space<vmem>>) dst(%dma_wait3A_252 : memref<10240xf32, #tpu.memory_space<vmem_shared>>)
    %dma_wait3A_253 = arith.constant 0 : i32
    %dma_wait3A_254 = arith.constant 0 : i32
    %dma_wait3A_255 = tpu.memref_slice %arg9[%dma_wait3A_253, %dma_wait3A_254] : memref<40x128xi32, #tpu.memory_space<vmem>> -> memref<1x128xi32, #tpu.memory_space<vmem>>
    %dma_wait3A_256 = tpu.memref_squeeze %dma_wait3A_255 : memref<1x128xi32, #tpu.memory_space<vmem>> -> memref<128xi32, #tpu.memory_space<vmem>>
    %dma_wait3A_257 = arith.constant 0 : i32
    %dma_wait3A_258 = tpu.memref_slice %arg14[%dma_wait3A_257] : memref<10240xf32, #tpu.memory_space<vmem_shared>> -> memref<10240xf32, #tpu.memory_space<vmem_shared>>
    tpu.wait_indirect_dma semaphore(%arg19 : memref<!tpu.dma_semaphore, #tpu.memory_space<semaphore_mem>>) src(%arg11 : memref<128xf32, #tpu.memory_space<vmem>>) dst(%dma_wait3A_258 : memref<10240xf32, #tpu.memory_space<vmem_shared>>)
    %dma_wait3A_259 = arith.constant 0 : i32
    %dma_wait3A_260 = arith.constant 0 : i32
    %dma_wait3A_261 = tpu.memref_slice %arg9[%dma_wait3A_259, %dma_wait3A_260] : memref<40x128xi32, #tpu.memory_space<vmem>> -> memref<1x128xi32, #tpu.memory_space<vmem>>
    %dma_wait3A_262 = tpu.memref_squeeze %dma_wait3A_261 : memref<1x128xi32, #tpu.memory_space<vmem>> -> memref<128xi32, #tpu.memory_space<vmem>>
    %dma_wait3A_263 = arith.constant 0 : i32
    %dma_wait3A_264 = tpu.memref_slice %arg14[%dma_wait3A_263] : memref<10240xf32, #tpu.memory_space<vmem_shared>> -> memref<10240xf32, #tpu.memory_space<vmem_shared>>
    tpu.wait_indirect_dma semaphore(%arg19 : memref<!tpu.dma_semaphore, #tpu.memory_space<semaphore_mem>>) src(%arg11 : memref<128xf32, #tpu.memory_space<vmem>>) dst(%dma_wait3A_264 : memref<10240xf32, #tpu.memory_space<vmem_shared>>)
    %dma_wait3A_265 = arith.constant 0 : i32
    %dma_wait3A_266 = arith.constant 0 : i32
    %dma_wait3A_267 = tpu.memref_slice %arg9[%dma_wait3A_265, %dma_wait3A_266] : memref<40x128xi32, #tpu.memory_space<vmem>> -> memref<1x128xi32, #tpu.memory_space<vmem>>
    %dma_wait3A_268 = tpu.memref_squeeze %dma_wait3A_267 : memref<1x128xi32, #tpu.memory_space<vmem>> -> memref<128xi32, #tpu.memory_space<vmem>>
    %dma_wait3A_269 = arith.constant 0 : i32
    %dma_wait3A_270 = tpu.memref_slice %arg14[%dma_wait3A_269] : memref<10240xf32, #tpu.memory_space<vmem_shared>> -> memref<10240xf32, #tpu.memory_space<vmem_shared>>
    tpu.wait_indirect_dma semaphore(%arg19 : memref<!tpu.dma_semaphore, #tpu.memory_space<semaphore_mem>>) src(%arg11 : memref<128xf32, #tpu.memory_space<vmem>>) dst(%dma_wait3A_270 : memref<10240xf32, #tpu.memory_space<vmem_shared>>)
    %dma_wait3A_271 = arith.constant 0 : i32
    %dma_wait3A_272 = arith.constant 0 : i32
    %dma_wait3A_273 = tpu.memref_slice %arg9[%dma_wait3A_271, %dma_wait3A_272] : memref<40x128xi32, #tpu.memory_space<vmem>> -> memref<1x128xi32, #tpu.memory_space<vmem>>
    %dma_wait3A_274 = tpu.memref_squeeze %dma_wait3A_273 : memref<1x128xi32, #tpu.memory_space<vmem>> -> memref<128xi32, #tpu.memory_space<vmem>>
    %dma_wait3A_275 = arith.constant 0 : i32
    %dma_wait3A_276 = tpu.memref_slice %arg14[%dma_wait3A_275] : memref<10240xf32, #tpu.memory_space<vmem_shared>> -> memref<10240xf32, #tpu.memory_space<vmem_shared>>
    tpu.wait_indirect_dma semaphore(%arg19 : memref<!tpu.dma_semaphore, #tpu.memory_space<semaphore_mem>>) src(%arg11 : memref<128xf32, #tpu.memory_space<vmem>>) dst(%dma_wait3A_276 : memref<10240xf32, #tpu.memory_space<vmem_shared>>)
    %dma_wait3A_277 = arith.constant 0 : i32
    %dma_wait3A_278 = arith.constant 0 : i32
    %dma_wait3A_279 = tpu.memref_slice %arg9[%dma_wait3A_277, %dma_wait3A_278] : memref<40x128xi32, #tpu.memory_space<vmem>> -> memref<1x128xi32, #tpu.memory_space<vmem>>
    %dma_wait3A_280 = tpu.memref_squeeze %dma_wait3A_279 : memref<1x128xi32, #tpu.memory_space<vmem>> -> memref<128xi32, #tpu.memory_space<vmem>>
    %dma_wait3A_281 = arith.constant 0 : i32
    %dma_wait3A_282 = tpu.memref_slice %arg14[%dma_wait3A_281] : memref<10240xf32, #tpu.memory_space<vmem_shared>> -> memref<10240xf32, #tpu.memory_space<vmem_shared>>
    tpu.wait_indirect_dma semaphore(%arg19 : memref<!tpu.dma_semaphore, #tpu.memory_space<semaphore_mem>>) src(%arg11 : memref<128xf32, #tpu.memory_space<vmem>>) dst(%dma_wait3A_282 : memref<10240xf32, #tpu.memory_space<vmem_shared>>)
    %dma_wait3A_283 = arith.constant 0 : i32
    %dma_wait3A_284 = arith.constant 0 : i32
    %dma_wait3A_285 = tpu.memref_slice %arg9[%dma_wait3A_283, %dma_wait3A_284] : memref<40x128xi32, #tpu.memory_space<vmem>> -> memref<1x128xi32, #tpu.memory_space<vmem>>
    %dma_wait3A_286 = tpu.memref_squeeze %dma_wait3A_285 : memref<1x128xi32, #tpu.memory_space<vmem>> -> memref<128xi32, #tpu.memory_space<vmem>>
    %dma_wait3A_287 = arith.constant 0 : i32
    %dma_wait3A_288 = tpu.memref_slice %arg14[%dma_wait3A_287] : memref<10240xf32, #tpu.memory_space<vmem_shared>> -> memref<10240xf32, #tpu.memory_space<vmem_shared>>
    tpu.wait_indirect_dma semaphore(%arg19 : memref<!tpu.dma_semaphore, #tpu.memory_space<semaphore_mem>>) src(%arg11 : memref<128xf32, #tpu.memory_space<vmem>>) dst(%dma_wait3A_288 : memref<10240xf32, #tpu.memory_space<vmem_shared>>)
    %dma_wait3A_289 = arith.constant 0 : i32
    %dma_wait3A_290 = arith.constant 0 : i32
    %dma_wait3A_291 = tpu.memref_slice %arg9[%dma_wait3A_289, %dma_wait3A_290] : memref<40x128xi32, #tpu.memory_space<vmem>> -> memref<1x128xi32, #tpu.memory_space<vmem>>
    %dma_wait3A_292 = tpu.memref_squeeze %dma_wait3A_291 : memref<1x128xi32, #tpu.memory_space<vmem>> -> memref<128xi32, #tpu.memory_space<vmem>>
    %dma_wait3A_293 = arith.constant 0 : i32
    %dma_wait3A_294 = tpu.memref_slice %arg14[%dma_wait3A_293] : memref<10240xf32, #tpu.memory_space<vmem_shared>> -> memref<10240xf32, #tpu.memory_space<vmem_shared>>
    tpu.wait_indirect_dma semaphore(%arg19 : memref<!tpu.dma_semaphore, #tpu.memory_space<semaphore_mem>>) src(%arg11 : memref<128xf32, #tpu.memory_space<vmem>>) dst(%dma_wait3A_294 : memref<10240xf32, #tpu.memory_space<vmem_shared>>)
    %dma_wait3A_295 = arith.constant 0 : i32
    %dma_wait3A_296 = arith.constant 0 : i32
    %dma_wait3A_297 = tpu.memref_slice %arg9[%dma_wait3A_295, %dma_wait3A_296] : memref<40x128xi32, #tpu.memory_space<vmem>> -> memref<1x128xi32, #tpu.memory_space<vmem>>
    %dma_wait3A_298 = tpu.memref_squeeze %dma_wait3A_297 : memref<1x128xi32, #tpu.memory_space<vmem>> -> memref<128xi32, #tpu.memory_space<vmem>>
    %dma_wait3A_299 = arith.constant 0 : i32
    %dma_wait3A_300 = tpu.memref_slice %arg14[%dma_wait3A_299] : memref<10240xf32, #tpu.memory_space<vmem_shared>> -> memref<10240xf32, #tpu.memory_space<vmem_shared>>
    tpu.wait_indirect_dma semaphore(%arg19 : memref<!tpu.dma_semaphore, #tpu.memory_space<semaphore_mem>>) src(%arg11 : memref<128xf32, #tpu.memory_space<vmem>>) dst(%dma_wait3A_300 : memref<10240xf32, #tpu.memory_space<vmem_shared>>)
    %dma_wait3A_301 = arith.constant 0 : i32
    %dma_wait3A_302 = arith.constant 0 : i32
    %dma_wait3A_303 = tpu.memref_slice %arg9[%dma_wait3A_301, %dma_wait3A_302] : memref<40x128xi32, #tpu.memory_space<vmem>> -> memref<1x128xi32, #tpu.memory_space<vmem>>
    %dma_wait3A_304 = tpu.memref_squeeze %dma_wait3A_303 : memref<1x128xi32, #tpu.memory_space<vmem>> -> memref<128xi32, #tpu.memory_space<vmem>>
    %dma_wait3A_305 = arith.constant 0 : i32
    %dma_wait3A_306 = tpu.memref_slice %arg14[%dma_wait3A_305] : memref<10240xf32, #tpu.memory_space<vmem_shared>> -> memref<10240xf32, #tpu.memory_space<vmem_shared>>
    tpu.wait_indirect_dma semaphore(%arg19 : memref<!tpu.dma_semaphore, #tpu.memory_space<semaphore_mem>>) src(%arg11 : memref<128xf32, #tpu.memory_space<vmem>>) dst(%dma_wait3A_306 : memref<10240xf32, #tpu.memory_space<vmem_shared>>)
    %dma_wait3A_307 = arith.constant 0 : i32
    %dma_wait3A_308 = arith.constant 0 : i32
    %dma_wait3A_309 = tpu.memref_slice %arg9[%dma_wait3A_307, %dma_wait3A_308] : memref<40x128xi32, #tpu.memory_space<vmem>> -> memref<1x128xi32, #tpu.memory_space<vmem>>
    %dma_wait3A_310 = tpu.memref_squeeze %dma_wait3A_309 : memref<1x128xi32, #tpu.memory_space<vmem>> -> memref<128xi32, #tpu.memory_space<vmem>>
    %dma_wait3A_311 = arith.constant 0 : i32
    %dma_wait3A_312 = tpu.memref_slice %arg14[%dma_wait3A_311] : memref<10240xf32, #tpu.memory_space<vmem_shared>> -> memref<10240xf32, #tpu.memory_space<vmem_shared>>
    tpu.wait_indirect_dma semaphore(%arg19 : memref<!tpu.dma_semaphore, #tpu.memory_space<semaphore_mem>>) src(%arg11 : memref<128xf32, #tpu.memory_space<vmem>>) dst(%dma_wait3A_312 : memref<10240xf32, #tpu.memory_space<vmem_shared>>)
    %dma_wait3A_313 = arith.constant 0 : i32
    %dma_wait3A_314 = arith.constant 0 : i32
    %dma_wait3A_315 = tpu.memref_slice %arg9[%dma_wait3A_313, %dma_wait3A_314] : memref<40x128xi32, #tpu.memory_space<vmem>> -> memref<1x128xi32, #tpu.memory_space<vmem>>
    %dma_wait3A_316 = tpu.memref_squeeze %dma_wait3A_315 : memref<1x128xi32, #tpu.memory_space<vmem>> -> memref<128xi32, #tpu.memory_space<vmem>>
    %dma_wait3A_317 = arith.constant 0 : i32
    %dma_wait3A_318 = tpu.memref_slice %arg14[%dma_wait3A_317] : memref<10240xf32, #tpu.memory_space<vmem_shared>> -> memref<10240xf32, #tpu.memory_space<vmem_shared>>
    tpu.wait_indirect_dma semaphore(%arg19 : memref<!tpu.dma_semaphore, #tpu.memory_space<semaphore_mem>>) src(%arg11 : memref<128xf32, #tpu.memory_space<vmem>>) dst(%dma_wait3A_318 : memref<10240xf32, #tpu.memory_space<vmem_shared>>)
    %dma_wait3A_319 = arith.constant 0 : i32
    %dma_wait3A_320 = arith.constant 0 : i32
    %dma_wait3A_321 = tpu.memref_slice %arg9[%dma_wait3A_319, %dma_wait3A_320] : memref<40x128xi32, #tpu.memory_space<vmem>> -> memref<1x128xi32, #tpu.memory_space<vmem>>
    %dma_wait3A_322 = tpu.memref_squeeze %dma_wait3A_321 : memref<1x128xi32, #tpu.memory_space<vmem>> -> memref<128xi32, #tpu.memory_space<vmem>>
    %dma_wait3A_323 = arith.constant 0 : i32
    %dma_wait3A_324 = tpu.memref_slice %arg14[%dma_wait3A_323] : memref<10240xf32, #tpu.memory_space<vmem_shared>> -> memref<10240xf32, #tpu.memory_space<vmem_shared>>
    tpu.wait_indirect_dma semaphore(%arg19 : memref<!tpu.dma_semaphore, #tpu.memory_space<semaphore_mem>>) src(%arg11 : memref<128xf32, #tpu.memory_space<vmem>>) dst(%dma_wait3A_324 : memref<10240xf32, #tpu.memory_space<vmem_shared>>)
    %dma_wait3A_325 = arith.constant 0 : i32
    %dma_wait3A_326 = arith.constant 0 : i32
    %dma_wait3A_327 = tpu.memref_slice %arg9[%dma_wait3A_325, %dma_wait3A_326] : memref<40x128xi32, #tpu.memory_space<vmem>> -> memref<1x128xi32, #tpu.memory_space<vmem>>
    %dma_wait3A_328 = tpu.memref_squeeze %dma_wait3A_327 : memref<1x128xi32, #tpu.memory_space<vmem>> -> memref<128xi32, #tpu.memory_space<vmem>>
    %dma_wait3A_329 = arith.constant 0 : i32
    %dma_wait3A_330 = tpu.memref_slice %arg14[%dma_wait3A_329] : memref<10240xf32, #tpu.memory_space<vmem_shared>> -> memref<10240xf32, #tpu.memory_space<vmem_shared>>
    tpu.wait_indirect_dma semaphore(%arg19 : memref<!tpu.dma_semaphore, #tpu.memory_space<semaphore_mem>>) src(%arg11 : memref<128xf32, #tpu.memory_space<vmem>>) dst(%dma_wait3A_330 : memref<10240xf32, #tpu.memory_space<vmem_shared>>)
    %dma_wait3A_331 = arith.constant 0 : i32
    %dma_wait3A_332 = arith.constant 0 : i32
    %dma_wait3A_333 = tpu.memref_slice %arg9[%dma_wait3A_331, %dma_wait3A_332] : memref<40x128xi32, #tpu.memory_space<vmem>> -> memref<1x128xi32, #tpu.memory_space<vmem>>
    %dma_wait3A_334 = tpu.memref_squeeze %dma_wait3A_333 : memref<1x128xi32, #tpu.memory_space<vmem>> -> memref<128xi32, #tpu.memory_space<vmem>>
    %dma_wait3A_335 = arith.constant 0 : i32
    %dma_wait3A_336 = tpu.memref_slice %arg14[%dma_wait3A_335] : memref<10240xf32, #tpu.memory_space<vmem_shared>> -> memref<10240xf32, #tpu.memory_space<vmem_shared>>
    tpu.wait_indirect_dma semaphore(%arg19 : memref<!tpu.dma_semaphore, #tpu.memory_space<semaphore_mem>>) src(%arg11 : memref<128xf32, #tpu.memory_space<vmem>>) dst(%dma_wait3A_336 : memref<10240xf32, #tpu.memory_space<vmem_shared>>)
    %dma_wait3A_337 = arith.constant 0 : i32
    %dma_wait3A_338 = arith.constant 0 : i32
    %dma_wait3A_339 = tpu.memref_slice %arg9[%dma_wait3A_337, %dma_wait3A_338] : memref<40x128xi32, #tpu.memory_space<vmem>> -> memref<1x128xi32, #tpu.memory_space<vmem>>
    %dma_wait3A_340 = tpu.memref_squeeze %dma_wait3A_339 : memref<1x128xi32, #tpu.memory_space<vmem>> -> memref<128xi32, #tpu.memory_space<vmem>>
    %dma_wait3A_341 = arith.constant 0 : i32
    %dma_wait3A_342 = tpu.memref_slice %arg14[%dma_wait3A_341] : memref<10240xf32, #tpu.memory_space<vmem_shared>> -> memref<10240xf32, #tpu.memory_space<vmem_shared>>
    tpu.wait_indirect_dma semaphore(%arg19 : memref<!tpu.dma_semaphore, #tpu.memory_space<semaphore_mem>>) src(%arg11 : memref<128xf32, #tpu.memory_space<vmem>>) dst(%dma_wait3A_342 : memref<10240xf32, #tpu.memory_space<vmem_shared>>)
    %dma_wait3A_343 = arith.constant 0 : i32
    %dma_wait3A_344 = arith.constant 0 : i32
    %dma_wait3A_345 = tpu.memref_slice %arg9[%dma_wait3A_343, %dma_wait3A_344] : memref<40x128xi32, #tpu.memory_space<vmem>> -> memref<1x128xi32, #tpu.memory_space<vmem>>
    %dma_wait3A_346 = tpu.memref_squeeze %dma_wait3A_345 : memref<1x128xi32, #tpu.memory_space<vmem>> -> memref<128xi32, #tpu.memory_space<vmem>>
    %dma_wait3A_347 = arith.constant 0 : i32
    %dma_wait3A_348 = tpu.memref_slice %arg14[%dma_wait3A_347] : memref<10240xf32, #tpu.memory_space<vmem_shared>> -> memref<10240xf32, #tpu.memory_space<vmem_shared>>
    tpu.wait_indirect_dma semaphore(%arg19 : memref<!tpu.dma_semaphore, #tpu.memory_space<semaphore_mem>>) src(%arg11 : memref<128xf32, #tpu.memory_space<vmem>>) dst(%dma_wait3A_348 : memref<10240xf32, #tpu.memory_space<vmem_shared>>)
    %dma_wait3A_349 = arith.constant 0 : i32
    %dma_wait3A_350 = arith.constant 0 : i32
    %dma_wait3A_351 = tpu.memref_slice %arg9[%dma_wait3A_349, %dma_wait3A_350] : memref<40x128xi32, #tpu.memory_space<vmem>> -> memref<1x128xi32, #tpu.memory_space<vmem>>
    %dma_wait3A_352 = tpu.memref_squeeze %dma_wait3A_351 : memref<1x128xi32, #tpu.memory_space<vmem>> -> memref<128xi32, #tpu.memory_space<vmem>>
    %dma_wait3A_353 = arith.constant 0 : i32
    %dma_wait3A_354 = tpu.memref_slice %arg14[%dma_wait3A_353] : memref<10240xf32, #tpu.memory_space<vmem_shared>> -> memref<10240xf32, #tpu.memory_space<vmem_shared>>
    tpu.wait_indirect_dma semaphore(%arg19 : memref<!tpu.dma_semaphore, #tpu.memory_space<semaphore_mem>>) src(%arg11 : memref<128xf32, #tpu.memory_space<vmem>>) dst(%dma_wait3A_354 : memref<10240xf32, #tpu.memory_space<vmem_shared>>)
    %dma_wait3A_355 = arith.constant 0 : i32
    %dma_wait3A_356 = arith.constant 0 : i32
    %dma_wait3A_357 = tpu.memref_slice %arg9[%dma_wait3A_355, %dma_wait3A_356] : memref<40x128xi32, #tpu.memory_space<vmem>> -> memref<1x128xi32, #tpu.memory_space<vmem>>
    %dma_wait3A_358 = tpu.memref_squeeze %dma_wait3A_357 : memref<1x128xi32, #tpu.memory_space<vmem>> -> memref<128xi32, #tpu.memory_space<vmem>>
    %dma_wait3A_359 = arith.constant 0 : i32
    %dma_wait3A_360 = tpu.memref_slice %arg14[%dma_wait3A_359] : memref<10240xf32, #tpu.memory_space<vmem_shared>> -> memref<10240xf32, #tpu.memory_space<vmem_shared>>
    tpu.wait_indirect_dma semaphore(%arg19 : memref<!tpu.dma_semaphore, #tpu.memory_space<semaphore_mem>>) src(%arg11 : memref<128xf32, #tpu.memory_space<vmem>>) dst(%dma_wait3A_360 : memref<10240xf32, #tpu.memory_space<vmem_shared>>)
    %dma_wait3A_361 = arith.constant 0 : i32
    %dma_wait3A_362 = arith.constant 0 : i32
    %dma_wait3A_363 = tpu.memref_slice %arg9[%dma_wait3A_361, %dma_wait3A_362] : memref<40x128xi32, #tpu.memory_space<vmem>> -> memref<1x128xi32, #tpu.memory_space<vmem>>
    %dma_wait3A_364 = tpu.memref_squeeze %dma_wait3A_363 : memref<1x128xi32, #tpu.memory_space<vmem>> -> memref<128xi32, #tpu.memory_space<vmem>>
    %dma_wait3A_365 = arith.constant 0 : i32
    %dma_wait3A_366 = tpu.memref_slice %arg14[%dma_wait3A_365] : memref<10240xf32, #tpu.memory_space<vmem_shared>> -> memref<10240xf32, #tpu.memory_space<vmem_shared>>
    tpu.wait_indirect_dma semaphore(%arg19 : memref<!tpu.dma_semaphore, #tpu.memory_space<semaphore_mem>>) src(%arg11 : memref<128xf32, #tpu.memory_space<vmem>>) dst(%dma_wait3A_366 : memref<10240xf32, #tpu.memory_space<vmem_shared>>)
    %dma_wait3A_367 = arith.constant 0 : i32
    %dma_wait3A_368 = arith.constant 0 : i32
    %dma_wait3A_369 = tpu.memref_slice %arg9[%dma_wait3A_367, %dma_wait3A_368] : memref<40x128xi32, #tpu.memory_space<vmem>> -> memref<1x128xi32, #tpu.memory_space<vmem>>
    %dma_wait3A_370 = tpu.memref_squeeze %dma_wait3A_369 : memref<1x128xi32, #tpu.memory_space<vmem>> -> memref<128xi32, #tpu.memory_space<vmem>>
    %dma_wait3A_371 = arith.constant 0 : i32
    %dma_wait3A_372 = tpu.memref_slice %arg14[%dma_wait3A_371] : memref<10240xf32, #tpu.memory_space<vmem_shared>> -> memref<10240xf32, #tpu.memory_space<vmem_shared>>
    tpu.wait_indirect_dma semaphore(%arg19 : memref<!tpu.dma_semaphore, #tpu.memory_space<semaphore_mem>>) src(%arg11 : memref<128xf32, #tpu.memory_space<vmem>>) dst(%dma_wait3A_372 : memref<10240xf32, #tpu.memory_space<vmem_shared>>)
    %dma_wait3A_373 = arith.constant 0 : i32
    %dma_wait3A_374 = arith.constant 0 : i32
    %dma_wait3A_375 = tpu.memref_slice %arg9[%dma_wait3A_373, %dma_wait3A_374] : memref<40x128xi32, #tpu.memory_space<vmem>> -> memref<1x128xi32, #tpu.memory_space<vmem>>
    %dma_wait3A_376 = tpu.memref_squeeze %dma_wait3A_375 : memref<1x128xi32, #tpu.memory_space<vmem>> -> memref<128xi32, #tpu.memory_space<vmem>>
    %dma_wait3A_377 = arith.constant 0 : i32
    %dma_wait3A_378 = tpu.memref_slice %arg14[%dma_wait3A_377] : memref<10240xf32, #tpu.memory_space<vmem_shared>> -> memref<10240xf32, #tpu.memory_space<vmem_shared>>
    tpu.wait_indirect_dma semaphore(%arg19 : memref<!tpu.dma_semaphore, #tpu.memory_space<semaphore_mem>>) src(%arg11 : memref<128xf32, #tpu.memory_space<vmem>>) dst(%dma_wait3A_378 : memref<10240xf32, #tpu.memory_space<vmem_shared>>)
    %dma_wait3A_379 = arith.constant 0 : i32
    %dma_wait3A_380 = arith.constant 0 : i32
    %dma_wait3A_381 = tpu.memref_slice %arg9[%dma_wait3A_379, %dma_wait3A_380] : memref<40x128xi32, #tpu.memory_space<vmem>> -> memref<1x128xi32, #tpu.memory_space<vmem>>
    %dma_wait3A_382 = tpu.memref_squeeze %dma_wait3A_381 : memref<1x128xi32, #tpu.memory_space<vmem>> -> memref<128xi32, #tpu.memory_space<vmem>>
    %dma_wait3A_383 = arith.constant 0 : i32
    %dma_wait3A_384 = tpu.memref_slice %arg14[%dma_wait3A_383] : memref<10240xf32, #tpu.memory_space<vmem_shared>> -> memref<10240xf32, #tpu.memory_space<vmem_shared>>
    tpu.wait_indirect_dma semaphore(%arg19 : memref<!tpu.dma_semaphore, #tpu.memory_space<semaphore_mem>>) src(%arg11 : memref<128xf32, #tpu.memory_space<vmem>>) dst(%dma_wait3A_384 : memref<10240xf32, #tpu.memory_space<vmem_shared>>)
    %dma_wait3A_385 = arith.constant 0 : i32
    %dma_wait3A_386 = arith.constant 0 : i32
    %dma_wait3A_387 = tpu.memref_slice %arg9[%dma_wait3A_385, %dma_wait3A_386] : memref<40x128xi32, #tpu.memory_space<vmem>> -> memref<1x128xi32, #tpu.memory_space<vmem>>
    %dma_wait3A_388 = tpu.memref_squeeze %dma_wait3A_387 : memref<1x128xi32, #tpu.memory_space<vmem>> -> memref<128xi32, #tpu.memory_space<vmem>>
    %dma_wait3A_389 = arith.constant 0 : i32
    %dma_wait3A_390 = tpu.memref_slice %arg14[%dma_wait3A_389] : memref<10240xf32, #tpu.memory_space<vmem_shared>> -> memref<10240xf32, #tpu.memory_space<vmem_shared>>
    tpu.wait_indirect_dma semaphore(%arg19 : memref<!tpu.dma_semaphore, #tpu.memory_space<semaphore_mem>>) src(%arg11 : memref<128xf32, #tpu.memory_space<vmem>>) dst(%dma_wait3A_390 : memref<10240xf32, #tpu.memory_space<vmem_shared>>)
    %run_scoped3A_391 = arith.constant 1 : i32
    "tpu.region"() ({
      %run_scoped3A_748 = tpu.sem_alloc : memref<!tpu.dma_semaphore, #tpu.memory_space<semaphore_mem>>
      %dma_start3A_749 = arith.constant 0 : i32
      %dma_start3A_750 = arith.constant 0 : i32
      %dma_start3A_751 = tpu.memref_slice %arg3[%add3A, %run_scoped3A_391, %dma_start3A_749, %dma_start3A_750] : memref<32x2x40x128xi32, #tpu.memory_space<hbm>> -> memref<1x1x40x128xi32, #tpu.memory_space<hbm>>
      %dma_start3A_752 = tpu.memref_squeeze %dma_start3A_751 : memref<1x1x40x128xi32, #tpu.memory_space<hbm>> -> memref<40x128xi32, #tpu.memory_space<hbm>>
      %dma_start3A_753 = arith.constant 0 : i32
      %dma_start3A_754 = arith.constant 0 : i32
      %dma_start3A_755 = tpu.memref_slice %arg3[%add3A, %run_scoped3A_391, %dma_start3A_753, %dma_start3A_754] : memref<32x2x40x128xi32, #tpu.memory_space<hbm>> -> memref<1x1x40x128xi32, #tpu.memory_space<hbm>>
      %dma_start3A_756 = tpu.memref_squeeze %dma_start3A_755 : memref<1x1x40x128xi32, #tpu.memory_space<hbm>> -> memref<40x128xi32, #tpu.memory_space<hbm>>
      tpu.enqueue_dma source(%dma_start3A_756 : memref<40x128xi32, #tpu.memory_space<hbm>>) target(%arg8 : memref<40x128xi32, #tpu.memory_space<vmem>>) target_semaphore(%run_scoped3A_748 : memref<!tpu.dma_semaphore, #tpu.memory_space<semaphore_mem>>)
      %dma_wait3A_757 = arith.constant 0 : i32
      %dma_wait3A_758 = arith.constant 0 : i32
      %dma_wait3A_759 = tpu.memref_slice %arg3[%add3A, %run_scoped3A_391, %dma_wait3A_757, %dma_wait3A_758] : memref<32x2x40x128xi32, #tpu.memory_space<hbm>> -> memref<1x1x40x128xi32, #tpu.memory_space<hbm>>
      %dma_wait3A_760 = tpu.memref_squeeze %dma_wait3A_759 : memref<1x1x40x128xi32, #tpu.memory_space<hbm>> -> memref<40x128xi32, #tpu.memory_space<hbm>>
      %dma_wait3A_761 = arith.constant 0 : i32
      %dma_wait3A_762 = arith.constant 0 : i32
      %dma_wait3A_763 = tpu.memref_slice %arg3[%add3A, %run_scoped3A_391, %dma_wait3A_761, %dma_wait3A_762] : memref<32x2x40x128xi32, #tpu.memory_space<hbm>> -> memref<1x1x40x128xi32, #tpu.memory_space<hbm>>
      %dma_wait3A_764 = tpu.memref_squeeze %dma_wait3A_763 : memref<1x1x40x128xi32, #tpu.memory_space<hbm>> -> memref<40x128xi32, #tpu.memory_space<hbm>>
      tpu.wait_dma2 semaphore(%run_scoped3A_748 : memref<!tpu.dma_semaphore, #tpu.memory_space<semaphore_mem>>) src(%dma_wait3A_764 : memref<40x128xi32, #tpu.memory_space<hbm>>) dst(%arg8 : memref<40x128xi32, #tpu.memory_space<vmem>>)
      tpu.yield
    }) : () -> ()
    %run_scoped3A_392 = arith.constant 1 : i32
    "tpu.region"() ({
      %run_scoped3A_748 = tpu.sem_alloc : memref<!tpu.dma_semaphore, #tpu.memory_space<semaphore_mem>>
      %dma_start3A_749 = arith.constant 0 : i32
      %dma_start3A_750 = arith.constant 0 : i32
      %dma_start3A_751 = tpu.memref_slice %arg4[%add3A, %run_scoped3A_392, %dma_start3A_749, %dma_start3A_750] : memref<32x2x40x128xi32, #tpu.memory_space<hbm>> -> memref<1x1x40x128xi32, #tpu.memory_space<hbm>>
      %dma_start3A_752 = tpu.memref_squeeze %dma_start3A_751 : memref<1x1x40x128xi32, #tpu.memory_space<hbm>> -> memref<40x128xi32, #tpu.memory_space<hbm>>
      %dma_start3A_753 = arith.constant 0 : i32
      %dma_start3A_754 = arith.constant 0 : i32
      %dma_start3A_755 = tpu.memref_slice %arg4[%add3A, %run_scoped3A_392, %dma_start3A_753, %dma_start3A_754] : memref<32x2x40x128xi32, #tpu.memory_space<hbm>> -> memref<1x1x40x128xi32, #tpu.memory_space<hbm>>
      %dma_start3A_756 = tpu.memref_squeeze %dma_start3A_755 : memref<1x1x40x128xi32, #tpu.memory_space<hbm>> -> memref<40x128xi32, #tpu.memory_space<hbm>>
      tpu.enqueue_dma source(%dma_start3A_756 : memref<40x128xi32, #tpu.memory_space<hbm>>) target(%arg9 : memref<40x128xi32, #tpu.memory_space<vmem>>) target_semaphore(%run_scoped3A_748 : memref<!tpu.dma_semaphore, #tpu.memory_space<semaphore_mem>>)
      %dma_wait3A_757 = arith.constant 0 : i32
      %dma_wait3A_758 = arith.constant 0 : i32
      %dma_wait3A_759 = tpu.memref_slice %arg4[%add3A, %run_scoped3A_392, %dma_wait3A_757, %dma_wait3A_758] : memref<32x2x40x128xi32, #tpu.memory_space<hbm>> -> memref<1x1x40x128xi32, #tpu.memory_space<hbm>>
      %dma_wait3A_760 = tpu.memref_squeeze %dma_wait3A_759 : memref<1x1x40x128xi32, #tpu.memory_space<hbm>> -> memref<40x128xi32, #tpu.memory_space<hbm>>
      %dma_wait3A_761 = arith.constant 0 : i32
      %dma_wait3A_762 = arith.constant 0 : i32
      %dma_wait3A_763 = tpu.memref_slice %arg4[%add3A, %run_scoped3A_392, %dma_wait3A_761, %dma_wait3A_762] : memref<32x2x40x128xi32, #tpu.memory_space<hbm>> -> memref<1x1x40x128xi32, #tpu.memory_space<hbm>>
      %dma_wait3A_764 = tpu.memref_squeeze %dma_wait3A_763 : memref<1x1x40x128xi32, #tpu.memory_space<hbm>> -> memref<40x128xi32, #tpu.memory_space<hbm>>
      tpu.wait_dma2 semaphore(%run_scoped3A_748 : memref<!tpu.dma_semaphore, #tpu.memory_space<semaphore_mem>>) src(%dma_wait3A_764 : memref<40x128xi32, #tpu.memory_space<hbm>>) dst(%arg9 : memref<40x128xi32, #tpu.memory_space<vmem>>)
      tpu.yield
    }) : () -> ()
    %dma_start3A_393 = arith.constant 0 : i32
    %dma_start3A_394 = arith.constant 0 : i32
    %dma_start3A_395 = arith.constant 0 : i32
    %dma_start3A_396 = arith.constant 0 : i32
    %dma_start3A_397 = tpu.memref_slice %arg10[%dma_start3A_394, %dma_start3A_395, %dma_start3A_396] : memref<2x128x128xf32, #tpu.memory_space<vmem>> -> memref<1x128x128xf32, #tpu.memory_space<vmem>>
    %dma_start3A_398 = tpu.memref_squeeze %dma_start3A_397 : memref<1x128x128xf32, #tpu.memory_space<vmem>> -> memref<128x128xf32, #tpu.memory_space<vmem>>
    %dma_start3A_399 = arith.constant 0 : i32
    %dma_start3A_400 = tpu.memref_slice %arg8[%dma_start3A_393, %dma_start3A_399] : memref<40x128xi32, #tpu.memory_space<vmem>> -> memref<1x128xi32, #tpu.memory_space<vmem>>
    %dma_start3A_401 = tpu.memref_squeeze %dma_start3A_400 : memref<1x128xi32, #tpu.memory_space<vmem>> -> memref<128xi32, #tpu.memory_space<vmem>>
    %dma_start3A_402 = arith.constant 0 : i32
    %dma_start3A_403 = arith.constant 0 : i32
    %dma_start3A_404 = tpu.memref_slice %arg2[%dma_start3A_402, %dma_start3A_403] : memref<10240x128xf32, #tpu.memory_space<hbm>> -> memref<10240x128xf32, #tpu.memory_space<hbm>>
    tpu.enqueue_indirect_dma source(%dma_start3A_404 : memref<10240x128xf32, #tpu.memory_space<hbm>>) target(%dma_start3A_398 : memref<128x128xf32, #tpu.memory_space<vmem>>) offsets(%dma_start3A_401 : memref<128xi32, #tpu.memory_space<vmem>>) semaphore(%arg15 : memref<!tpu.dma_semaphore, #tpu.memory_space<semaphore_mem>>)
    %dma_wait3A_405 = arith.constant 0 : i32
    %dma_wait3A_406 = arith.constant 0 : i32
    %dma_wait3A_407 = arith.constant 0 : i32
    %dma_wait3A_408 = arith.constant 0 : i32
    %dma_wait3A_409 = tpu.memref_slice %arg10[%dma_wait3A_406, %dma_wait3A_407, %dma_wait3A_408] : memref<2x128x128xf32, #tpu.memory_space<vmem>> -> memref<1x128x128xf32, #tpu.memory_space<vmem>>
    %dma_wait3A_410 = tpu.memref_squeeze %dma_wait3A_409 : memref<1x128x128xf32, #tpu.memory_space<vmem>> -> memref<128x128xf32, #tpu.memory_space<vmem>>
    %dma_wait3A_411 = arith.constant 0 : i32
    %dma_wait3A_412 = tpu.memref_slice %arg8[%dma_wait3A_405, %dma_wait3A_411] : memref<40x128xi32, #tpu.memory_space<vmem>> -> memref<1x128xi32, #tpu.memory_space<vmem>>
    %dma_wait3A_413 = tpu.memref_squeeze %dma_wait3A_412 : memref<1x128xi32, #tpu.memory_space<vmem>> -> memref<128xi32, #tpu.memory_space<vmem>>
    %dma_wait3A_414 = arith.constant 0 : i32
    %dma_wait3A_415 = arith.constant 0 : i32
    %dma_wait3A_416 = tpu.memref_slice %arg2[%dma_wait3A_414, %dma_wait3A_415] : memref<10240x128xf32, #tpu.memory_space<hbm>> -> memref<10240x128xf32, #tpu.memory_space<hbm>>
    tpu.wait_indirect_dma semaphore(%arg15 : memref<!tpu.dma_semaphore, #tpu.memory_space<semaphore_mem>>) src(%dma_wait3A_416 : memref<10240x128xf32, #tpu.memory_space<hbm>>) dst(%dma_wait3A_410 : memref<128x128xf32, #tpu.memory_space<vmem>>)
    %dma_start3A_417 = arith.constant 0 : i32
    %dma_start3A_418 = arith.constant 0 : i32
    %dma_start3A_419 = arith.constant 0 : i32
    %dma_start3A_420 = arith.constant 0 : i32
    %dma_start3A_421 = tpu.memref_slice %arg10[%dma_start3A_417, %dma_start3A_419, %dma_start3A_420] : memref<2x128x128xf32, #tpu.memory_space<vmem>> -> memref<1x128x128xf32, #tpu.memory_space<vmem>>
    %dma_start3A_422 = tpu.memref_squeeze %dma_start3A_421 : memref<1x128x128xf32, #tpu.memory_space<vmem>> -> memref<128x128xf32, #tpu.memory_space<vmem>>
    %dma_start3A_423 = arith.constant 0 : i32
    %dma_start3A_424 = tpu.memref_slice %arg9[%dma_start3A_418, %dma_start3A_423] : memref<40x128xi32, #tpu.memory_space<vmem>> -> memref<1x128xi32, #tpu.memory_space<vmem>>
    %dma_start3A_425 = tpu.memref_squeeze %dma_start3A_424 : memref<1x128xi32, #tpu.memory_space<vmem>> -> memref<128xi32, #tpu.memory_space<vmem>>
    %dma_start3A_426 = arith.constant 0 : i32
    %dma_start3A_427 = arith.constant 0 : i32
    %dma_start3A_428 = tpu.memref_slice %arg13[%dma_start3A_426, %dma_start3A_427] : memref<10240x128xf32, #tpu.memory_space<vmem_shared>> -> memref<10240x128xf32, #tpu.memory_space<vmem_shared>>
    tpu.enqueue_indirect_dma source(%dma_start3A_422 : memref<128x128xf32, #tpu.memory_space<vmem>>) target(%dma_start3A_428 : memref<10240x128xf32, #tpu.memory_space<vmem_shared>>) offsets(%dma_start3A_425 : memref<128xi32, #tpu.memory_space<vmem>>) semaphore(%arg17 : memref<!tpu.dma_semaphore, #tpu.memory_space<semaphore_mem>>) {add = true}
    %dma_start3A_429 = arith.constant 0 : i32
    %dma_start3A_430 = arith.constant 0 : i32
    %dma_start3A_431 = tpu.memref_slice %arg9[%dma_start3A_429, %dma_start3A_430] : memref<40x128xi32, #tpu.memory_space<vmem>> -> memref<1x128xi32, #tpu.memory_space<vmem>>
    %dma_start3A_432 = tpu.memref_squeeze %dma_start3A_431 : memref<1x128xi32, #tpu.memory_space<vmem>> -> memref<128xi32, #tpu.memory_space<vmem>>
    %dma_start3A_433 = arith.constant 0 : i32
    %dma_start3A_434 = tpu.memref_slice %arg14[%dma_start3A_433] : memref<10240xf32, #tpu.memory_space<vmem_shared>> -> memref<10240xf32, #tpu.memory_space<vmem_shared>>
    tpu.enqueue_indirect_dma source(%arg11 : memref<128xf32, #tpu.memory_space<vmem>>) target(%dma_start3A_434 : memref<10240xf32, #tpu.memory_space<vmem_shared>>) offsets(%dma_start3A_432 : memref<128xi32, #tpu.memory_space<vmem>>) semaphore(%arg19 : memref<!tpu.dma_semaphore, #tpu.memory_space<semaphore_mem>>) {add = true}
    %dma_start3A_435 = arith.constant 1 : i32
    %dma_start3A_436 = arith.constant 1 : i32
    %dma_start3A_437 = arith.constant 0 : i32
    %dma_start3A_438 = arith.constant 0 : i32
    %dma_start3A_439 = tpu.memref_slice %arg10[%dma_start3A_436, %dma_start3A_437, %dma_start3A_438] : memref<2x128x128xf32, #tpu.memory_space<vmem>> -> memref<1x128x128xf32, #tpu.memory_space<vmem>>
    %dma_start3A_440 = tpu.memref_squeeze %dma_start3A_439 : memref<1x128x128xf32, #tpu.memory_space<vmem>> -> memref<128x128xf32, #tpu.memory_space<vmem>>
    %dma_start3A_441 = arith.constant 0 : i32
    %dma_start3A_442 = tpu.memref_slice %arg8[%dma_start3A_435, %dma_start3A_441] : memref<40x128xi32, #tpu.memory_space<vmem>> -> memref<1x128xi32, #tpu.memory_space<vmem>>
    %dma_start3A_443 = tpu.memref_squeeze %dma_start3A_442 : memref<1x128xi32, #tpu.memory_space<vmem>> -> memref<128xi32, #tpu.memory_space<vmem>>
    %dma_start3A_444 = arith.constant 0 : i32
    %dma_start3A_445 = arith.constant 0 : i32
    %dma_start3A_446 = tpu.memref_slice %arg2[%dma_start3A_444, %dma_start3A_445] : memref<10240x128xf32, #tpu.memory_space<hbm>> -> memref<10240x128xf32, #tpu.memory_space<hbm>>
    tpu.enqueue_indirect_dma source(%dma_start3A_446 : memref<10240x128xf32, #tpu.memory_space<hbm>>) target(%dma_start3A_440 : memref<128x128xf32, #tpu.memory_space<vmem>>) offsets(%dma_start3A_443 : memref<128xi32, #tpu.memory_space<vmem>>) semaphore(%arg16 : memref<!tpu.dma_semaphore, #tpu.memory_space<semaphore_mem>>)
    %scan3A_447 = arith.constant 0 : i32
    %scan3A_448 = arith.constant 0 : i32
    %scan3A_449 = arith.constant 19 : i32
    %scan3A_450 = arith.addi %scan3A_448, %scan3A_449 : i32
    %scan3A_451 = arith.constant 1 : i32
    scf.for %scan3A_748 = %scan3A_448 to %scan3A_450 step %scan3A_451  : i32 {
      %mul3A_749 = arith.constant 2 : i32
      %mul3A_750 = arith.muli %mul3A_749, %scan3A_748 : i32
      %add3A_751 = arith.constant 1 : i32
      %add3A_752 = arith.addi %mul3A_750, %add3A_751 : i32
      %dma_wait3A_753 = arith.constant 1 : i32
      %dma_wait3A_754 = arith.constant 0 : i32
      %dma_wait3A_755 = arith.constant 0 : i32
      %dma_wait3A_756 = tpu.memref_slice %arg10[%dma_wait3A_753, %dma_wait3A_754, %dma_wait3A_755] : memref<2x128x128xf32, #tpu.memory_space<vmem>> -> memref<1x128x128xf32, #tpu.memory_space<vmem>>
      %dma_wait3A_757 = tpu.memref_squeeze %dma_wait3A_756 : memref<1x128x128xf32, #tpu.memory_space<vmem>> -> memref<128x128xf32, #tpu.memory_space<vmem>>
      %dma_wait3A_758 = arith.constant 0 : i32
      %dma_wait3A_759 = tpu.memref_slice %arg8[%add3A_752, %dma_wait3A_758] : memref<40x128xi32, #tpu.memory_space<vmem>> -> memref<1x128xi32, #tpu.memory_space<vmem>>
      %dma_wait3A_760 = tpu.memref_squeeze %dma_wait3A_759 : memref<1x128xi32, #tpu.memory_space<vmem>> -> memref<128xi32, #tpu.memory_space<vmem>>
      %dma_wait3A_761 = arith.constant 0 : i32
      %dma_wait3A_762 = arith.constant 0 : i32
      %dma_wait3A_763 = tpu.memref_slice %arg2[%dma_wait3A_761, %dma_wait3A_762] : memref<10240x128xf32, #tpu.memory_space<hbm>> -> memref<10240x128xf32, #tpu.memory_space<hbm>>
      tpu.wait_indirect_dma semaphore(%arg16 : memref<!tpu.dma_semaphore, #tpu.memory_space<semaphore_mem>>) src(%dma_wait3A_763 : memref<10240x128xf32, #tpu.memory_space<hbm>>) dst(%dma_wait3A_757 : memref<128x128xf32, #tpu.memory_space<vmem>>)
      %dma_start3A_764 = arith.constant 1 : i32
      %dma_start3A_765 = arith.constant 0 : i32
      %dma_start3A_766 = arith.constant 0 : i32
      %dma_start3A_767 = tpu.memref_slice %arg10[%dma_start3A_764, %dma_start3A_765, %dma_start3A_766] : memref<2x128x128xf32, #tpu.memory_space<vmem>> -> memref<1x128x128xf32, #tpu.memory_space<vmem>>
      %dma_start3A_768 = tpu.memref_squeeze %dma_start3A_767 : memref<1x128x128xf32, #tpu.memory_space<vmem>> -> memref<128x128xf32, #tpu.memory_space<vmem>>
      %dma_start3A_769 = arith.constant 0 : i32
      %dma_start3A_770 = tpu.memref_slice %arg9[%add3A_752, %dma_start3A_769] : memref<40x128xi32, #tpu.memory_space<vmem>> -> memref<1x128xi32, #tpu.memory_space<vmem>>
      %dma_start3A_771 = tpu.memref_squeeze %dma_start3A_770 : memref<1x128xi32, #tpu.memory_space<vmem>> -> memref<128xi32, #tpu.memory_space<vmem>>
      %dma_start3A_772 = arith.constant 0 : i32
      %dma_start3A_773 = arith.constant 0 : i32
      %dma_start3A_774 = tpu.memref_slice %arg13[%dma_start3A_772, %dma_start3A_773] : memref<10240x128xf32, #tpu.memory_space<vmem_shared>> -> memref<10240x128xf32, #tpu.memory_space<vmem_shared>>
      tpu.enqueue_indirect_dma source(%dma_start3A_768 : memref<128x128xf32, #tpu.memory_space<vmem>>) target(%dma_start3A_774 : memref<10240x128xf32, #tpu.memory_space<vmem_shared>>) offsets(%dma_start3A_771 : memref<128xi32, #tpu.memory_space<vmem>>) semaphore(%arg18 : memref<!tpu.dma_semaphore, #tpu.memory_space<semaphore_mem>>) {add = true}
      %dma_start3A_775 = arith.constant 0 : i32
      %dma_start3A_776 = tpu.memref_slice %arg9[%add3A_752, %dma_start3A_775] : memref<40x128xi32, #tpu.memory_space<vmem>> -> memref<1x128xi32, #tpu.memory_space<vmem>>
      %dma_start3A_777 = tpu.memref_squeeze %dma_start3A_776 : memref<1x128xi32, #tpu.memory_space<vmem>> -> memref<128xi32, #tpu.memory_space<vmem>>
      %dma_start3A_778 = arith.constant 0 : i32
      %dma_start3A_779 = tpu.memref_slice %arg14[%dma_start3A_778] : memref<10240xf32, #tpu.memory_space<vmem_shared>> -> memref<10240xf32, #tpu.memory_space<vmem_shared>>
      tpu.enqueue_indirect_dma source(%arg11 : memref<128xf32, #tpu.memory_space<vmem>>) target(%dma_start3A_779 : memref<10240xf32, #tpu.memory_space<vmem_shared>>) offsets(%dma_start3A_777 : memref<128xi32, #tpu.memory_space<vmem>>) semaphore(%arg19 : memref<!tpu.dma_semaphore, #tpu.memory_space<semaphore_mem>>) {add = true}
      %sub3A = arith.constant 1 : i32
      %sub3A_780 = arith.subi %add3A_752, %sub3A : i32
      %dma_wait3A_781 = arith.constant 0 : i32
      %dma_wait3A_782 = arith.constant 0 : i32
      %dma_wait3A_783 = arith.constant 0 : i32
      %dma_wait3A_784 = tpu.memref_slice %arg10[%dma_wait3A_781, %dma_wait3A_782, %dma_wait3A_783] : memref<2x128x128xf32, #tpu.memory_space<vmem>> -> memref<1x128x128xf32, #tpu.memory_space<vmem>>
      %dma_wait3A_785 = tpu.memref_squeeze %dma_wait3A_784 : memref<1x128x128xf32, #tpu.memory_space<vmem>> -> memref<128x128xf32, #tpu.memory_space<vmem>>
      %dma_wait3A_786 = arith.constant 0 : i32
      %dma_wait3A_787 = tpu.memref_slice %arg9[%sub3A_780, %dma_wait3A_786] : memref<40x128xi32, #tpu.memory_space<vmem>> -> memref<1x128xi32, #tpu.memory_space<vmem>>
      %dma_wait3A_788 = tpu.memref_squeeze %dma_wait3A_787 : memref<1x128xi32, #tpu.memory_space<vmem>> -> memref<128xi32, #tpu.memory_space<vmem>>
      %dma_wait3A_789 = arith.constant 0 : i32
      %dma_wait3A_790 = arith.constant 0 : i32
      %dma_wait3A_791 = tpu.memref_slice %arg13[%dma_wait3A_789, %dma_wait3A_790] : memref<10240x128xf32, #tpu.memory_space<vmem_shared>> -> memref<10240x128xf32, #tpu.memory_space<vmem_shared>>
      tpu.wait_indirect_dma semaphore(%arg17 : memref<!tpu.dma_semaphore, #tpu.memory_space<semaphore_mem>>) src(%dma_wait3A_785 : memref<128x128xf32, #tpu.memory_space<vmem>>) dst(%dma_wait3A_791 : memref<10240x128xf32, #tpu.memory_space<vmem_shared>>)
      %add3A_792 = arith.constant 1 : i32
      %add3A_793 = arith.addi %add3A_752, %add3A_792 : i32
      %dma_start3A_794 = arith.constant 0 : i32
      %dma_start3A_795 = arith.constant 0 : i32
      %dma_start3A_796 = arith.constant 0 : i32
      %dma_start3A_797 = tpu.memref_slice %arg10[%dma_start3A_794, %dma_start3A_795, %dma_start3A_796] : memref<2x128x128xf32, #tpu.memory_space<vmem>> -> memref<1x128x128xf32, #tpu.memory_space<vmem>>
      %dma_start3A_798 = tpu.memref_squeeze %dma_start3A_797 : memref<1x128x128xf32, #tpu.memory_space<vmem>> -> memref<128x128xf32, #tpu.memory_space<vmem>>
      %dma_start3A_799 = arith.constant 0 : i32
      %dma_start3A_800 = tpu.memref_slice %arg8[%add3A_793, %dma_start3A_799] : memref<40x128xi32, #tpu.memory_space<vmem>> -> memref<1x128xi32, #tpu.memory_space<vmem>>
      %dma_start3A_801 = tpu.memref_squeeze %dma_start3A_800 : memref<1x128xi32, #tpu.memory_space<vmem>> -> memref<128xi32, #tpu.memory_space<vmem>>
      %dma_start3A_802 = arith.constant 0 : i32
      %dma_start3A_803 = arith.constant 0 : i32
      %dma_start3A_804 = tpu.memref_slice %arg2[%dma_start3A_802, %dma_start3A_803] : memref<10240x128xf32, #tpu.memory_space<hbm>> -> memref<10240x128xf32, #tpu.memory_space<hbm>>
      tpu.enqueue_indirect_dma source(%dma_start3A_804 : memref<10240x128xf32, #tpu.memory_space<hbm>>) target(%dma_start3A_798 : memref<128x128xf32, #tpu.memory_space<vmem>>) offsets(%dma_start3A_801 : memref<128xi32, #tpu.memory_space<vmem>>) semaphore(%arg15 : memref<!tpu.dma_semaphore, #tpu.memory_space<semaphore_mem>>)
      %mul3A_805 = arith.constant 2 : i32
      %mul3A_806 = arith.muli %mul3A_805, %scan3A_748 : i32
      %add3A_807 = arith.constant 2 : i32
      %add3A_808 = arith.addi %mul3A_806, %add3A_807 : i32
      %dma_wait3A_809 = arith.constant 0 : i32
      %dma_wait3A_810 = arith.constant 0 : i32
      %dma_wait3A_811 = arith.constant 0 : i32
      %dma_wait3A_812 = tpu.memref_slice %arg10[%dma_wait3A_809, %dma_wait3A_810, %dma_wait3A_811] : memref<2x128x128xf32, #tpu.memory_space<vmem>> -> memref<1x128x128xf32, #tpu.memory_space<vmem>>
      %dma_wait3A_813 = tpu.memref_squeeze %dma_wait3A_812 : memref<1x128x128xf32, #tpu.memory_space<vmem>> -> memref<128x128xf32, #tpu.memory_space<vmem>>
      %dma_wait3A_814 = arith.constant 0 : i32
      %dma_wait3A_815 = tpu.memref_slice %arg8[%add3A_808, %dma_wait3A_814] : memref<40x128xi32, #tpu.memory_space<vmem>> -> memref<1x128xi32, #tpu.memory_space<vmem>>
      %dma_wait3A_816 = tpu.memref_squeeze %dma_wait3A_815 : memref<1x128xi32, #tpu.memory_space<vmem>> -> memref<128xi32, #tpu.memory_space<vmem>>
      %dma_wait3A_817 = arith.constant 0 : i32
      %dma_wait3A_818 = arith.constant 0 : i32
      %dma_wait3A_819 = tpu.memref_slice %arg2[%dma_wait3A_817, %dma_wait3A_818] : memref<10240x128xf32, #tpu.memory_space<hbm>> -> memref<10240x128xf32, #tpu.memory_space<hbm>>
      tpu.wait_indirect_dma semaphore(%arg15 : memref<!tpu.dma_semaphore, #tpu.memory_space<semaphore_mem>>) src(%dma_wait3A_819 : memref<10240x128xf32, #tpu.memory_space<hbm>>) dst(%dma_wait3A_813 : memref<128x128xf32, #tpu.memory_space<vmem>>)
      %dma_start3A_820 = arith.constant 0 : i32
      %dma_start3A_821 = arith.constant 0 : i32
      %dma_start3A_822 = arith.constant 0 : i32
      %dma_start3A_823 = tpu.memref_slice %arg10[%dma_start3A_820, %dma_start3A_821, %dma_start3A_822] : memref<2x128x128xf32, #tpu.memory_space<vmem>> -> memref<1x128x128xf32, #tpu.memory_space<vmem>>
      %dma_start3A_824 = tpu.memref_squeeze %dma_start3A_823 : memref<1x128x128xf32, #tpu.memory_space<vmem>> -> memref<128x128xf32, #tpu.memory_space<vmem>>
      %dma_start3A_825 = arith.constant 0 : i32
      %dma_start3A_826 = tpu.memref_slice %arg9[%add3A_808, %dma_start3A_825] : memref<40x128xi32, #tpu.memory_space<vmem>> -> memref<1x128xi32, #tpu.memory_space<vmem>>
      %dma_start3A_827 = tpu.memref_squeeze %dma_start3A_826 : memref<1x128xi32, #tpu.memory_space<vmem>> -> memref<128xi32, #tpu.memory_space<vmem>>
      %dma_start3A_828 = arith.constant 0 : i32
      %dma_start3A_829 = arith.constant 0 : i32
      %dma_start3A_830 = tpu.memref_slice %arg13[%dma_start3A_828, %dma_start3A_829] : memref<10240x128xf32, #tpu.memory_space<vmem_shared>> -> memref<10240x128xf32, #tpu.memory_space<vmem_shared>>
      tpu.enqueue_indirect_dma source(%dma_start3A_824 : memref<128x128xf32, #tpu.memory_space<vmem>>) target(%dma_start3A_830 : memref<10240x128xf32, #tpu.memory_space<vmem_shared>>) offsets(%dma_start3A_827 : memref<128xi32, #tpu.memory_space<vmem>>) semaphore(%arg17 : memref<!tpu.dma_semaphore, #tpu.memory_space<semaphore_mem>>) {add = true}
      %dma_start3A_831 = arith.constant 0 : i32
      %dma_start3A_832 = tpu.memref_slice %arg9[%add3A_808, %dma_start3A_831] : memref<40x128xi32, #tpu.memory_space<vmem>> -> memref<1x128xi32, #tpu.memory_space<vmem>>
      %dma_start3A_833 = tpu.memref_squeeze %dma_start3A_832 : memref<1x128xi32, #tpu.memory_space<vmem>> -> memref<128xi32, #tpu.memory_space<vmem>>
      %dma_start3A_834 = arith.constant 0 : i32
      %dma_start3A_835 = tpu.memref_slice %arg14[%dma_start3A_834] : memref<10240xf32, #tpu.memory_space<vmem_shared>> -> memref<10240xf32, #tpu.memory_space<vmem_shared>>
      tpu.enqueue_indirect_dma source(%arg11 : memref<128xf32, #tpu.memory_space<vmem>>) target(%dma_start3A_835 : memref<10240xf32, #tpu.memory_space<vmem_shared>>) offsets(%dma_start3A_833 : memref<128xi32, #tpu.memory_space<vmem>>) semaphore(%arg19 : memref<!tpu.dma_semaphore, #tpu.memory_space<semaphore_mem>>) {add = true}
      %sub3A_836 = arith.constant 1 : i32
      %sub3A_837 = arith.subi %add3A_808, %sub3A_836 : i32
      %dma_wait3A_838 = arith.constant 1 : i32
      %dma_wait3A_839 = arith.constant 0 : i32
      %dma_wait3A_840 = arith.constant 0 : i32
      %dma_wait3A_841 = tpu.memref_slice %arg10[%dma_wait3A_838, %dma_wait3A_839, %dma_wait3A_840] : memref<2x128x128xf32, #tpu.memory_space<vmem>> -> memref<1x128x128xf32, #tpu.memory_space<vmem>>
      %dma_wait3A_842 = tpu.memref_squeeze %dma_wait3A_841 : memref<1x128x128xf32, #tpu.memory_space<vmem>> -> memref<128x128xf32, #tpu.memory_space<vmem>>
      %dma_wait3A_843 = arith.constant 0 : i32
      %dma_wait3A_844 = tpu.memref_slice %arg9[%sub3A_837, %dma_wait3A_843] : memref<40x128xi32, #tpu.memory_space<vmem>> -> memref<1x128xi32, #tpu.memory_space<vmem>>
      %dma_wait3A_845 = tpu.memref_squeeze %dma_wait3A_844 : memref<1x128xi32, #tpu.memory_space<vmem>> -> memref<128xi32, #tpu.memory_space<vmem>>
      %dma_wait3A_846 = arith.constant 0 : i32
      %dma_wait3A_847 = arith.constant 0 : i32
      %dma_wait3A_848 = tpu.memref_slice %arg13[%dma_wait3A_846, %dma_wait3A_847] : memref<10240x128xf32, #tpu.memory_space<vmem_shared>> -> memref<10240x128xf32, #tpu.memory_space<vmem_shared>>
      tpu.wait_indirect_dma semaphore(%arg18 : memref<!tpu.dma_semaphore, #tpu.memory_space<semaphore_mem>>) src(%dma_wait3A_842 : memref<128x128xf32, #tpu.memory_space<vmem>>) dst(%dma_wait3A_848 : memref<10240x128xf32, #tpu.memory_space<vmem_shared>>)
      %add3A_849 = arith.constant 1 : i32
      %add3A_850 = arith.addi %add3A_808, %add3A_849 : i32
      %dma_start3A_851 = arith.constant 1 : i32
      %dma_start3A_852 = arith.constant 0 : i32
      %dma_start3A_853 = arith.constant 0 : i32
      %dma_start3A_854 = tpu.memref_slice %arg10[%dma_start3A_851, %dma_start3A_852, %dma_start3A_853] : memref<2x128x128xf32, #tpu.memory_space<vmem>> -> memref<1x128x128xf32, #tpu.memory_space<vmem>>
      %dma_start3A_855 = tpu.memref_squeeze %dma_start3A_854 : memref<1x128x128xf32, #tpu.memory_space<vmem>> -> memref<128x128xf32, #tpu.memory_space<vmem>>
      %dma_start3A_856 = arith.constant 0 : i32
      %dma_start3A_857 = tpu.memref_slice %arg8[%add3A_850, %dma_start3A_856] : memref<40x128xi32, #tpu.memory_space<vmem>> -> memref<1x128xi32, #tpu.memory_space<vmem>>
      %dma_start3A_858 = tpu.memref_squeeze %dma_start3A_857 : memref<1x128xi32, #tpu.memory_space<vmem>> -> memref<128xi32, #tpu.memory_space<vmem>>
      %dma_start3A_859 = arith.constant 0 : i32
      %dma_start3A_860 = arith.constant 0 : i32
      %dma_start3A_861 = tpu.memref_slice %arg2[%dma_start3A_859, %dma_start3A_860] : memref<10240x128xf32, #tpu.memory_space<hbm>> -> memref<10240x128xf32, #tpu.memory_space<hbm>>
      tpu.enqueue_indirect_dma source(%dma_start3A_861 : memref<10240x128xf32, #tpu.memory_space<hbm>>) target(%dma_start3A_855 : memref<128x128xf32, #tpu.memory_space<vmem>>) offsets(%dma_start3A_858 : memref<128xi32, #tpu.memory_space<vmem>>) semaphore(%arg16 : memref<!tpu.dma_semaphore, #tpu.memory_space<semaphore_mem>>)
    }
    %scan3A_452 = arith.constant 19 : i32
    %dma_wait3A_453 = arith.constant 39 : i32
    %dma_wait3A_454 = arith.constant 1 : i32
    %dma_wait3A_455 = arith.constant 0 : i32
    %dma_wait3A_456 = arith.constant 0 : i32
    %dma_wait3A_457 = tpu.memref_slice %arg10[%dma_wait3A_454, %dma_wait3A_455, %dma_wait3A_456] : memref<2x128x128xf32, #tpu.memory_space<vmem>> -> memref<1x128x128xf32, #tpu.memory_space<vmem>>
    %dma_wait3A_458 = tpu.memref_squeeze %dma_wait3A_457 : memref<1x128x128xf32, #tpu.memory_space<vmem>> -> memref<128x128xf32, #tpu.memory_space<vmem>>
    %dma_wait3A_459 = arith.constant 0 : i32
    %dma_wait3A_460 = tpu.memref_slice %arg8[%dma_wait3A_453, %dma_wait3A_459] : memref<40x128xi32, #tpu.memory_space<vmem>> -> memref<1x128xi32, #tpu.memory_space<vmem>>
    %dma_wait3A_461 = tpu.memref_squeeze %dma_wait3A_460 : memref<1x128xi32, #tpu.memory_space<vmem>> -> memref<128xi32, #tpu.memory_space<vmem>>
    %dma_wait3A_462 = arith.constant 0 : i32
    %dma_wait3A_463 = arith.constant 0 : i32
    %dma_wait3A_464 = tpu.memref_slice %arg2[%dma_wait3A_462, %dma_wait3A_463] : memref<10240x128xf32, #tpu.memory_space<hbm>> -> memref<10240x128xf32, #tpu.memory_space<hbm>>
    tpu.wait_indirect_dma semaphore(%arg16 : memref<!tpu.dma_semaphore, #tpu.memory_space<semaphore_mem>>) src(%dma_wait3A_464 : memref<10240x128xf32, #tpu.memory_space<hbm>>) dst(%dma_wait3A_458 : memref<128x128xf32, #tpu.memory_space<vmem>>)
    %dma_start3A_465 = arith.constant 1 : i32
    %dma_start3A_466 = arith.constant 39 : i32
    %dma_start3A_467 = arith.constant 0 : i32
    %dma_start3A_468 = arith.constant 0 : i32
    %dma_start3A_469 = tpu.memref_slice %arg10[%dma_start3A_465, %dma_start3A_467, %dma_start3A_468] : memref<2x128x128xf32, #tpu.memory_space<vmem>> -> memref<1x128x128xf32, #tpu.memory_space<vmem>>
    %dma_start3A_470 = tpu.memref_squeeze %dma_start3A_469 : memref<1x128x128xf32, #tpu.memory_space<vmem>> -> memref<128x128xf32, #tpu.memory_space<vmem>>
    %dma_start3A_471 = arith.constant 0 : i32
    %dma_start3A_472 = tpu.memref_slice %arg9[%dma_start3A_466, %dma_start3A_471] : memref<40x128xi32, #tpu.memory_space<vmem>> -> memref<1x128xi32, #tpu.memory_space<vmem>>
    %dma_start3A_473 = tpu.memref_squeeze %dma_start3A_472 : memref<1x128xi32, #tpu.memory_space<vmem>> -> memref<128xi32, #tpu.memory_space<vmem>>
    %dma_start3A_474 = arith.constant 0 : i32
    %dma_start3A_475 = arith.constant 0 : i32
    %dma_start3A_476 = tpu.memref_slice %arg13[%dma_start3A_474, %dma_start3A_475] : memref<10240x128xf32, #tpu.memory_space<vmem_shared>> -> memref<10240x128xf32, #tpu.memory_space<vmem_shared>>
    tpu.enqueue_indirect_dma source(%dma_start3A_470 : memref<128x128xf32, #tpu.memory_space<vmem>>) target(%dma_start3A_476 : memref<10240x128xf32, #tpu.memory_space<vmem_shared>>) offsets(%dma_start3A_473 : memref<128xi32, #tpu.memory_space<vmem>>) semaphore(%arg18 : memref<!tpu.dma_semaphore, #tpu.memory_space<semaphore_mem>>) {add = true}
    %dma_start3A_477 = arith.constant 39 : i32
    %dma_start3A_478 = arith.constant 0 : i32
    %dma_start3A_479 = tpu.memref_slice %arg9[%dma_start3A_477, %dma_start3A_478] : memref<40x128xi32, #tpu.memory_space<vmem>> -> memref<1x128xi32, #tpu.memory_space<vmem>>
    %dma_start3A_480 = tpu.memref_squeeze %dma_start3A_479 : memref<1x128xi32, #tpu.memory_space<vmem>> -> memref<128xi32, #tpu.memory_space<vmem>>
    %dma_start3A_481 = arith.constant 0 : i32
    %dma_start3A_482 = tpu.memref_slice %arg14[%dma_start3A_481] : memref<10240xf32, #tpu.memory_space<vmem_shared>> -> memref<10240xf32, #tpu.memory_space<vmem_shared>>
    tpu.enqueue_indirect_dma source(%arg11 : memref<128xf32, #tpu.memory_space<vmem>>) target(%dma_start3A_482 : memref<10240xf32, #tpu.memory_space<vmem_shared>>) offsets(%dma_start3A_480 : memref<128xi32, #tpu.memory_space<vmem>>) semaphore(%arg19 : memref<!tpu.dma_semaphore, #tpu.memory_space<semaphore_mem>>) {add = true}
    %dma_wait3A_483 = arith.constant 0 : i32
    %dma_wait3A_484 = arith.constant 38 : i32
    %dma_wait3A_485 = arith.constant 0 : i32
    %dma_wait3A_486 = arith.constant 0 : i32
    %dma_wait3A_487 = tpu.memref_slice %arg10[%dma_wait3A_483, %dma_wait3A_485, %dma_wait3A_486] : memref<2x128x128xf32, #tpu.memory_space<vmem>> -> memref<1x128x128xf32, #tpu.memory_space<vmem>>
    %dma_wait3A_488 = tpu.memref_squeeze %dma_wait3A_487 : memref<1x128x128xf32, #tpu.memory_space<vmem>> -> memref<128x128xf32, #tpu.memory_space<vmem>>
    %dma_wait3A_489 = arith.constant 0 : i32
    %dma_wait3A_490 = tpu.memref_slice %arg9[%dma_wait3A_484, %dma_wait3A_489] : memref<40x128xi32, #tpu.memory_space<vmem>> -> memref<1x128xi32, #tpu.memory_space<vmem>>
    %dma_wait3A_491 = tpu.memref_squeeze %dma_wait3A_490 : memref<1x128xi32, #tpu.memory_space<vmem>> -> memref<128xi32, #tpu.memory_space<vmem>>
    %dma_wait3A_492 = arith.constant 0 : i32
    %dma_wait3A_493 = arith.constant 0 : i32
    %dma_wait3A_494 = tpu.memref_slice %arg13[%dma_wait3A_492, %dma_wait3A_493] : memref<10240x128xf32, #tpu.memory_space<vmem_shared>> -> memref<10240x128xf32, #tpu.memory_space<vmem_shared>>
    tpu.wait_indirect_dma semaphore(%arg17 : memref<!tpu.dma_semaphore, #tpu.memory_space<semaphore_mem>>) src(%dma_wait3A_488 : memref<128x128xf32, #tpu.memory_space<vmem>>) dst(%dma_wait3A_494 : memref<10240x128xf32, #tpu.memory_space<vmem_shared>>)
    %dma_wait3A_495 = arith.constant 1 : i32
    %dma_wait3A_496 = arith.constant 39 : i32
    %dma_wait3A_497 = arith.constant 0 : i32
    %dma_wait3A_498 = arith.constant 0 : i32
    %dma_wait3A_499 = tpu.memref_slice %arg10[%dma_wait3A_495, %dma_wait3A_497, %dma_wait3A_498] : memref<2x128x128xf32, #tpu.memory_space<vmem>> -> memref<1x128x128xf32, #tpu.memory_space<vmem>>
    %dma_wait3A_500 = tpu.memref_squeeze %dma_wait3A_499 : memref<1x128x128xf32, #tpu.memory_space<vmem>> -> memref<128x128xf32, #tpu.memory_space<vmem>>
    %dma_wait3A_501 = arith.constant 0 : i32
    %dma_wait3A_502 = tpu.memref_slice %arg9[%dma_wait3A_496, %dma_wait3A_501] : memref<40x128xi32, #tpu.memory_space<vmem>> -> memref<1x128xi32, #tpu.memory_space<vmem>>
    %dma_wait3A_503 = tpu.memref_squeeze %dma_wait3A_502 : memref<1x128xi32, #tpu.memory_space<vmem>> -> memref<128xi32, #tpu.memory_space<vmem>>
    %dma_wait3A_504 = arith.constant 0 : i32
    %dma_wait3A_505 = arith.constant 0 : i32
    %dma_wait3A_506 = tpu.memref_slice %arg13[%dma_wait3A_504, %dma_wait3A_505] : memref<10240x128xf32, #tpu.memory_space<vmem_shared>> -> memref<10240x128xf32, #tpu.memory_space<vmem_shared>>
    tpu.wait_indirect_dma semaphore(%arg18 : memref<!tpu.dma_semaphore, #tpu.memory_space<semaphore_mem>>) src(%dma_wait3A_500 : memref<128x128xf32, #tpu.memory_space<vmem>>) dst(%dma_wait3A_506 : memref<10240x128xf32, #tpu.memory_space<vmem_shared>>)
    %dma_wait3A_507 = arith.constant 0 : i32
    %dma_wait3A_508 = arith.constant 0 : i32
    %dma_wait3A_509 = tpu.memref_slice %arg9[%dma_wait3A_507, %dma_wait3A_508] : memref<40x128xi32, #tpu.memory_space<vmem>> -> memref<1x128xi32, #tpu.memory_space<vmem>>
    %dma_wait3A_510 = tpu.memref_squeeze %dma_wait3A_509 : memref<1x128xi32, #tpu.memory_space<vmem>> -> memref<128xi32, #tpu.memory_space<vmem>>
    %dma_wait3A_511 = arith.constant 0 : i32
    %dma_wait3A_512 = tpu.memref_slice %arg14[%dma_wait3A_511] : memref<10240xf32, #tpu.memory_space<vmem_shared>> -> memref<10240xf32, #tpu.memory_space<vmem_shared>>
    tpu.wait_indirect_dma semaphore(%arg19 : memref<!tpu.dma_semaphore, #tpu.memory_space<semaphore_mem>>) src(%arg11 : memref<128xf32, #tpu.memory_space<vmem>>) dst(%dma_wait3A_512 : memref<10240xf32, #tpu.memory_space<vmem_shared>>)
    %dma_wait3A_513 = arith.constant 0 : i32
    %dma_wait3A_514 = arith.constant 0 : i32
    %dma_wait3A_515 = tpu.memref_slice %arg9[%dma_wait3A_513, %dma_wait3A_514] : memref<40x128xi32, #tpu.memory_space<vmem>> -> memref<1x128xi32, #tpu.memory_space<vmem>>
    %dma_wait3A_516 = tpu.memref_squeeze %dma_wait3A_515 : memref<1x128xi32, #tpu.memory_space<vmem>> -> memref<128xi32, #tpu.memory_space<vmem>>
    %dma_wait3A_517 = arith.constant 0 : i32
    %dma_wait3A_518 = tpu.memref_slice %arg14[%dma_wait3A_517] : memref<10240xf32, #tpu.memory_space<vmem_shared>> -> memref<10240xf32, #tpu.memory_space<vmem_shared>>
    tpu.wait_indirect_dma semaphore(%arg19 : memref<!tpu.dma_semaphore, #tpu.memory_space<semaphore_mem>>) src(%arg11 : memref<128xf32, #tpu.memory_space<vmem>>) dst(%dma_wait3A_518 : memref<10240xf32, #tpu.memory_space<vmem_shared>>)
    %dma_wait3A_519 = arith.constant 0 : i32
    %dma_wait3A_520 = arith.constant 0 : i32
    %dma_wait3A_521 = tpu.memref_slice %arg9[%dma_wait3A_519, %dma_wait3A_520] : memref<40x128xi32, #tpu.memory_space<vmem>> -> memref<1x128xi32, #tpu.memory_space<vmem>>
    %dma_wait3A_522 = tpu.memref_squeeze %dma_wait3A_521 : memref<1x128xi32, #tpu.memory_space<vmem>> -> memref<128xi32, #tpu.memory_space<vmem>>
    %dma_wait3A_523 = arith.constant 0 : i32
    %dma_wait3A_524 = tpu.memref_slice %arg14[%dma_wait3A_523] : memref<10240xf32, #tpu.memory_space<vmem_shared>> -> memref<10240xf32, #tpu.memory_space<vmem_shared>>
    tpu.wait_indirect_dma semaphore(%arg19 : memref<!tpu.dma_semaphore, #tpu.memory_space<semaphore_mem>>) src(%arg11 : memref<128xf32, #tpu.memory_space<vmem>>) dst(%dma_wait3A_524 : memref<10240xf32, #tpu.memory_space<vmem_shared>>)
    %dma_wait3A_525 = arith.constant 0 : i32
    %dma_wait3A_526 = arith.constant 0 : i32
    %dma_wait3A_527 = tpu.memref_slice %arg9[%dma_wait3A_525, %dma_wait3A_526] : memref<40x128xi32, #tpu.memory_space<vmem>> -> memref<1x128xi32, #tpu.memory_space<vmem>>
    %dma_wait3A_528 = tpu.memref_squeeze %dma_wait3A_527 : memref<1x128xi32, #tpu.memory_space<vmem>> -> memref<128xi32, #tpu.memory_space<vmem>>
    %dma_wait3A_529 = arith.constant 0 : i32
    %dma_wait3A_530 = tpu.memref_slice %arg14[%dma_wait3A_529] : memref<10240xf32, #tpu.memory_space<vmem_shared>> -> memref<10240xf32, #tpu.memory_space<vmem_shared>>
    tpu.wait_indirect_dma semaphore(%arg19 : memref<!tpu.dma_semaphore, #tpu.memory_space<semaphore_mem>>) src(%arg11 : memref<128xf32, #tpu.memory_space<vmem>>) dst(%dma_wait3A_530 : memref<10240xf32, #tpu.memory_space<vmem_shared>>)
    %dma_wait3A_531 = arith.constant 0 : i32
    %dma_wait3A_532 = arith.constant 0 : i32
    %dma_wait3A_533 = tpu.memref_slice %arg9[%dma_wait3A_531, %dma_wait3A_532] : memref<40x128xi32, #tpu.memory_space<vmem>> -> memref<1x128xi32, #tpu.memory_space<vmem>>
    %dma_wait3A_534 = tpu.memref_squeeze %dma_wait3A_533 : memref<1x128xi32, #tpu.memory_space<vmem>> -> memref<128xi32, #tpu.memory_space<vmem>>
    %dma_wait3A_535 = arith.constant 0 : i32
    %dma_wait3A_536 = tpu.memref_slice %arg14[%dma_wait3A_535] : memref<10240xf32, #tpu.memory_space<vmem_shared>> -> memref<10240xf32, #tpu.memory_space<vmem_shared>>
    tpu.wait_indirect_dma semaphore(%arg19 : memref<!tpu.dma_semaphore, #tpu.memory_space<semaphore_mem>>) src(%arg11 : memref<128xf32, #tpu.memory_space<vmem>>) dst(%dma_wait3A_536 : memref<10240xf32, #tpu.memory_space<vmem_shared>>)
    %dma_wait3A_537 = arith.constant 0 : i32
    %dma_wait3A_538 = arith.constant 0 : i32
    %dma_wait3A_539 = tpu.memref_slice %arg9[%dma_wait3A_537, %dma_wait3A_538] : memref<40x128xi32, #tpu.memory_space<vmem>> -> memref<1x128xi32, #tpu.memory_space<vmem>>
    %dma_wait3A_540 = tpu.memref_squeeze %dma_wait3A_539 : memref<1x128xi32, #tpu.memory_space<vmem>> -> memref<128xi32, #tpu.memory_space<vmem>>
    %dma_wait3A_541 = arith.constant 0 : i32
    %dma_wait3A_542 = tpu.memref_slice %arg14[%dma_wait3A_541] : memref<10240xf32, #tpu.memory_space<vmem_shared>> -> memref<10240xf32, #tpu.memory_space<vmem_shared>>
    tpu.wait_indirect_dma semaphore(%arg19 : memref<!tpu.dma_semaphore, #tpu.memory_space<semaphore_mem>>) src(%arg11 : memref<128xf32, #tpu.memory_space<vmem>>) dst(%dma_wait3A_542 : memref<10240xf32, #tpu.memory_space<vmem_shared>>)
    %dma_wait3A_543 = arith.constant 0 : i32
    %dma_wait3A_544 = arith.constant 0 : i32
    %dma_wait3A_545 = tpu.memref_slice %arg9[%dma_wait3A_543, %dma_wait3A_544] : memref<40x128xi32, #tpu.memory_space<vmem>> -> memref<1x128xi32, #tpu.memory_space<vmem>>
    %dma_wait3A_546 = tpu.memref_squeeze %dma_wait3A_545 : memref<1x128xi32, #tpu.memory_space<vmem>> -> memref<128xi32, #tpu.memory_space<vmem>>
    %dma_wait3A_547 = arith.constant 0 : i32
    %dma_wait3A_548 = tpu.memref_slice %arg14[%dma_wait3A_547] : memref<10240xf32, #tpu.memory_space<vmem_shared>> -> memref<10240xf32, #tpu.memory_space<vmem_shared>>
    tpu.wait_indirect_dma semaphore(%arg19 : memref<!tpu.dma_semaphore, #tpu.memory_space<semaphore_mem>>) src(%arg11 : memref<128xf32, #tpu.memory_space<vmem>>) dst(%dma_wait3A_548 : memref<10240xf32, #tpu.memory_space<vmem_shared>>)
    %dma_wait3A_549 = arith.constant 0 : i32
    %dma_wait3A_550 = arith.constant 0 : i32
    %dma_wait3A_551 = tpu.memref_slice %arg9[%dma_wait3A_549, %dma_wait3A_550] : memref<40x128xi32, #tpu.memory_space<vmem>> -> memref<1x128xi32, #tpu.memory_space<vmem>>
    %dma_wait3A_552 = tpu.memref_squeeze %dma_wait3A_551 : memref<1x128xi32, #tpu.memory_space<vmem>> -> memref<128xi32, #tpu.memory_space<vmem>>
    %dma_wait3A_553 = arith.constant 0 : i32
    %dma_wait3A_554 = tpu.memref_slice %arg14[%dma_wait3A_553] : memref<10240xf32, #tpu.memory_space<vmem_shared>> -> memref<10240xf32, #tpu.memory_space<vmem_shared>>
    tpu.wait_indirect_dma semaphore(%arg19 : memref<!tpu.dma_semaphore, #tpu.memory_space<semaphore_mem>>) src(%arg11 : memref<128xf32, #tpu.memory_space<vmem>>) dst(%dma_wait3A_554 : memref<10240xf32, #tpu.memory_space<vmem_shared>>)
    %dma_wait3A_555 = arith.constant 0 : i32
    %dma_wait3A_556 = arith.constant 0 : i32
    %dma_wait3A_557 = tpu.memref_slice %arg9[%dma_wait3A_555, %dma_wait3A_556] : memref<40x128xi32, #tpu.memory_space<vmem>> -> memref<1x128xi32, #tpu.memory_space<vmem>>
    %dma_wait3A_558 = tpu.memref_squeeze %dma_wait3A_557 : memref<1x128xi32, #tpu.memory_space<vmem>> -> memref<128xi32, #tpu.memory_space<vmem>>
    %dma_wait3A_559 = arith.constant 0 : i32
    %dma_wait3A_560 = tpu.memref_slice %arg14[%dma_wait3A_559] : memref<10240xf32, #tpu.memory_space<vmem_shared>> -> memref<10240xf32, #tpu.memory_space<vmem_shared>>
    tpu.wait_indirect_dma semaphore(%arg19 : memref<!tpu.dma_semaphore, #tpu.memory_space<semaphore_mem>>) src(%arg11 : memref<128xf32, #tpu.memory_space<vmem>>) dst(%dma_wait3A_560 : memref<10240xf32, #tpu.memory_space<vmem_shared>>)
    %dma_wait3A_561 = arith.constant 0 : i32
    %dma_wait3A_562 = arith.constant 0 : i32
    %dma_wait3A_563 = tpu.memref_slice %arg9[%dma_wait3A_561, %dma_wait3A_562] : memref<40x128xi32, #tpu.memory_space<vmem>> -> memref<1x128xi32, #tpu.memory_space<vmem>>
    %dma_wait3A_564 = tpu.memref_squeeze %dma_wait3A_563 : memref<1x128xi32, #tpu.memory_space<vmem>> -> memref<128xi32, #tpu.memory_space<vmem>>
    %dma_wait3A_565 = arith.constant 0 : i32
    %dma_wait3A_566 = tpu.memref_slice %arg14[%dma_wait3A_565] : memref<10240xf32, #tpu.memory_space<vmem_shared>> -> memref<10240xf32, #tpu.memory_space<vmem_shared>>
    tpu.wait_indirect_dma semaphore(%arg19 : memref<!tpu.dma_semaphore, #tpu.memory_space<semaphore_mem>>) src(%arg11 : memref<128xf32, #tpu.memory_space<vmem>>) dst(%dma_wait3A_566 : memref<10240xf32, #tpu.memory_space<vmem_shared>>)
    %dma_wait3A_567 = arith.constant 0 : i32
    %dma_wait3A_568 = arith.constant 0 : i32
    %dma_wait3A_569 = tpu.memref_slice %arg9[%dma_wait3A_567, %dma_wait3A_568] : memref<40x128xi32, #tpu.memory_space<vmem>> -> memref<1x128xi32, #tpu.memory_space<vmem>>
    %dma_wait3A_570 = tpu.memref_squeeze %dma_wait3A_569 : memref<1x128xi32, #tpu.memory_space<vmem>> -> memref<128xi32, #tpu.memory_space<vmem>>
    %dma_wait3A_571 = arith.constant 0 : i32
    %dma_wait3A_572 = tpu.memref_slice %arg14[%dma_wait3A_571] : memref<10240xf32, #tpu.memory_space<vmem_shared>> -> memref<10240xf32, #tpu.memory_space<vmem_shared>>
    tpu.wait_indirect_dma semaphore(%arg19 : memref<!tpu.dma_semaphore, #tpu.memory_space<semaphore_mem>>) src(%arg11 : memref<128xf32, #tpu.memory_space<vmem>>) dst(%dma_wait3A_572 : memref<10240xf32, #tpu.memory_space<vmem_shared>>)
    %dma_wait3A_573 = arith.constant 0 : i32
    %dma_wait3A_574 = arith.constant 0 : i32
    %dma_wait3A_575 = tpu.memref_slice %arg9[%dma_wait3A_573, %dma_wait3A_574] : memref<40x128xi32, #tpu.memory_space<vmem>> -> memref<1x128xi32, #tpu.memory_space<vmem>>
    %dma_wait3A_576 = tpu.memref_squeeze %dma_wait3A_575 : memref<1x128xi32, #tpu.memory_space<vmem>> -> memref<128xi32, #tpu.memory_space<vmem>>
    %dma_wait3A_577 = arith.constant 0 : i32
    %dma_wait3A_578 = tpu.memref_slice %arg14[%dma_wait3A_577] : memref<10240xf32, #tpu.memory_space<vmem_shared>> -> memref<10240xf32, #tpu.memory_space<vmem_shared>>
    tpu.wait_indirect_dma semaphore(%arg19 : memref<!tpu.dma_semaphore, #tpu.memory_space<semaphore_mem>>) src(%arg11 : memref<128xf32, #tpu.memory_space<vmem>>) dst(%dma_wait3A_578 : memref<10240xf32, #tpu.memory_space<vmem_shared>>)
    %dma_wait3A_579 = arith.constant 0 : i32
    %dma_wait3A_580 = arith.constant 0 : i32
    %dma_wait3A_581 = tpu.memref_slice %arg9[%dma_wait3A_579, %dma_wait3A_580] : memref<40x128xi32, #tpu.memory_space<vmem>> -> memref<1x128xi32, #tpu.memory_space<vmem>>
    %dma_wait3A_582 = tpu.memref_squeeze %dma_wait3A_581 : memref<1x128xi32, #tpu.memory_space<vmem>> -> memref<128xi32, #tpu.memory_space<vmem>>
    %dma_wait3A_583 = arith.constant 0 : i32
    %dma_wait3A_584 = tpu.memref_slice %arg14[%dma_wait3A_583] : memref<10240xf32, #tpu.memory_space<vmem_shared>> -> memref<10240xf32, #tpu.memory_space<vmem_shared>>
    tpu.wait_indirect_dma semaphore(%arg19 : memref<!tpu.dma_semaphore, #tpu.memory_space<semaphore_mem>>) src(%arg11 : memref<128xf32, #tpu.memory_space<vmem>>) dst(%dma_wait3A_584 : memref<10240xf32, #tpu.memory_space<vmem_shared>>)
    %dma_wait3A_585 = arith.constant 0 : i32
    %dma_wait3A_586 = arith.constant 0 : i32
    %dma_wait3A_587 = tpu.memref_slice %arg9[%dma_wait3A_585, %dma_wait3A_586] : memref<40x128xi32, #tpu.memory_space<vmem>> -> memref<1x128xi32, #tpu.memory_space<vmem>>
    %dma_wait3A_588 = tpu.memref_squeeze %dma_wait3A_587 : memref<1x128xi32, #tpu.memory_space<vmem>> -> memref<128xi32, #tpu.memory_space<vmem>>
    %dma_wait3A_589 = arith.constant 0 : i32
    %dma_wait3A_590 = tpu.memref_slice %arg14[%dma_wait3A_589] : memref<10240xf32, #tpu.memory_space<vmem_shared>> -> memref<10240xf32, #tpu.memory_space<vmem_shared>>
    tpu.wait_indirect_dma semaphore(%arg19 : memref<!tpu.dma_semaphore, #tpu.memory_space<semaphore_mem>>) src(%arg11 : memref<128xf32, #tpu.memory_space<vmem>>) dst(%dma_wait3A_590 : memref<10240xf32, #tpu.memory_space<vmem_shared>>)
    %dma_wait3A_591 = arith.constant 0 : i32
    %dma_wait3A_592 = arith.constant 0 : i32
    %dma_wait3A_593 = tpu.memref_slice %arg9[%dma_wait3A_591, %dma_wait3A_592] : memref<40x128xi32, #tpu.memory_space<vmem>> -> memref<1x128xi32, #tpu.memory_space<vmem>>
    %dma_wait3A_594 = tpu.memref_squeeze %dma_wait3A_593 : memref<1x128xi32, #tpu.memory_space<vmem>> -> memref<128xi32, #tpu.memory_space<vmem>>
    %dma_wait3A_595 = arith.constant 0 : i32
    %dma_wait3A_596 = tpu.memref_slice %arg14[%dma_wait3A_595] : memref<10240xf32, #tpu.memory_space<vmem_shared>> -> memref<10240xf32, #tpu.memory_space<vmem_shared>>
    tpu.wait_indirect_dma semaphore(%arg19 : memref<!tpu.dma_semaphore, #tpu.memory_space<semaphore_mem>>) src(%arg11 : memref<128xf32, #tpu.memory_space<vmem>>) dst(%dma_wait3A_596 : memref<10240xf32, #tpu.memory_space<vmem_shared>>)
    %dma_wait3A_597 = arith.constant 0 : i32
    %dma_wait3A_598 = arith.constant 0 : i32
    %dma_wait3A_599 = tpu.memref_slice %arg9[%dma_wait3A_597, %dma_wait3A_598] : memref<40x128xi32, #tpu.memory_space<vmem>> -> memref<1x128xi32, #tpu.memory_space<vmem>>
    %dma_wait3A_600 = tpu.memref_squeeze %dma_wait3A_599 : memref<1x128xi32, #tpu.memory_space<vmem>> -> memref<128xi32, #tpu.memory_space<vmem>>
    %dma_wait3A_601 = arith.constant 0 : i32
    %dma_wait3A_602 = tpu.memref_slice %arg14[%dma_wait3A_601] : memref<10240xf32, #tpu.memory_space<vmem_shared>> -> memref<10240xf32, #tpu.memory_space<vmem_shared>>
    tpu.wait_indirect_dma semaphore(%arg19 : memref<!tpu.dma_semaphore, #tpu.memory_space<semaphore_mem>>) src(%arg11 : memref<128xf32, #tpu.memory_space<vmem>>) dst(%dma_wait3A_602 : memref<10240xf32, #tpu.memory_space<vmem_shared>>)
    %dma_wait3A_603 = arith.constant 0 : i32
    %dma_wait3A_604 = arith.constant 0 : i32
    %dma_wait3A_605 = tpu.memref_slice %arg9[%dma_wait3A_603, %dma_wait3A_604] : memref<40x128xi32, #tpu.memory_space<vmem>> -> memref<1x128xi32, #tpu.memory_space<vmem>>
    %dma_wait3A_606 = tpu.memref_squeeze %dma_wait3A_605 : memref<1x128xi32, #tpu.memory_space<vmem>> -> memref<128xi32, #tpu.memory_space<vmem>>
    %dma_wait3A_607 = arith.constant 0 : i32
    %dma_wait3A_608 = tpu.memref_slice %arg14[%dma_wait3A_607] : memref<10240xf32, #tpu.memory_space<vmem_shared>> -> memref<10240xf32, #tpu.memory_space<vmem_shared>>
    tpu.wait_indirect_dma semaphore(%arg19 : memref<!tpu.dma_semaphore, #tpu.memory_space<semaphore_mem>>) src(%arg11 : memref<128xf32, #tpu.memory_space<vmem>>) dst(%dma_wait3A_608 : memref<10240xf32, #tpu.memory_space<vmem_shared>>)
    %dma_wait3A_609 = arith.constant 0 : i32
    %dma_wait3A_610 = arith.constant 0 : i32
    %dma_wait3A_611 = tpu.memref_slice %arg9[%dma_wait3A_609, %dma_wait3A_610] : memref<40x128xi32, #tpu.memory_space<vmem>> -> memref<1x128xi32, #tpu.memory_space<vmem>>
    %dma_wait3A_612 = tpu.memref_squeeze %dma_wait3A_611 : memref<1x128xi32, #tpu.memory_space<vmem>> -> memref<128xi32, #tpu.memory_space<vmem>>
    %dma_wait3A_613 = arith.constant 0 : i32
    %dma_wait3A_614 = tpu.memref_slice %arg14[%dma_wait3A_613] : memref<10240xf32, #tpu.memory_space<vmem_shared>> -> memref<10240xf32, #tpu.memory_space<vmem_shared>>
    tpu.wait_indirect_dma semaphore(%arg19 : memref<!tpu.dma_semaphore, #tpu.memory_space<semaphore_mem>>) src(%arg11 : memref<128xf32, #tpu.memory_space<vmem>>) dst(%dma_wait3A_614 : memref<10240xf32, #tpu.memory_space<vmem_shared>>)
    %dma_wait3A_615 = arith.constant 0 : i32
    %dma_wait3A_616 = arith.constant 0 : i32
    %dma_wait3A_617 = tpu.memref_slice %arg9[%dma_wait3A_615, %dma_wait3A_616] : memref<40x128xi32, #tpu.memory_space<vmem>> -> memref<1x128xi32, #tpu.memory_space<vmem>>
    %dma_wait3A_618 = tpu.memref_squeeze %dma_wait3A_617 : memref<1x128xi32, #tpu.memory_space<vmem>> -> memref<128xi32, #tpu.memory_space<vmem>>
    %dma_wait3A_619 = arith.constant 0 : i32
    %dma_wait3A_620 = tpu.memref_slice %arg14[%dma_wait3A_619] : memref<10240xf32, #tpu.memory_space<vmem_shared>> -> memref<10240xf32, #tpu.memory_space<vmem_shared>>
    tpu.wait_indirect_dma semaphore(%arg19 : memref<!tpu.dma_semaphore, #tpu.memory_space<semaphore_mem>>) src(%arg11 : memref<128xf32, #tpu.memory_space<vmem>>) dst(%dma_wait3A_620 : memref<10240xf32, #tpu.memory_space<vmem_shared>>)
    %dma_wait3A_621 = arith.constant 0 : i32
    %dma_wait3A_622 = arith.constant 0 : i32
    %dma_wait3A_623 = tpu.memref_slice %arg9[%dma_wait3A_621, %dma_wait3A_622] : memref<40x128xi32, #tpu.memory_space<vmem>> -> memref<1x128xi32, #tpu.memory_space<vmem>>
    %dma_wait3A_624 = tpu.memref_squeeze %dma_wait3A_623 : memref<1x128xi32, #tpu.memory_space<vmem>> -> memref<128xi32, #tpu.memory_space<vmem>>
    %dma_wait3A_625 = arith.constant 0 : i32
    %dma_wait3A_626 = tpu.memref_slice %arg14[%dma_wait3A_625] : memref<10240xf32, #tpu.memory_space<vmem_shared>> -> memref<10240xf32, #tpu.memory_space<vmem_shared>>
    tpu.wait_indirect_dma semaphore(%arg19 : memref<!tpu.dma_semaphore, #tpu.memory_space<semaphore_mem>>) src(%arg11 : memref<128xf32, #tpu.memory_space<vmem>>) dst(%dma_wait3A_626 : memref<10240xf32, #tpu.memory_space<vmem_shared>>)
    %dma_wait3A_627 = arith.constant 0 : i32
    %dma_wait3A_628 = arith.constant 0 : i32
    %dma_wait3A_629 = tpu.memref_slice %arg9[%dma_wait3A_627, %dma_wait3A_628] : memref<40x128xi32, #tpu.memory_space<vmem>> -> memref<1x128xi32, #tpu.memory_space<vmem>>
    %dma_wait3A_630 = tpu.memref_squeeze %dma_wait3A_629 : memref<1x128xi32, #tpu.memory_space<vmem>> -> memref<128xi32, #tpu.memory_space<vmem>>
    %dma_wait3A_631 = arith.constant 0 : i32
    %dma_wait3A_632 = tpu.memref_slice %arg14[%dma_wait3A_631] : memref<10240xf32, #tpu.memory_space<vmem_shared>> -> memref<10240xf32, #tpu.memory_space<vmem_shared>>
    tpu.wait_indirect_dma semaphore(%arg19 : memref<!tpu.dma_semaphore, #tpu.memory_space<semaphore_mem>>) src(%arg11 : memref<128xf32, #tpu.memory_space<vmem>>) dst(%dma_wait3A_632 : memref<10240xf32, #tpu.memory_space<vmem_shared>>)
    %dma_wait3A_633 = arith.constant 0 : i32
    %dma_wait3A_634 = arith.constant 0 : i32
    %dma_wait3A_635 = tpu.memref_slice %arg9[%dma_wait3A_633, %dma_wait3A_634] : memref<40x128xi32, #tpu.memory_space<vmem>> -> memref<1x128xi32, #tpu.memory_space<vmem>>
    %dma_wait3A_636 = tpu.memref_squeeze %dma_wait3A_635 : memref<1x128xi32, #tpu.memory_space<vmem>> -> memref<128xi32, #tpu.memory_space<vmem>>
    %dma_wait3A_637 = arith.constant 0 : i32
    %dma_wait3A_638 = tpu.memref_slice %arg14[%dma_wait3A_637] : memref<10240xf32, #tpu.memory_space<vmem_shared>> -> memref<10240xf32, #tpu.memory_space<vmem_shared>>
    tpu.wait_indirect_dma semaphore(%arg19 : memref<!tpu.dma_semaphore, #tpu.memory_space<semaphore_mem>>) src(%arg11 : memref<128xf32, #tpu.memory_space<vmem>>) dst(%dma_wait3A_638 : memref<10240xf32, #tpu.memory_space<vmem_shared>>)
    %dma_wait3A_639 = arith.constant 0 : i32
    %dma_wait3A_640 = arith.constant 0 : i32
    %dma_wait3A_641 = tpu.memref_slice %arg9[%dma_wait3A_639, %dma_wait3A_640] : memref<40x128xi32, #tpu.memory_space<vmem>> -> memref<1x128xi32, #tpu.memory_space<vmem>>
    %dma_wait3A_642 = tpu.memref_squeeze %dma_wait3A_641 : memref<1x128xi32, #tpu.memory_space<vmem>> -> memref<128xi32, #tpu.memory_space<vmem>>
    %dma_wait3A_643 = arith.constant 0 : i32
    %dma_wait3A_644 = tpu.memref_slice %arg14[%dma_wait3A_643] : memref<10240xf32, #tpu.memory_space<vmem_shared>> -> memref<10240xf32, #tpu.memory_space<vmem_shared>>
    tpu.wait_indirect_dma semaphore(%arg19 : memref<!tpu.dma_semaphore, #tpu.memory_space<semaphore_mem>>) src(%arg11 : memref<128xf32, #tpu.memory_space<vmem>>) dst(%dma_wait3A_644 : memref<10240xf32, #tpu.memory_space<vmem_shared>>)
    %dma_wait3A_645 = arith.constant 0 : i32
    %dma_wait3A_646 = arith.constant 0 : i32
    %dma_wait3A_647 = tpu.memref_slice %arg9[%dma_wait3A_645, %dma_wait3A_646] : memref<40x128xi32, #tpu.memory_space<vmem>> -> memref<1x128xi32, #tpu.memory_space<vmem>>
    %dma_wait3A_648 = tpu.memref_squeeze %dma_wait3A_647 : memref<1x128xi32, #tpu.memory_space<vmem>> -> memref<128xi32, #tpu.memory_space<vmem>>
    %dma_wait3A_649 = arith.constant 0 : i32
    %dma_wait3A_650 = tpu.memref_slice %arg14[%dma_wait3A_649] : memref<10240xf32, #tpu.memory_space<vmem_shared>> -> memref<10240xf32, #tpu.memory_space<vmem_shared>>
    tpu.wait_indirect_dma semaphore(%arg19 : memref<!tpu.dma_semaphore, #tpu.memory_space<semaphore_mem>>) src(%arg11 : memref<128xf32, #tpu.memory_space<vmem>>) dst(%dma_wait3A_650 : memref<10240xf32, #tpu.memory_space<vmem_shared>>)
    %dma_wait3A_651 = arith.constant 0 : i32
    %dma_wait3A_652 = arith.constant 0 : i32
    %dma_wait3A_653 = tpu.memref_slice %arg9[%dma_wait3A_651, %dma_wait3A_652] : memref<40x128xi32, #tpu.memory_space<vmem>> -> memref<1x128xi32, #tpu.memory_space<vmem>>
    %dma_wait3A_654 = tpu.memref_squeeze %dma_wait3A_653 : memref<1x128xi32, #tpu.memory_space<vmem>> -> memref<128xi32, #tpu.memory_space<vmem>>
    %dma_wait3A_655 = arith.constant 0 : i32
    %dma_wait3A_656 = tpu.memref_slice %arg14[%dma_wait3A_655] : memref<10240xf32, #tpu.memory_space<vmem_shared>> -> memref<10240xf32, #tpu.memory_space<vmem_shared>>
    tpu.wait_indirect_dma semaphore(%arg19 : memref<!tpu.dma_semaphore, #tpu.memory_space<semaphore_mem>>) src(%arg11 : memref<128xf32, #tpu.memory_space<vmem>>) dst(%dma_wait3A_656 : memref<10240xf32, #tpu.memory_space<vmem_shared>>)
    %dma_wait3A_657 = arith.constant 0 : i32
    %dma_wait3A_658 = arith.constant 0 : i32
    %dma_wait3A_659 = tpu.memref_slice %arg9[%dma_wait3A_657, %dma_wait3A_658] : memref<40x128xi32, #tpu.memory_space<vmem>> -> memref<1x128xi32, #tpu.memory_space<vmem>>
    %dma_wait3A_660 = tpu.memref_squeeze %dma_wait3A_659 : memref<1x128xi32, #tpu.memory_space<vmem>> -> memref<128xi32, #tpu.memory_space<vmem>>
    %dma_wait3A_661 = arith.constant 0 : i32
    %dma_wait3A_662 = tpu.memref_slice %arg14[%dma_wait3A_661] : memref<10240xf32, #tpu.memory_space<vmem_shared>> -> memref<10240xf32, #tpu.memory_space<vmem_shared>>
    tpu.wait_indirect_dma semaphore(%arg19 : memref<!tpu.dma_semaphore, #tpu.memory_space<semaphore_mem>>) src(%arg11 : memref<128xf32, #tpu.memory_space<vmem>>) dst(%dma_wait3A_662 : memref<10240xf32, #tpu.memory_space<vmem_shared>>)
    %dma_wait3A_663 = arith.constant 0 : i32
    %dma_wait3A_664 = arith.constant 0 : i32
    %dma_wait3A_665 = tpu.memref_slice %arg9[%dma_wait3A_663, %dma_wait3A_664] : memref<40x128xi32, #tpu.memory_space<vmem>> -> memref<1x128xi32, #tpu.memory_space<vmem>>
    %dma_wait3A_666 = tpu.memref_squeeze %dma_wait3A_665 : memref<1x128xi32, #tpu.memory_space<vmem>> -> memref<128xi32, #tpu.memory_space<vmem>>
    %dma_wait3A_667 = arith.constant 0 : i32
    %dma_wait3A_668 = tpu.memref_slice %arg14[%dma_wait3A_667] : memref<10240xf32, #tpu.memory_space<vmem_shared>> -> memref<10240xf32, #tpu.memory_space<vmem_shared>>
    tpu.wait_indirect_dma semaphore(%arg19 : memref<!tpu.dma_semaphore, #tpu.memory_space<semaphore_mem>>) src(%arg11 : memref<128xf32, #tpu.memory_space<vmem>>) dst(%dma_wait3A_668 : memref<10240xf32, #tpu.memory_space<vmem_shared>>)
    %dma_wait3A_669 = arith.constant 0 : i32
    %dma_wait3A_670 = arith.constant 0 : i32
    %dma_wait3A_671 = tpu.memref_slice %arg9[%dma_wait3A_669, %dma_wait3A_670] : memref<40x128xi32, #tpu.memory_space<vmem>> -> memref<1x128xi32, #tpu.memory_space<vmem>>
    %dma_wait3A_672 = tpu.memref_squeeze %dma_wait3A_671 : memref<1x128xi32, #tpu.memory_space<vmem>> -> memref<128xi32, #tpu.memory_space<vmem>>
    %dma_wait3A_673 = arith.constant 0 : i32
    %dma_wait3A_674 = tpu.memref_slice %arg14[%dma_wait3A_673] : memref<10240xf32, #tpu.memory_space<vmem_shared>> -> memref<10240xf32, #tpu.memory_space<vmem_shared>>
    tpu.wait_indirect_dma semaphore(%arg19 : memref<!tpu.dma_semaphore, #tpu.memory_space<semaphore_mem>>) src(%arg11 : memref<128xf32, #tpu.memory_space<vmem>>) dst(%dma_wait3A_674 : memref<10240xf32, #tpu.memory_space<vmem_shared>>)
    %dma_wait3A_675 = arith.constant 0 : i32
    %dma_wait3A_676 = arith.constant 0 : i32
    %dma_wait3A_677 = tpu.memref_slice %arg9[%dma_wait3A_675, %dma_wait3A_676] : memref<40x128xi32, #tpu.memory_space<vmem>> -> memref<1x128xi32, #tpu.memory_space<vmem>>
    %dma_wait3A_678 = tpu.memref_squeeze %dma_wait3A_677 : memref<1x128xi32, #tpu.memory_space<vmem>> -> memref<128xi32, #tpu.memory_space<vmem>>
    %dma_wait3A_679 = arith.constant 0 : i32
    %dma_wait3A_680 = tpu.memref_slice %arg14[%dma_wait3A_679] : memref<10240xf32, #tpu.memory_space<vmem_shared>> -> memref<10240xf32, #tpu.memory_space<vmem_shared>>
    tpu.wait_indirect_dma semaphore(%arg19 : memref<!tpu.dma_semaphore, #tpu.memory_space<semaphore_mem>>) src(%arg11 : memref<128xf32, #tpu.memory_space<vmem>>) dst(%dma_wait3A_680 : memref<10240xf32, #tpu.memory_space<vmem_shared>>)
    %dma_wait3A_681 = arith.constant 0 : i32
    %dma_wait3A_682 = arith.constant 0 : i32
    %dma_wait3A_683 = tpu.memref_slice %arg9[%dma_wait3A_681, %dma_wait3A_682] : memref<40x128xi32, #tpu.memory_space<vmem>> -> memref<1x128xi32, #tpu.memory_space<vmem>>
    %dma_wait3A_684 = tpu.memref_squeeze %dma_wait3A_683 : memref<1x128xi32, #tpu.memory_space<vmem>> -> memref<128xi32, #tpu.memory_space<vmem>>
    %dma_wait3A_685 = arith.constant 0 : i32
    %dma_wait3A_686 = tpu.memref_slice %arg14[%dma_wait3A_685] : memref<10240xf32, #tpu.memory_space<vmem_shared>> -> memref<10240xf32, #tpu.memory_space<vmem_shared>>
    tpu.wait_indirect_dma semaphore(%arg19 : memref<!tpu.dma_semaphore, #tpu.memory_space<semaphore_mem>>) src(%arg11 : memref<128xf32, #tpu.memory_space<vmem>>) dst(%dma_wait3A_686 : memref<10240xf32, #tpu.memory_space<vmem_shared>>)
    %dma_wait3A_687 = arith.constant 0 : i32
    %dma_wait3A_688 = arith.constant 0 : i32
    %dma_wait3A_689 = tpu.memref_slice %arg9[%dma_wait3A_687, %dma_wait3A_688] : memref<40x128xi32, #tpu.memory_space<vmem>> -> memref<1x128xi32, #tpu.memory_space<vmem>>
    %dma_wait3A_690 = tpu.memref_squeeze %dma_wait3A_689 : memref<1x128xi32, #tpu.memory_space<vmem>> -> memref<128xi32, #tpu.memory_space<vmem>>
    %dma_wait3A_691 = arith.constant 0 : i32
    %dma_wait3A_692 = tpu.memref_slice %arg14[%dma_wait3A_691] : memref<10240xf32, #tpu.memory_space<vmem_shared>> -> memref<10240xf32, #tpu.memory_space<vmem_shared>>
    tpu.wait_indirect_dma semaphore(%arg19 : memref<!tpu.dma_semaphore, #tpu.memory_space<semaphore_mem>>) src(%arg11 : memref<128xf32, #tpu.memory_space<vmem>>) dst(%dma_wait3A_692 : memref<10240xf32, #tpu.memory_space<vmem_shared>>)
    %dma_wait3A_693 = arith.constant 0 : i32
    %dma_wait3A_694 = arith.constant 0 : i32
    %dma_wait3A_695 = tpu.memref_slice %arg9[%dma_wait3A_693, %dma_wait3A_694] : memref<40x128xi32, #tpu.memory_space<vmem>> -> memref<1x128xi32, #tpu.memory_space<vmem>>
    %dma_wait3A_696 = tpu.memref_squeeze %dma_wait3A_695 : memref<1x128xi32, #tpu.memory_space<vmem>> -> memref<128xi32, #tpu.memory_space<vmem>>
    %dma_wait3A_697 = arith.constant 0 : i32
    %dma_wait3A_698 = tpu.memref_slice %arg14[%dma_wait3A_697] : memref<10240xf32, #tpu.memory_space<vmem_shared>> -> memref<10240xf32, #tpu.memory_space<vmem_shared>>
    tpu.wait_indirect_dma semaphore(%arg19 : memref<!tpu.dma_semaphore, #tpu.memory_space<semaphore_mem>>) src(%arg11 : memref<128xf32, #tpu.memory_space<vmem>>) dst(%dma_wait3A_698 : memref<10240xf32, #tpu.memory_space<vmem_shared>>)
    %dma_wait3A_699 = arith.constant 0 : i32
    %dma_wait3A_700 = arith.constant 0 : i32
    %dma_wait3A_701 = tpu.memref_slice %arg9[%dma_wait3A_699, %dma_wait3A_700] : memref<40x128xi32, #tpu.memory_space<vmem>> -> memref<1x128xi32, #tpu.memory_space<vmem>>
    %dma_wait3A_702 = tpu.memref_squeeze %dma_wait3A_701 : memref<1x128xi32, #tpu.memory_space<vmem>> -> memref<128xi32, #tpu.memory_space<vmem>>
    %dma_wait3A_703 = arith.constant 0 : i32
    %dma_wait3A_704 = tpu.memref_slice %arg14[%dma_wait3A_703] : memref<10240xf32, #tpu.memory_space<vmem_shared>> -> memref<10240xf32, #tpu.memory_space<vmem_shared>>
    tpu.wait_indirect_dma semaphore(%arg19 : memref<!tpu.dma_semaphore, #tpu.memory_space<semaphore_mem>>) src(%arg11 : memref<128xf32, #tpu.memory_space<vmem>>) dst(%dma_wait3A_704 : memref<10240xf32, #tpu.memory_space<vmem_shared>>)
    %dma_wait3A_705 = arith.constant 0 : i32
    %dma_wait3A_706 = arith.constant 0 : i32
    %dma_wait3A_707 = tpu.memref_slice %arg9[%dma_wait3A_705, %dma_wait3A_706] : memref<40x128xi32, #tpu.memory_space<vmem>> -> memref<1x128xi32, #tpu.memory_space<vmem>>
    %dma_wait3A_708 = tpu.memref_squeeze %dma_wait3A_707 : memref<1x128xi32, #tpu.memory_space<vmem>> -> memref<128xi32, #tpu.memory_space<vmem>>
    %dma_wait3A_709 = arith.constant 0 : i32
    %dma_wait3A_710 = tpu.memref_slice %arg14[%dma_wait3A_709] : memref<10240xf32, #tpu.memory_space<vmem_shared>> -> memref<10240xf32, #tpu.memory_space<vmem_shared>>
    tpu.wait_indirect_dma semaphore(%arg19 : memref<!tpu.dma_semaphore, #tpu.memory_space<semaphore_mem>>) src(%arg11 : memref<128xf32, #tpu.memory_space<vmem>>) dst(%dma_wait3A_710 : memref<10240xf32, #tpu.memory_space<vmem_shared>>)
    %dma_wait3A_711 = arith.constant 0 : i32
    %dma_wait3A_712 = arith.constant 0 : i32
    %dma_wait3A_713 = tpu.memref_slice %arg9[%dma_wait3A_711, %dma_wait3A_712] : memref<40x128xi32, #tpu.memory_space<vmem>> -> memref<1x128xi32, #tpu.memory_space<vmem>>
    %dma_wait3A_714 = tpu.memref_squeeze %dma_wait3A_713 : memref<1x128xi32, #tpu.memory_space<vmem>> -> memref<128xi32, #tpu.memory_space<vmem>>
    %dma_wait3A_715 = arith.constant 0 : i32
    %dma_wait3A_716 = tpu.memref_slice %arg14[%dma_wait3A_715] : memref<10240xf32, #tpu.memory_space<vmem_shared>> -> memref<10240xf32, #tpu.memory_space<vmem_shared>>
    tpu.wait_indirect_dma semaphore(%arg19 : memref<!tpu.dma_semaphore, #tpu.memory_space<semaphore_mem>>) src(%arg11 : memref<128xf32, #tpu.memory_space<vmem>>) dst(%dma_wait3A_716 : memref<10240xf32, #tpu.memory_space<vmem_shared>>)
    %dma_wait3A_717 = arith.constant 0 : i32
    %dma_wait3A_718 = arith.constant 0 : i32
    %dma_wait3A_719 = tpu.memref_slice %arg9[%dma_wait3A_717, %dma_wait3A_718] : memref<40x128xi32, #tpu.memory_space<vmem>> -> memref<1x128xi32, #tpu.memory_space<vmem>>
    %dma_wait3A_720 = tpu.memref_squeeze %dma_wait3A_719 : memref<1x128xi32, #tpu.memory_space<vmem>> -> memref<128xi32, #tpu.memory_space<vmem>>
    %dma_wait3A_721 = arith.constant 0 : i32
    %dma_wait3A_722 = tpu.memref_slice %arg14[%dma_wait3A_721] : memref<10240xf32, #tpu.memory_space<vmem_shared>> -> memref<10240xf32, #tpu.memory_space<vmem_shared>>
    tpu.wait_indirect_dma semaphore(%arg19 : memref<!tpu.dma_semaphore, #tpu.memory_space<semaphore_mem>>) src(%arg11 : memref<128xf32, #tpu.memory_space<vmem>>) dst(%dma_wait3A_722 : memref<10240xf32, #tpu.memory_space<vmem_shared>>)
    %dma_wait3A_723 = arith.constant 0 : i32
    %dma_wait3A_724 = arith.constant 0 : i32
    %dma_wait3A_725 = tpu.memref_slice %arg9[%dma_wait3A_723, %dma_wait3A_724] : memref<40x128xi32, #tpu.memory_space<vmem>> -> memref<1x128xi32, #tpu.memory_space<vmem>>
    %dma_wait3A_726 = tpu.memref_squeeze %dma_wait3A_725 : memref<1x128xi32, #tpu.memory_space<vmem>> -> memref<128xi32, #tpu.memory_space<vmem>>
    %dma_wait3A_727 = arith.constant 0 : i32
    %dma_wait3A_728 = tpu.memref_slice %arg14[%dma_wait3A_727] : memref<10240xf32, #tpu.memory_space<vmem_shared>> -> memref<10240xf32, #tpu.memory_space<vmem_shared>>
    tpu.wait_indirect_dma semaphore(%arg19 : memref<!tpu.dma_semaphore, #tpu.memory_space<semaphore_mem>>) src(%arg11 : memref<128xf32, #tpu.memory_space<vmem>>) dst(%dma_wait3A_728 : memref<10240xf32, #tpu.memory_space<vmem_shared>>)
    %dma_wait3A_729 = arith.constant 0 : i32
    %dma_wait3A_730 = arith.constant 0 : i32
    %dma_wait3A_731 = tpu.memref_slice %arg9[%dma_wait3A_729, %dma_wait3A_730] : memref<40x128xi32, #tpu.memory_space<vmem>> -> memref<1x128xi32, #tpu.memory_space<vmem>>
    %dma_wait3A_732 = tpu.memref_squeeze %dma_wait3A_731 : memref<1x128xi32, #tpu.memory_space<vmem>> -> memref<128xi32, #tpu.memory_space<vmem>>
    %dma_wait3A_733 = arith.constant 0 : i32
    %dma_wait3A_734 = tpu.memref_slice %arg14[%dma_wait3A_733] : memref<10240xf32, #tpu.memory_space<vmem_shared>> -> memref<10240xf32, #tpu.memory_space<vmem_shared>>
    tpu.wait_indirect_dma semaphore(%arg19 : memref<!tpu.dma_semaphore, #tpu.memory_space<semaphore_mem>>) src(%arg11 : memref<128xf32, #tpu.memory_space<vmem>>) dst(%dma_wait3A_734 : memref<10240xf32, #tpu.memory_space<vmem_shared>>)
    %dma_wait3A_735 = arith.constant 0 : i32
    %dma_wait3A_736 = arith.constant 0 : i32
    %dma_wait3A_737 = tpu.memref_slice %arg9[%dma_wait3A_735, %dma_wait3A_736] : memref<40x128xi32, #tpu.memory_space<vmem>> -> memref<1x128xi32, #tpu.memory_space<vmem>>
    %dma_wait3A_738 = tpu.memref_squeeze %dma_wait3A_737 : memref<1x128xi32, #tpu.memory_space<vmem>> -> memref<128xi32, #tpu.memory_space<vmem>>
    %dma_wait3A_739 = arith.constant 0 : i32
    %dma_wait3A_740 = tpu.memref_slice %arg14[%dma_wait3A_739] : memref<10240xf32, #tpu.memory_space<vmem_shared>> -> memref<10240xf32, #tpu.memory_space<vmem_shared>>
    tpu.wait_indirect_dma semaphore(%arg19 : memref<!tpu.dma_semaphore, #tpu.memory_space<semaphore_mem>>) src(%arg11 : memref<128xf32, #tpu.memory_space<vmem>>) dst(%dma_wait3A_740 : memref<10240xf32, #tpu.memory_space<vmem_shared>>)
    %dma_wait3A_741 = arith.constant 0 : i32
    %dma_wait3A_742 = arith.constant 0 : i32
    %dma_wait3A_743 = tpu.memref_slice %arg9[%dma_wait3A_741, %dma_wait3A_742] : memref<40x128xi32, #tpu.memory_space<vmem>> -> memref<1x128xi32, #tpu.memory_space<vmem>>
    %dma_wait3A_744 = tpu.memref_squeeze %dma_wait3A_743 : memref<1x128xi32, #tpu.memory_space<vmem>> -> memref<128xi32, #tpu.memory_space<vmem>>
    %dma_wait3A_745 = arith.constant 0 : i32
    %dma_wait3A_746 = tpu.memref_slice %arg14[%dma_wait3A_745] : memref<10240xf32, #tpu.memory_space<vmem_shared>> -> memref<10240xf32, #tpu.memory_space<vmem_shared>>
    tpu.wait_indirect_dma semaphore(%arg19 : memref<!tpu.dma_semaphore, #tpu.memory_space<semaphore_mem>>) src(%arg11 : memref<128xf32, #tpu.memory_space<vmem>>) dst(%dma_wait3A_746 : memref<10240xf32, #tpu.memory_space<vmem_shared>>)
    %barrier3A_747 = arith.constant 0 : index
    tpu.barrier barrier_id(%barrier3A_747)
    "tpu.region"() ({
      %run_scoped3A_748 = tpu.sem_alloc : memref<!tpu.dma_semaphore, #tpu.memory_space<semaphore_mem>>
      %dma_start3A_749 = arith.constant 0 : i32
      %dma_start3A_750 = tpu.memref_slice %arg6[%arg0, %multiple_of3A, %dma_start3A_749] : memref<2x10240x128xf32, #tpu.memory_space<hbm>> -> memref<1x640x128xf32, #tpu.memory_space<hbm>>
      %dma_start3A_751 = tpu.memref_squeeze %dma_start3A_750 : memref<1x640x128xf32, #tpu.memory_space<hbm>> -> memref<640x128xf32, #tpu.memory_space<hbm>>
      %dma_start3A_752 = arith.constant 0 : i32
      %dma_start3A_753 = tpu.memref_slice %arg13[%multiple_of3A, %dma_start3A_752] : memref<10240x128xf32, #tpu.memory_space<vmem_shared>> -> memref<640x128xf32, #tpu.memory_space<vmem_shared>>
      tpu.enqueue_dma source(%dma_start3A_753 : memref<640x128xf32, #tpu.memory_space<vmem_shared>>) target(%dma_start3A_751 : memref<640x128xf32, #tpu.memory_space<hbm>>) target_semaphore(%run_scoped3A_748 : memref<!tpu.dma_semaphore, #tpu.memory_space<semaphore_mem>>)
      %dma_wait3A_754 = arith.constant 0 : i32
      %dma_wait3A_755 = tpu.memref_slice %arg6[%arg0, %multiple_of3A, %dma_wait3A_754] : memref<2x10240x128xf32, #tpu.memory_space<hbm>> -> memref<1x640x128xf32, #tpu.memory_space<hbm>>
      %dma_wait3A_756 = tpu.memref_squeeze %dma_wait3A_755 : memref<1x640x128xf32, #tpu.memory_space<hbm>> -> memref<640x128xf32, #tpu.memory_space<hbm>>
      %dma_wait3A_757 = arith.constant 0 : i32
      %dma_wait3A_758 = tpu.memref_slice %arg13[%multiple_of3A, %dma_wait3A_757] : memref<10240x128xf32, #tpu.memory_space<vmem_shared>> -> memref<640x128xf32, #tpu.memory_space<vmem_shared>>
      tpu.wait_dma2 semaphore(%run_scoped3A_748 : memref<!tpu.dma_semaphore, #tpu.memory_space<semaphore_mem>>) src(%dma_wait3A_758 : memref<640x128xf32, #tpu.memory_space<vmem_shared>>) dst(%dma_wait3A_756 : memref<640x128xf32, #tpu.memory_space<hbm>>)
      tpu.yield
    }) : () -> ()
    "tpu.region"() ({
      %run_scoped3A_748 = tpu.sem_alloc : memref<!tpu.dma_semaphore, #tpu.memory_space<semaphore_mem>>
      %dma_start3A_749 = tpu.memref_slice %arg7[%arg0, %multiple_of3A] : memref<2x10240xf32, #tpu.memory_space<hbm>> -> memref<1x640xf32, #tpu.memory_space<hbm>>
      %dma_start3A_750 = tpu.memref_squeeze %dma_start3A_749 : memref<1x640xf32, #tpu.memory_space<hbm>> -> memref<640xf32, #tpu.memory_space<hbm>>
      %dma_start3A_751 = tpu.memref_slice %arg14[%multiple_of3A] : memref<10240xf32, #tpu.memory_space<vmem_shared>> -> memref<640xf32, #tpu.memory_space<vmem_shared>>
      tpu.enqueue_dma source(%dma_start3A_751 : memref<640xf32, #tpu.memory_space<vmem_shared>>) target(%dma_start3A_750 : memref<640xf32, #tpu.memory_space<hbm>>) target_semaphore(%run_scoped3A_748 : memref<!tpu.dma_semaphore, #tpu.memory_space<semaphore_mem>>)
      %dma_wait3A_752 = tpu.memref_slice %arg7[%arg0, %multiple_of3A] : memref<2x10240xf32, #tpu.memory_space<hbm>> -> memref<1x640xf32, #tpu.memory_space<hbm>>
      %dma_wait3A_753 = tpu.memref_squeeze %dma_wait3A_752 : memref<1x640xf32, #tpu.memory_space<hbm>> -> memref<640xf32, #tpu.memory_space<hbm>>
      %dma_wait3A_754 = tpu.memref_slice %arg14[%multiple_of3A] : memref<10240xf32, #tpu.memory_space<vmem_shared>> -> memref<640xf32, #tpu.memory_space<vmem_shared>>
      tpu.wait_dma2 semaphore(%run_scoped3A_748 : memref<!tpu.dma_semaphore, #tpu.memory_space<semaphore_mem>>) src(%dma_wait3A_754 : memref<640xf32, #tpu.memory_space<vmem_shared>>) dst(%dma_wait3A_753 : memref<640xf32, #tpu.memory_space<hbm>>)
      tpu.yield
    }) : () -> ()
    return
  }
}

#map = affine_map<(d0, d1) -> (0)>
#map1 = affine_map<(d0, d1) -> (0, 0, 0, 0)>
#map2 = affine_map<(d0, d1) -> (0, 0)>
module attributes {stable_mosaic.version = 14 : i64} {
  func.func @_sc_scalar_body(%arg0: i32, %arg1: i32, %arg2: memref<10240xf32, #tpu.memory_space<hbm>>, %arg3: memref<32x2x40x128xi32, #tpu.memory_space<hbm>>, %arg4: memref<32x2x40x128xi32, #tpu.memory_space<hbm>>, %arg5: memref<32x10240xf32, #tpu.memory_space<hbm>>, %arg6: memref<10240xf32, #tpu.memory_space<vmem>>, %arg7: memref<10240xf32, #tpu.memory_space<vmem>>, %arg8: memref<2x40x128xi32, #tpu.memory_space<vmem>>, %arg9: memref<2x40x128xi32, #tpu.memory_space<vmem>>) attributes {dimension_semantics = [#tpu.dimension_semantics<core_parallel>, #tpu.dimension_semantics<subcore_parallel>], iteration_bounds = array<i64: 2, 16>, scalar_prefetch = 0 : i64, scratch_operands = 4 : i64, tpu.core_type = #tpu.core_type<sc_vector_subcore>, window_params = [{transform_indices = #map}, {transform_indices = #map1}, {transform_indices = #map1}, {transform_indices = #map2}]} {
    %mul3A = arith.constant 2 : i32
    %mul3A_0 = arith.muli %arg1, %mul3A : i32
    %add3A = arith.addi %mul3A_0, %arg0 : i32
    "tpu.region"() ({
      %run_scoped3A_19 = tpu.sem_alloc : memref<!tpu.dma_semaphore, #tpu.memory_space<semaphore_mem>>
      tpu.enqueue_dma source(%arg2 : memref<10240xf32, #tpu.memory_space<hbm>>) target(%arg6 : memref<10240xf32, #tpu.memory_space<vmem>>) target_semaphore(%run_scoped3A_19 : memref<!tpu.dma_semaphore, #tpu.memory_space<semaphore_mem>>)
      tpu.wait_dma2 semaphore(%run_scoped3A_19 : memref<!tpu.dma_semaphore, #tpu.memory_space<semaphore_mem>>) src(%arg2 : memref<10240xf32, #tpu.memory_space<hbm>>) dst(%arg6 : memref<10240xf32, #tpu.memory_space<vmem>>)
      tpu.yield
    }) : () -> ()
    %run_scoped3A = arith.constant 0 : i32
    %run_scoped3A_1 = arith.constant 0 : i32
    "tpu.region"() ({
      %run_scoped3A_19 = tpu.sem_alloc : memref<!tpu.dma_semaphore, #tpu.memory_space<semaphore_mem>>
      %dma_start3A = arith.constant 0 : i32
      %dma_start3A_20 = arith.constant 0 : i32
      %dma_start3A_21 = tpu.memref_slice %arg8[%run_scoped3A_1, %dma_start3A, %dma_start3A_20] : memref<2x40x128xi32, #tpu.memory_space<vmem>> -> memref<1x40x128xi32, #tpu.memory_space<vmem>>
      %dma_start3A_22 = tpu.memref_squeeze %dma_start3A_21 : memref<1x40x128xi32, #tpu.memory_space<vmem>> -> memref<40x128xi32, #tpu.memory_space<vmem>>
      %dma_start3A_23 = arith.constant 0 : i32
      %dma_start3A_24 = arith.constant 0 : i32
      %dma_start3A_25 = tpu.memref_slice %arg3[%add3A, %run_scoped3A, %dma_start3A_23, %dma_start3A_24] : memref<32x2x40x128xi32, #tpu.memory_space<hbm>> -> memref<1x1x40x128xi32, #tpu.memory_space<hbm>>
      %dma_start3A_26 = tpu.memref_squeeze %dma_start3A_25 : memref<1x1x40x128xi32, #tpu.memory_space<hbm>> -> memref<40x128xi32, #tpu.memory_space<hbm>>
      %dma_start3A_27 = arith.constant 0 : i32
      %dma_start3A_28 = arith.constant 0 : i32
      %dma_start3A_29 = tpu.memref_slice %arg8[%run_scoped3A_1, %dma_start3A_27, %dma_start3A_28] : memref<2x40x128xi32, #tpu.memory_space<vmem>> -> memref<1x40x128xi32, #tpu.memory_space<vmem>>
      %dma_start3A_30 = tpu.memref_squeeze %dma_start3A_29 : memref<1x40x128xi32, #tpu.memory_space<vmem>> -> memref<40x128xi32, #tpu.memory_space<vmem>>
      %dma_start3A_31 = arith.constant 0 : i32
      %dma_start3A_32 = arith.constant 0 : i32
      %dma_start3A_33 = tpu.memref_slice %arg3[%add3A, %run_scoped3A, %dma_start3A_31, %dma_start3A_32] : memref<32x2x40x128xi32, #tpu.memory_space<hbm>> -> memref<1x1x40x128xi32, #tpu.memory_space<hbm>>
      %dma_start3A_34 = tpu.memref_squeeze %dma_start3A_33 : memref<1x1x40x128xi32, #tpu.memory_space<hbm>> -> memref<40x128xi32, #tpu.memory_space<hbm>>
      tpu.enqueue_dma source(%dma_start3A_34 : memref<40x128xi32, #tpu.memory_space<hbm>>) target(%dma_start3A_30 : memref<40x128xi32, #tpu.memory_space<vmem>>) target_semaphore(%run_scoped3A_19 : memref<!tpu.dma_semaphore, #tpu.memory_space<semaphore_mem>>)
      %dma_wait3A = arith.constant 0 : i32
      %dma_wait3A_35 = arith.constant 0 : i32
      %dma_wait3A_36 = tpu.memref_slice %arg8[%run_scoped3A_1, %dma_wait3A, %dma_wait3A_35] : memref<2x40x128xi32, #tpu.memory_space<vmem>> -> memref<1x40x128xi32, #tpu.memory_space<vmem>>
      %dma_wait3A_37 = tpu.memref_squeeze %dma_wait3A_36 : memref<1x40x128xi32, #tpu.memory_space<vmem>> -> memref<40x128xi32, #tpu.memory_space<vmem>>
      %dma_wait3A_38 = arith.constant 0 : i32
      %dma_wait3A_39 = arith.constant 0 : i32
      %dma_wait3A_40 = tpu.memref_slice %arg3[%add3A, %run_scoped3A, %dma_wait3A_38, %dma_wait3A_39] : memref<32x2x40x128xi32, #tpu.memory_space<hbm>> -> memref<1x1x40x128xi32, #tpu.memory_space<hbm>>
      %dma_wait3A_41 = tpu.memref_squeeze %dma_wait3A_40 : memref<1x1x40x128xi32, #tpu.memory_space<hbm>> -> memref<40x128xi32, #tpu.memory_space<hbm>>
      %dma_wait3A_42 = arith.constant 0 : i32
      %dma_wait3A_43 = arith.constant 0 : i32
      %dma_wait3A_44 = tpu.memref_slice %arg8[%run_scoped3A_1, %dma_wait3A_42, %dma_wait3A_43] : memref<2x40x128xi32, #tpu.memory_space<vmem>> -> memref<1x40x128xi32, #tpu.memory_space<vmem>>
      %dma_wait3A_45 = tpu.memref_squeeze %dma_wait3A_44 : memref<1x40x128xi32, #tpu.memory_space<vmem>> -> memref<40x128xi32, #tpu.memory_space<vmem>>
      %dma_wait3A_46 = arith.constant 0 : i32
      %dma_wait3A_47 = arith.constant 0 : i32
      %dma_wait3A_48 = tpu.memref_slice %arg3[%add3A, %run_scoped3A, %dma_wait3A_46, %dma_wait3A_47] : memref<32x2x40x128xi32, #tpu.memory_space<hbm>> -> memref<1x1x40x128xi32, #tpu.memory_space<hbm>>
      %dma_wait3A_49 = tpu.memref_squeeze %dma_wait3A_48 : memref<1x1x40x128xi32, #tpu.memory_space<hbm>> -> memref<40x128xi32, #tpu.memory_space<hbm>>
      tpu.wait_dma2 semaphore(%run_scoped3A_19 : memref<!tpu.dma_semaphore, #tpu.memory_space<semaphore_mem>>) src(%dma_wait3A_49 : memref<40x128xi32, #tpu.memory_space<hbm>>) dst(%dma_wait3A_45 : memref<40x128xi32, #tpu.memory_space<vmem>>)
      tpu.yield
    }) : () -> ()
    %run_scoped3A_2 = arith.constant 0 : i32
    %run_scoped3A_3 = arith.constant 0 : i32
    "tpu.region"() ({
      %run_scoped3A_19 = tpu.sem_alloc : memref<!tpu.dma_semaphore, #tpu.memory_space<semaphore_mem>>
      %dma_start3A = arith.constant 0 : i32
      %dma_start3A_20 = arith.constant 0 : i32
      %dma_start3A_21 = tpu.memref_slice %arg9[%run_scoped3A_3, %dma_start3A, %dma_start3A_20] : memref<2x40x128xi32, #tpu.memory_space<vmem>> -> memref<1x40x128xi32, #tpu.memory_space<vmem>>
      %dma_start3A_22 = tpu.memref_squeeze %dma_start3A_21 : memref<1x40x128xi32, #tpu.memory_space<vmem>> -> memref<40x128xi32, #tpu.memory_space<vmem>>
      %dma_start3A_23 = arith.constant 0 : i32
      %dma_start3A_24 = arith.constant 0 : i32
      %dma_start3A_25 = tpu.memref_slice %arg4[%add3A, %run_scoped3A_2, %dma_start3A_23, %dma_start3A_24] : memref<32x2x40x128xi32, #tpu.memory_space<hbm>> -> memref<1x1x40x128xi32, #tpu.memory_space<hbm>>
      %dma_start3A_26 = tpu.memref_squeeze %dma_start3A_25 : memref<1x1x40x128xi32, #tpu.memory_space<hbm>> -> memref<40x128xi32, #tpu.memory_space<hbm>>
      %dma_start3A_27 = arith.constant 0 : i32
      %dma_start3A_28 = arith.constant 0 : i32
      %dma_start3A_29 = tpu.memref_slice %arg9[%run_scoped3A_3, %dma_start3A_27, %dma_start3A_28] : memref<2x40x128xi32, #tpu.memory_space<vmem>> -> memref<1x40x128xi32, #tpu.memory_space<vmem>>
      %dma_start3A_30 = tpu.memref_squeeze %dma_start3A_29 : memref<1x40x128xi32, #tpu.memory_space<vmem>> -> memref<40x128xi32, #tpu.memory_space<vmem>>
      %dma_start3A_31 = arith.constant 0 : i32
      %dma_start3A_32 = arith.constant 0 : i32
      %dma_start3A_33 = tpu.memref_slice %arg4[%add3A, %run_scoped3A_2, %dma_start3A_31, %dma_start3A_32] : memref<32x2x40x128xi32, #tpu.memory_space<hbm>> -> memref<1x1x40x128xi32, #tpu.memory_space<hbm>>
      %dma_start3A_34 = tpu.memref_squeeze %dma_start3A_33 : memref<1x1x40x128xi32, #tpu.memory_space<hbm>> -> memref<40x128xi32, #tpu.memory_space<hbm>>
      tpu.enqueue_dma source(%dma_start3A_34 : memref<40x128xi32, #tpu.memory_space<hbm>>) target(%dma_start3A_30 : memref<40x128xi32, #tpu.memory_space<vmem>>) target_semaphore(%run_scoped3A_19 : memref<!tpu.dma_semaphore, #tpu.memory_space<semaphore_mem>>)
      %dma_wait3A = arith.constant 0 : i32
      %dma_wait3A_35 = arith.constant 0 : i32
      %dma_wait3A_36 = tpu.memref_slice %arg9[%run_scoped3A_3, %dma_wait3A, %dma_wait3A_35] : memref<2x40x128xi32, #tpu.memory_space<vmem>> -> memref<1x40x128xi32, #tpu.memory_space<vmem>>
      %dma_wait3A_37 = tpu.memref_squeeze %dma_wait3A_36 : memref<1x40x128xi32, #tpu.memory_space<vmem>> -> memref<40x128xi32, #tpu.memory_space<vmem>>
      %dma_wait3A_38 = arith.constant 0 : i32
      %dma_wait3A_39 = arith.constant 0 : i32
      %dma_wait3A_40 = tpu.memref_slice %arg4[%add3A, %run_scoped3A_2, %dma_wait3A_38, %dma_wait3A_39] : memref<32x2x40x128xi32, #tpu.memory_space<hbm>> -> memref<1x1x40x128xi32, #tpu.memory_space<hbm>>
      %dma_wait3A_41 = tpu.memref_squeeze %dma_wait3A_40 : memref<1x1x40x128xi32, #tpu.memory_space<hbm>> -> memref<40x128xi32, #tpu.memory_space<hbm>>
      %dma_wait3A_42 = arith.constant 0 : i32
      %dma_wait3A_43 = arith.constant 0 : i32
      %dma_wait3A_44 = tpu.memref_slice %arg9[%run_scoped3A_3, %dma_wait3A_42, %dma_wait3A_43] : memref<2x40x128xi32, #tpu.memory_space<vmem>> -> memref<1x40x128xi32, #tpu.memory_space<vmem>>
      %dma_wait3A_45 = tpu.memref_squeeze %dma_wait3A_44 : memref<1x40x128xi32, #tpu.memory_space<vmem>> -> memref<40x128xi32, #tpu.memory_space<vmem>>
      %dma_wait3A_46 = arith.constant 0 : i32
      %dma_wait3A_47 = arith.constant 0 : i32
      %dma_wait3A_48 = tpu.memref_slice %arg4[%add3A, %run_scoped3A_2, %dma_wait3A_46, %dma_wait3A_47] : memref<32x2x40x128xi32, #tpu.memory_space<hbm>> -> memref<1x1x40x128xi32, #tpu.memory_space<hbm>>
      %dma_wait3A_49 = tpu.memref_squeeze %dma_wait3A_48 : memref<1x1x40x128xi32, #tpu.memory_space<hbm>> -> memref<40x128xi32, #tpu.memory_space<hbm>>
      tpu.wait_dma2 semaphore(%run_scoped3A_19 : memref<!tpu.dma_semaphore, #tpu.memory_space<semaphore_mem>>) src(%dma_wait3A_49 : memref<40x128xi32, #tpu.memory_space<hbm>>) dst(%dma_wait3A_45 : memref<40x128xi32, #tpu.memory_space<vmem>>)
      tpu.yield
    }) : () -> ()
    %run_scoped3A_4 = arith.constant 1 : i32
    %run_scoped3A_5 = arith.constant 1 : i32
    "tpu.region"() ({
      %run_scoped3A_19 = tpu.sem_alloc : memref<!tpu.dma_semaphore, #tpu.memory_space<semaphore_mem>>
      %dma_start3A = arith.constant 0 : i32
      %dma_start3A_20 = arith.constant 0 : i32
      %dma_start3A_21 = tpu.memref_slice %arg8[%run_scoped3A_5, %dma_start3A, %dma_start3A_20] : memref<2x40x128xi32, #tpu.memory_space<vmem>> -> memref<1x40x128xi32, #tpu.memory_space<vmem>>
      %dma_start3A_22 = tpu.memref_squeeze %dma_start3A_21 : memref<1x40x128xi32, #tpu.memory_space<vmem>> -> memref<40x128xi32, #tpu.memory_space<vmem>>
      %dma_start3A_23 = arith.constant 0 : i32
      %dma_start3A_24 = arith.constant 0 : i32
      %dma_start3A_25 = tpu.memref_slice %arg3[%add3A, %run_scoped3A_4, %dma_start3A_23, %dma_start3A_24] : memref<32x2x40x128xi32, #tpu.memory_space<hbm>> -> memref<1x1x40x128xi32, #tpu.memory_space<hbm>>
      %dma_start3A_26 = tpu.memref_squeeze %dma_start3A_25 : memref<1x1x40x128xi32, #tpu.memory_space<hbm>> -> memref<40x128xi32, #tpu.memory_space<hbm>>
      %dma_start3A_27 = arith.constant 0 : i32
      %dma_start3A_28 = arith.constant 0 : i32
      %dma_start3A_29 = tpu.memref_slice %arg8[%run_scoped3A_5, %dma_start3A_27, %dma_start3A_28] : memref<2x40x128xi32, #tpu.memory_space<vmem>> -> memref<1x40x128xi32, #tpu.memory_space<vmem>>
      %dma_start3A_30 = tpu.memref_squeeze %dma_start3A_29 : memref<1x40x128xi32, #tpu.memory_space<vmem>> -> memref<40x128xi32, #tpu.memory_space<vmem>>
      %dma_start3A_31 = arith.constant 0 : i32
      %dma_start3A_32 = arith.constant 0 : i32
      %dma_start3A_33 = tpu.memref_slice %arg3[%add3A, %run_scoped3A_4, %dma_start3A_31, %dma_start3A_32] : memref<32x2x40x128xi32, #tpu.memory_space<hbm>> -> memref<1x1x40x128xi32, #tpu.memory_space<hbm>>
      %dma_start3A_34 = tpu.memref_squeeze %dma_start3A_33 : memref<1x1x40x128xi32, #tpu.memory_space<hbm>> -> memref<40x128xi32, #tpu.memory_space<hbm>>
      tpu.enqueue_dma source(%dma_start3A_34 : memref<40x128xi32, #tpu.memory_space<hbm>>) target(%dma_start3A_30 : memref<40x128xi32, #tpu.memory_space<vmem>>) target_semaphore(%run_scoped3A_19 : memref<!tpu.dma_semaphore, #tpu.memory_space<semaphore_mem>>)
      %dma_wait3A = arith.constant 0 : i32
      %dma_wait3A_35 = arith.constant 0 : i32
      %dma_wait3A_36 = tpu.memref_slice %arg8[%run_scoped3A_5, %dma_wait3A, %dma_wait3A_35] : memref<2x40x128xi32, #tpu.memory_space<vmem>> -> memref<1x40x128xi32, #tpu.memory_space<vmem>>
      %dma_wait3A_37 = tpu.memref_squeeze %dma_wait3A_36 : memref<1x40x128xi32, #tpu.memory_space<vmem>> -> memref<40x128xi32, #tpu.memory_space<vmem>>
      %dma_wait3A_38 = arith.constant 0 : i32
      %dma_wait3A_39 = arith.constant 0 : i32
      %dma_wait3A_40 = tpu.memref_slice %arg3[%add3A, %run_scoped3A_4, %dma_wait3A_38, %dma_wait3A_39] : memref<32x2x40x128xi32, #tpu.memory_space<hbm>> -> memref<1x1x40x128xi32, #tpu.memory_space<hbm>>
      %dma_wait3A_41 = tpu.memref_squeeze %dma_wait3A_40 : memref<1x1x40x128xi32, #tpu.memory_space<hbm>> -> memref<40x128xi32, #tpu.memory_space<hbm>>
      %dma_wait3A_42 = arith.constant 0 : i32
      %dma_wait3A_43 = arith.constant 0 : i32
      %dma_wait3A_44 = tpu.memref_slice %arg8[%run_scoped3A_5, %dma_wait3A_42, %dma_wait3A_43] : memref<2x40x128xi32, #tpu.memory_space<vmem>> -> memref<1x40x128xi32, #tpu.memory_space<vmem>>
      %dma_wait3A_45 = tpu.memref_squeeze %dma_wait3A_44 : memref<1x40x128xi32, #tpu.memory_space<vmem>> -> memref<40x128xi32, #tpu.memory_space<vmem>>
      %dma_wait3A_46 = arith.constant 0 : i32
      %dma_wait3A_47 = arith.constant 0 : i32
      %dma_wait3A_48 = tpu.memref_slice %arg3[%add3A, %run_scoped3A_4, %dma_wait3A_46, %dma_wait3A_47] : memref<32x2x40x128xi32, #tpu.memory_space<hbm>> -> memref<1x1x40x128xi32, #tpu.memory_space<hbm>>
      %dma_wait3A_49 = tpu.memref_squeeze %dma_wait3A_48 : memref<1x1x40x128xi32, #tpu.memory_space<hbm>> -> memref<40x128xi32, #tpu.memory_space<hbm>>
      tpu.wait_dma2 semaphore(%run_scoped3A_19 : memref<!tpu.dma_semaphore, #tpu.memory_space<semaphore_mem>>) src(%dma_wait3A_49 : memref<40x128xi32, #tpu.memory_space<hbm>>) dst(%dma_wait3A_45 : memref<40x128xi32, #tpu.memory_space<vmem>>)
      tpu.yield
    }) : () -> ()
    %run_scoped3A_6 = arith.constant 1 : i32
    %run_scoped3A_7 = arith.constant 1 : i32
    "tpu.region"() ({
      %run_scoped3A_19 = tpu.sem_alloc : memref<!tpu.dma_semaphore, #tpu.memory_space<semaphore_mem>>
      %dma_start3A = arith.constant 0 : i32
      %dma_start3A_20 = arith.constant 0 : i32
      %dma_start3A_21 = tpu.memref_slice %arg9[%run_scoped3A_7, %dma_start3A, %dma_start3A_20] : memref<2x40x128xi32, #tpu.memory_space<vmem>> -> memref<1x40x128xi32, #tpu.memory_space<vmem>>
      %dma_start3A_22 = tpu.memref_squeeze %dma_start3A_21 : memref<1x40x128xi32, #tpu.memory_space<vmem>> -> memref<40x128xi32, #tpu.memory_space<vmem>>
      %dma_start3A_23 = arith.constant 0 : i32
      %dma_start3A_24 = arith.constant 0 : i32
      %dma_start3A_25 = tpu.memref_slice %arg4[%add3A, %run_scoped3A_6, %dma_start3A_23, %dma_start3A_24] : memref<32x2x40x128xi32, #tpu.memory_space<hbm>> -> memref<1x1x40x128xi32, #tpu.memory_space<hbm>>
      %dma_start3A_26 = tpu.memref_squeeze %dma_start3A_25 : memref<1x1x40x128xi32, #tpu.memory_space<hbm>> -> memref<40x128xi32, #tpu.memory_space<hbm>>
      %dma_start3A_27 = arith.constant 0 : i32
      %dma_start3A_28 = arith.constant 0 : i32
      %dma_start3A_29 = tpu.memref_slice %arg9[%run_scoped3A_7, %dma_start3A_27, %dma_start3A_28] : memref<2x40x128xi32, #tpu.memory_space<vmem>> -> memref<1x40x128xi32, #tpu.memory_space<vmem>>
      %dma_start3A_30 = tpu.memref_squeeze %dma_start3A_29 : memref<1x40x128xi32, #tpu.memory_space<vmem>> -> memref<40x128xi32, #tpu.memory_space<vmem>>
      %dma_start3A_31 = arith.constant 0 : i32
      %dma_start3A_32 = arith.constant 0 : i32
      %dma_start3A_33 = tpu.memref_slice %arg4[%add3A, %run_scoped3A_6, %dma_start3A_31, %dma_start3A_32] : memref<32x2x40x128xi32, #tpu.memory_space<hbm>> -> memref<1x1x40x128xi32, #tpu.memory_space<hbm>>
      %dma_start3A_34 = tpu.memref_squeeze %dma_start3A_33 : memref<1x1x40x128xi32, #tpu.memory_space<hbm>> -> memref<40x128xi32, #tpu.memory_space<hbm>>
      tpu.enqueue_dma source(%dma_start3A_34 : memref<40x128xi32, #tpu.memory_space<hbm>>) target(%dma_start3A_30 : memref<40x128xi32, #tpu.memory_space<vmem>>) target_semaphore(%run_scoped3A_19 : memref<!tpu.dma_semaphore, #tpu.memory_space<semaphore_mem>>)
      %dma_wait3A = arith.constant 0 : i32
      %dma_wait3A_35 = arith.constant 0 : i32
      %dma_wait3A_36 = tpu.memref_slice %arg9[%run_scoped3A_7, %dma_wait3A, %dma_wait3A_35] : memref<2x40x128xi32, #tpu.memory_space<vmem>> -> memref<1x40x128xi32, #tpu.memory_space<vmem>>
      %dma_wait3A_37 = tpu.memref_squeeze %dma_wait3A_36 : memref<1x40x128xi32, #tpu.memory_space<vmem>> -> memref<40x128xi32, #tpu.memory_space<vmem>>
      %dma_wait3A_38 = arith.constant 0 : i32
      %dma_wait3A_39 = arith.constant 0 : i32
      %dma_wait3A_40 = tpu.memref_slice %arg4[%add3A, %run_scoped3A_6, %dma_wait3A_38, %dma_wait3A_39] : memref<32x2x40x128xi32, #tpu.memory_space<hbm>> -> memref<1x1x40x128xi32, #tpu.memory_space<hbm>>
      %dma_wait3A_41 = tpu.memref_squeeze %dma_wait3A_40 : memref<1x1x40x128xi32, #tpu.memory_space<hbm>> -> memref<40x128xi32, #tpu.memory_space<hbm>>
      %dma_wait3A_42 = arith.constant 0 : i32
      %dma_wait3A_43 = arith.constant 0 : i32
      %dma_wait3A_44 = tpu.memref_slice %arg9[%run_scoped3A_7, %dma_wait3A_42, %dma_wait3A_43] : memref<2x40x128xi32, #tpu.memory_space<vmem>> -> memref<1x40x128xi32, #tpu.memory_space<vmem>>
      %dma_wait3A_45 = tpu.memref_squeeze %dma_wait3A_44 : memref<1x40x128xi32, #tpu.memory_space<vmem>> -> memref<40x128xi32, #tpu.memory_space<vmem>>
      %dma_wait3A_46 = arith.constant 0 : i32
      %dma_wait3A_47 = arith.constant 0 : i32
      %dma_wait3A_48 = tpu.memref_slice %arg4[%add3A, %run_scoped3A_6, %dma_wait3A_46, %dma_wait3A_47] : memref<32x2x40x128xi32, #tpu.memory_space<hbm>> -> memref<1x1x40x128xi32, #tpu.memory_space<hbm>>
      %dma_wait3A_49 = tpu.memref_squeeze %dma_wait3A_48 : memref<1x1x40x128xi32, #tpu.memory_space<hbm>> -> memref<40x128xi32, #tpu.memory_space<hbm>>
      tpu.wait_dma2 semaphore(%run_scoped3A_19 : memref<!tpu.dma_semaphore, #tpu.memory_space<semaphore_mem>>) src(%dma_wait3A_49 : memref<40x128xi32, #tpu.memory_space<hbm>>) dst(%dma_wait3A_45 : memref<40x128xi32, #tpu.memory_space<vmem>>)
      tpu.yield
    }) : () -> ()
    %scan3A = arith.constant 0 : i32
    %scan3A_8 = arith.constant 0 : i32
    %scan3A_9 = arith.constant 640 : i32
    %scan3A_10 = arith.addi %scan3A_8, %scan3A_9 : i32
    %scan3A_11 = arith.constant 1 : i32
    scf.for %scan3A_19 = %scan3A_8 to %scan3A_10 step %scan3A_11  : i32 {
      %broadcast_in_dim3A = arith.constant 0.000000e+00 : f32
      %broadcast_in_dim3A_20 = vector.broadcast %broadcast_in_dim3A : f32 to vector<16xf32>
      %mul3A_21 = arith.constant 16 : i32
      %mul3A_22 = arith.muli %scan3A_19, %mul3A_21 : i32
      %multiple_of3A = tpu.assume_multiple %mul3A_22, 16 : i32
      %swap3A = arith.index_cast %multiple_of3A : i32 to index
      %swap3A_23 = tpu.vector_load %arg7[%swap3A] {strides = array<i32>} : memref<10240xf32, #tpu.memory_space<vmem>>, vector<16xf32>,
      tpu.vector_store %arg7[%swap3A], %broadcast_in_dim3A_20 {strides = array<i32>} : memref<10240xf32, #tpu.memory_space<vmem>>, vector<16xf32>,
    }
    %scan3A_12 = arith.constant 640 : i32
    %scan3A_13 = arith.constant 0 : i32
    %scan3A_14 = arith.constant 0 : i32
    %scan3A_15 = arith.constant 40 : i32
    %scan3A_16 = arith.addi %scan3A_14, %scan3A_15 : i32
    %scan3A_17 = arith.constant 1 : i32
    scf.for %scan3A_19 = %scan3A_14 to %scan3A_16 step %scan3A_17  : i32 {
      %get3A = arith.constant 0 : i32
      %get3A_20 = arith.index_cast %get3A : i32 to index
      %get3A_21 = arith.index_cast %scan3A_19 : i32 to index
      %get3A_22 = arith.constant 0 : index
      %get3A_23 = tpu.vector_load %arg8[%get3A_20, %get3A_21, %get3A_22] {strides = array<i32>} : memref<2x40x128xi32, #tpu.memory_space<vmem>>, vector<16xi32>,
      %get3A_24 = arith.constant 0 : i32
      %get3A_25 = arith.index_cast %get3A_24 : i32 to index
      %get3A_26 = arith.index_cast %scan3A_19 : i32 to index
      %get3A_27 = arith.constant 0 : index
      %get3A_28 = tpu.vector_load %arg9[%get3A_25, %get3A_26, %get3A_27] {strides = array<i32>} : memref<2x40x128xi32, #tpu.memory_space<vmem>>, vector<16xi32>,
      %gather3A = tpu.vector_load_idx %arg6[%get3A_23] : memref<10240xf32, #tpu.memory_space<vmem>>[vector<16xi32>], vector<16xf32>,
      tpu.vector_store_idx %arg7[%get3A_28], %gather3A {add = true} : memref<10240xf32, #tpu.memory_space<vmem>>[vector<16xi32>], vector<16xf32>,
      %get3A_29 = arith.constant 0 : i32
      %get3A_30 = arith.index_cast %get3A_29 : i32 to index
      %get3A_31 = arith.index_cast %scan3A_19 : i32 to index
      %get3A_32 = arith.constant 16 : index
      %get3A_33 = tpu.vector_load %arg8[%get3A_30, %get3A_31, %get3A_32] {strides = array<i32>} : memref<2x40x128xi32, #tpu.memory_space<vmem>>, vector<16xi32>,
      %get3A_34 = arith.constant 0 : i32
      %get3A_35 = arith.index_cast %get3A_34 : i32 to index
      %get3A_36 = arith.index_cast %scan3A_19 : i32 to index
      %get3A_37 = arith.constant 16 : index
      %get3A_38 = tpu.vector_load %arg9[%get3A_35, %get3A_36, %get3A_37] {strides = array<i32>} : memref<2x40x128xi32, #tpu.memory_space<vmem>>, vector<16xi32>,
      %gather3A_39 = tpu.vector_load_idx %arg6[%get3A_33] : memref<10240xf32, #tpu.memory_space<vmem>>[vector<16xi32>], vector<16xf32>,
      tpu.vector_store_idx %arg7[%get3A_38], %gather3A_39 {add = true} : memref<10240xf32, #tpu.memory_space<vmem>>[vector<16xi32>], vector<16xf32>,
      %get3A_40 = arith.constant 0 : i32
      %get3A_41 = arith.index_cast %get3A_40 : i32 to index
      %get3A_42 = arith.index_cast %scan3A_19 : i32 to index
      %get3A_43 = arith.constant 32 : index
      %get3A_44 = tpu.vector_load %arg8[%get3A_41, %get3A_42, %get3A_43] {strides = array<i32>} : memref<2x40x128xi32, #tpu.memory_space<vmem>>, vector<16xi32>,
      %get3A_45 = arith.constant 0 : i32
      %get3A_46 = arith.index_cast %get3A_45 : i32 to index
      %get3A_47 = arith.index_cast %scan3A_19 : i32 to index
      %get3A_48 = arith.constant 32 : index
      %get3A_49 = tpu.vector_load %arg9[%get3A_46, %get3A_47, %get3A_48] {strides = array<i32>} : memref<2x40x128xi32, #tpu.memory_space<vmem>>, vector<16xi32>,
      %gather3A_50 = tpu.vector_load_idx %arg6[%get3A_44] : memref<10240xf32, #tpu.memory_space<vmem>>[vector<16xi32>], vector<16xf32>,
      tpu.vector_store_idx %arg7[%get3A_49], %gather3A_50 {add = true} : memref<10240xf32, #tpu.memory_space<vmem>>[vector<16xi32>], vector<16xf32>,
      %get3A_51 = arith.constant 0 : i32
      %get3A_52 = arith.index_cast %get3A_51 : i32 to index
      %get3A_53 = arith.index_cast %scan3A_19 : i32 to index
      %get3A_54 = arith.constant 48 : index
      %get3A_55 = tpu.vector_load %arg8[%get3A_52, %get3A_53, %get3A_54] {strides = array<i32>} : memref<2x40x128xi32, #tpu.memory_space<vmem>>, vector<16xi32>,
      %get3A_56 = arith.constant 0 : i32
      %get3A_57 = arith.index_cast %get3A_56 : i32 to index
      %get3A_58 = arith.index_cast %scan3A_19 : i32 to index
      %get3A_59 = arith.constant 48 : index
      %get3A_60 = tpu.vector_load %arg9[%get3A_57, %get3A_58, %get3A_59] {strides = array<i32>} : memref<2x40x128xi32, #tpu.memory_space<vmem>>, vector<16xi32>,
      %gather3A_61 = tpu.vector_load_idx %arg6[%get3A_55] : memref<10240xf32, #tpu.memory_space<vmem>>[vector<16xi32>], vector<16xf32>,
      tpu.vector_store_idx %arg7[%get3A_60], %gather3A_61 {add = true} : memref<10240xf32, #tpu.memory_space<vmem>>[vector<16xi32>], vector<16xf32>,
      %get3A_62 = arith.constant 0 : i32
      %get3A_63 = arith.index_cast %get3A_62 : i32 to index
      %get3A_64 = arith.index_cast %scan3A_19 : i32 to index
      %get3A_65 = arith.constant 64 : index
      %get3A_66 = tpu.vector_load %arg8[%get3A_63, %get3A_64, %get3A_65] {strides = array<i32>} : memref<2x40x128xi32, #tpu.memory_space<vmem>>, vector<16xi32>,
      %get3A_67 = arith.constant 0 : i32
      %get3A_68 = arith.index_cast %get3A_67 : i32 to index
      %get3A_69 = arith.index_cast %scan3A_19 : i32 to index
      %get3A_70 = arith.constant 64 : index
      %get3A_71 = tpu.vector_load %arg9[%get3A_68, %get3A_69, %get3A_70] {strides = array<i32>} : memref<2x40x128xi32, #tpu.memory_space<vmem>>, vector<16xi32>,
      %gather3A_72 = tpu.vector_load_idx %arg6[%get3A_66] : memref<10240xf32, #tpu.memory_space<vmem>>[vector<16xi32>], vector<16xf32>,
      tpu.vector_store_idx %arg7[%get3A_71], %gather3A_72 {add = true} : memref<10240xf32, #tpu.memory_space<vmem>>[vector<16xi32>], vector<16xf32>,
      %get3A_73 = arith.constant 0 : i32
      %get3A_74 = arith.index_cast %get3A_73 : i32 to index
      %get3A_75 = arith.index_cast %scan3A_19 : i32 to index
      %get3A_76 = arith.constant 80 : index
      %get3A_77 = tpu.vector_load %arg8[%get3A_74, %get3A_75, %get3A_76] {strides = array<i32>} : memref<2x40x128xi32, #tpu.memory_space<vmem>>, vector<16xi32>,
      %get3A_78 = arith.constant 0 : i32
      %get3A_79 = arith.index_cast %get3A_78 : i32 to index
      %get3A_80 = arith.index_cast %scan3A_19 : i32 to index
      %get3A_81 = arith.constant 80 : index
      %get3A_82 = tpu.vector_load %arg9[%get3A_79, %get3A_80, %get3A_81] {strides = array<i32>} : memref<2x40x128xi32, #tpu.memory_space<vmem>>, vector<16xi32>,
      %gather3A_83 = tpu.vector_load_idx %arg6[%get3A_77] : memref<10240xf32, #tpu.memory_space<vmem>>[vector<16xi32>], vector<16xf32>,
      tpu.vector_store_idx %arg7[%get3A_82], %gather3A_83 {add = true} : memref<10240xf32, #tpu.memory_space<vmem>>[vector<16xi32>], vector<16xf32>,
      %get3A_84 = arith.constant 0 : i32
      %get3A_85 = arith.index_cast %get3A_84 : i32 to index
      %get3A_86 = arith.index_cast %scan3A_19 : i32 to index
      %get3A_87 = arith.constant 96 : index
      %get3A_88 = tpu.vector_load %arg8[%get3A_85, %get3A_86, %get3A_87] {strides = array<i32>} : memref<2x40x128xi32, #tpu.memory_space<vmem>>, vector<16xi32>,
      %get3A_89 = arith.constant 0 : i32
      %get3A_90 = arith.index_cast %get3A_89 : i32 to index
      %get3A_91 = arith.index_cast %scan3A_19 : i32 to index
      %get3A_92 = arith.constant 96 : index
      %get3A_93 = tpu.vector_load %arg9[%get3A_90, %get3A_91, %get3A_92] {strides = array<i32>} : memref<2x40x128xi32, #tpu.memory_space<vmem>>, vector<16xi32>,
      %gather3A_94 = tpu.vector_load_idx %arg6[%get3A_88] : memref<10240xf32, #tpu.memory_space<vmem>>[vector<16xi32>], vector<16xf32>,
      tpu.vector_store_idx %arg7[%get3A_93], %gather3A_94 {add = true} : memref<10240xf32, #tpu.memory_space<vmem>>[vector<16xi32>], vector<16xf32>,
      %get3A_95 = arith.constant 0 : i32
      %get3A_96 = arith.index_cast %get3A_95 : i32 to index
      %get3A_97 = arith.index_cast %scan3A_19 : i32 to index
      %get3A_98 = arith.constant 112 : index
      %get3A_99 = tpu.vector_load %arg8[%get3A_96, %get3A_97, %get3A_98] {strides = array<i32>} : memref<2x40x128xi32, #tpu.memory_space<vmem>>, vector<16xi32>,
      %get3A_100 = arith.constant 0 : i32
      %get3A_101 = arith.index_cast %get3A_100 : i32 to index
      %get3A_102 = arith.index_cast %scan3A_19 : i32 to index
      %get3A_103 = arith.constant 112 : index
      %get3A_104 = tpu.vector_load %arg9[%get3A_101, %get3A_102, %get3A_103] {strides = array<i32>} : memref<2x40x128xi32, #tpu.memory_space<vmem>>, vector<16xi32>,
      %gather3A_105 = tpu.vector_load_idx %arg6[%get3A_99] : memref<10240xf32, #tpu.memory_space<vmem>>[vector<16xi32>], vector<16xf32>,
      tpu.vector_store_idx %arg7[%get3A_104], %gather3A_105 {add = true} : memref<10240xf32, #tpu.memory_space<vmem>>[vector<16xi32>], vector<16xf32>,
      %get3A_106 = arith.constant 1 : i32
      %get3A_107 = arith.index_cast %get3A_106 : i32 to index
      %get3A_108 = arith.index_cast %scan3A_19 : i32 to index
      %get3A_109 = arith.constant 0 : index
      %get3A_110 = tpu.vector_load %arg8[%get3A_107, %get3A_108, %get3A_109] {strides = array<i32>} : memref<2x40x128xi32, #tpu.memory_space<vmem>>, vector<16xi32>,
      %get3A_111 = arith.constant 1 : i32
      %get3A_112 = arith.index_cast %get3A_111 : i32 to index
      %get3A_113 = arith.index_cast %scan3A_19 : i32 to index
      %get3A_114 = arith.constant 0 : index
      %get3A_115 = tpu.vector_load %arg9[%get3A_112, %get3A_113, %get3A_114] {strides = array<i32>} : memref<2x40x128xi32, #tpu.memory_space<vmem>>, vector<16xi32>,
      %gather3A_116 = tpu.vector_load_idx %arg6[%get3A_110] : memref<10240xf32, #tpu.memory_space<vmem>>[vector<16xi32>], vector<16xf32>,
      tpu.vector_store_idx %arg7[%get3A_115], %gather3A_116 {add = true} : memref<10240xf32, #tpu.memory_space<vmem>>[vector<16xi32>], vector<16xf32>,
      %get3A_117 = arith.constant 1 : i32
      %get3A_118 = arith.index_cast %get3A_117 : i32 to index
      %get3A_119 = arith.index_cast %scan3A_19 : i32 to index
      %get3A_120 = arith.constant 16 : index
      %get3A_121 = tpu.vector_load %arg8[%get3A_118, %get3A_119, %get3A_120] {strides = array<i32>} : memref<2x40x128xi32, #tpu.memory_space<vmem>>, vector<16xi32>,
      %get3A_122 = arith.constant 1 : i32
      %get3A_123 = arith.index_cast %get3A_122 : i32 to index
      %get3A_124 = arith.index_cast %scan3A_19 : i32 to index
      %get3A_125 = arith.constant 16 : index
      %get3A_126 = tpu.vector_load %arg9[%get3A_123, %get3A_124, %get3A_125] {strides = array<i32>} : memref<2x40x128xi32, #tpu.memory_space<vmem>>, vector<16xi32>,
      %gather3A_127 = tpu.vector_load_idx %arg6[%get3A_121] : memref<10240xf32, #tpu.memory_space<vmem>>[vector<16xi32>], vector<16xf32>,
      tpu.vector_store_idx %arg7[%get3A_126], %gather3A_127 {add = true} : memref<10240xf32, #tpu.memory_space<vmem>>[vector<16xi32>], vector<16xf32>,
      %get3A_128 = arith.constant 1 : i32
      %get3A_129 = arith.index_cast %get3A_128 : i32 to index
      %get3A_130 = arith.index_cast %scan3A_19 : i32 to index
      %get3A_131 = arith.constant 32 : index
      %get3A_132 = tpu.vector_load %arg8[%get3A_129, %get3A_130, %get3A_131] {strides = array<i32>} : memref<2x40x128xi32, #tpu.memory_space<vmem>>, vector<16xi32>,
      %get3A_133 = arith.constant 1 : i32
      %get3A_134 = arith.index_cast %get3A_133 : i32 to index
      %get3A_135 = arith.index_cast %scan3A_19 : i32 to index
      %get3A_136 = arith.constant 32 : index
      %get3A_137 = tpu.vector_load %arg9[%get3A_134, %get3A_135, %get3A_136] {strides = array<i32>} : memref<2x40x128xi32, #tpu.memory_space<vmem>>, vector<16xi32>,
      %gather3A_138 = tpu.vector_load_idx %arg6[%get3A_132] : memref<10240xf32, #tpu.memory_space<vmem>>[vector<16xi32>], vector<16xf32>,
      tpu.vector_store_idx %arg7[%get3A_137], %gather3A_138 {add = true} : memref<10240xf32, #tpu.memory_space<vmem>>[vector<16xi32>], vector<16xf32>,
      %get3A_139 = arith.constant 1 : i32
      %get3A_140 = arith.index_cast %get3A_139 : i32 to index
      %get3A_141 = arith.index_cast %scan3A_19 : i32 to index
      %get3A_142 = arith.constant 48 : index
      %get3A_143 = tpu.vector_load %arg8[%get3A_140, %get3A_141, %get3A_142] {strides = array<i32>} : memref<2x40x128xi32, #tpu.memory_space<vmem>>, vector<16xi32>,
      %get3A_144 = arith.constant 1 : i32
      %get3A_145 = arith.index_cast %get3A_144 : i32 to index
      %get3A_146 = arith.index_cast %scan3A_19 : i32 to index
      %get3A_147 = arith.constant 48 : index
      %get3A_148 = tpu.vector_load %arg9[%get3A_145, %get3A_146, %get3A_147] {strides = array<i32>} : memref<2x40x128xi32, #tpu.memory_space<vmem>>, vector<16xi32>,
      %gather3A_149 = tpu.vector_load_idx %arg6[%get3A_143] : memref<10240xf32, #tpu.memory_space<vmem>>[vector<16xi32>], vector<16xf32>,
      tpu.vector_store_idx %arg7[%get3A_148], %gather3A_149 {add = true} : memref<10240xf32, #tpu.memory_space<vmem>>[vector<16xi32>], vector<16xf32>,
      %get3A_150 = arith.constant 1 : i32
      %get3A_151 = arith.index_cast %get3A_150 : i32 to index
      %get3A_152 = arith.index_cast %scan3A_19 : i32 to index
      %get3A_153 = arith.constant 64 : index
      %get3A_154 = tpu.vector_load %arg8[%get3A_151, %get3A_152, %get3A_153] {strides = array<i32>} : memref<2x40x128xi32, #tpu.memory_space<vmem>>, vector<16xi32>,
      %get3A_155 = arith.constant 1 : i32
      %get3A_156 = arith.index_cast %get3A_155 : i32 to index
      %get3A_157 = arith.index_cast %scan3A_19 : i32 to index
      %get3A_158 = arith.constant 64 : index
      %get3A_159 = tpu.vector_load %arg9[%get3A_156, %get3A_157, %get3A_158] {strides = array<i32>} : memref<2x40x128xi32, #tpu.memory_space<vmem>>, vector<16xi32>,
      %gather3A_160 = tpu.vector_load_idx %arg6[%get3A_154] : memref<10240xf32, #tpu.memory_space<vmem>>[vector<16xi32>], vector<16xf32>,
      tpu.vector_store_idx %arg7[%get3A_159], %gather3A_160 {add = true} : memref<10240xf32, #tpu.memory_space<vmem>>[vector<16xi32>], vector<16xf32>,
      %get3A_161 = arith.constant 1 : i32
      %get3A_162 = arith.index_cast %get3A_161 : i32 to index
      %get3A_163 = arith.index_cast %scan3A_19 : i32 to index
      %get3A_164 = arith.constant 80 : index
      %get3A_165 = tpu.vector_load %arg8[%get3A_162, %get3A_163, %get3A_164] {strides = array<i32>} : memref<2x40x128xi32, #tpu.memory_space<vmem>>, vector<16xi32>,
      %get3A_166 = arith.constant 1 : i32
      %get3A_167 = arith.index_cast %get3A_166 : i32 to index
      %get3A_168 = arith.index_cast %scan3A_19 : i32 to index
      %get3A_169 = arith.constant 80 : index
      %get3A_170 = tpu.vector_load %arg9[%get3A_167, %get3A_168, %get3A_169] {strides = array<i32>} : memref<2x40x128xi32, #tpu.memory_space<vmem>>, vector<16xi32>,
      %gather3A_171 = tpu.vector_load_idx %arg6[%get3A_165] : memref<10240xf32, #tpu.memory_space<vmem>>[vector<16xi32>], vector<16xf32>,
      tpu.vector_store_idx %arg7[%get3A_170], %gather3A_171 {add = true} : memref<10240xf32, #tpu.memory_space<vmem>>[vector<16xi32>], vector<16xf32>,
      %get3A_172 = arith.constant 1 : i32
      %get3A_173 = arith.index_cast %get3A_172 : i32 to index
      %get3A_174 = arith.index_cast %scan3A_19 : i32 to index
      %get3A_175 = arith.constant 96 : index
      %get3A_176 = tpu.vector_load %arg8[%get3A_173, %get3A_174, %get3A_175] {strides = array<i32>} : memref<2x40x128xi32, #tpu.memory_space<vmem>>, vector<16xi32>,
      %get3A_177 = arith.constant 1 : i32
      %get3A_178 = arith.index_cast %get3A_177 : i32 to index
      %get3A_179 = arith.index_cast %scan3A_19 : i32 to index
      %get3A_180 = arith.constant 96 : index
      %get3A_181 = tpu.vector_load %arg9[%get3A_178, %get3A_179, %get3A_180] {strides = array<i32>} : memref<2x40x128xi32, #tpu.memory_space<vmem>>, vector<16xi32>,
      %gather3A_182 = tpu.vector_load_idx %arg6[%get3A_176] : memref<10240xf32, #tpu.memory_space<vmem>>[vector<16xi32>], vector<16xf32>,
      tpu.vector_store_idx %arg7[%get3A_181], %gather3A_182 {add = true} : memref<10240xf32, #tpu.memory_space<vmem>>[vector<16xi32>], vector<16xf32>,
      %get3A_183 = arith.constant 1 : i32
      %get3A_184 = arith.index_cast %get3A_183 : i32 to index
      %get3A_185 = arith.index_cast %scan3A_19 : i32 to index
      %get3A_186 = arith.constant 112 : index
      %get3A_187 = tpu.vector_load %arg8[%get3A_184, %get3A_185, %get3A_186] {strides = array<i32>} : memref<2x40x128xi32, #tpu.memory_space<vmem>>, vector<16xi32>,
      %get3A_188 = arith.constant 1 : i32
      %get3A_189 = arith.index_cast %get3A_188 : i32 to index
      %get3A_190 = arith.index_cast %scan3A_19 : i32 to index
      %get3A_191 = arith.constant 112 : index
      %get3A_192 = tpu.vector_load %arg9[%get3A_189, %get3A_190, %get3A_191] {strides = array<i32>} : memref<2x40x128xi32, #tpu.memory_space<vmem>>, vector<16xi32>,
      %gather3A_193 = tpu.vector_load_idx %arg6[%get3A_187] : memref<10240xf32, #tpu.memory_space<vmem>>[vector<16xi32>], vector<16xf32>,
      tpu.vector_store_idx %arg7[%get3A_192], %gather3A_193 {add = true} : memref<10240xf32, #tpu.memory_space<vmem>>[vector<16xi32>], vector<16xf32>,
    }
    %scan3A_18 = arith.constant 40 : i32
    "tpu.region"() ({
      %run_scoped3A_19 = tpu.sem_alloc : memref<!tpu.dma_semaphore, #tpu.memory_space<semaphore_mem>>
      %dma_start3A = arith.constant 0 : i32
      %dma_start3A_20 = tpu.memref_slice %arg5[%add3A, %dma_start3A] : memref<32x10240xf32, #tpu.memory_space<hbm>> -> memref<1x10240xf32, #tpu.memory_space<hbm>>
      %dma_start3A_21 = tpu.memref_squeeze %dma_start3A_20 : memref<1x10240xf32, #tpu.memory_space<hbm>> -> memref<10240xf32, #tpu.memory_space<hbm>>
      %dma_start3A_22 = arith.constant 0 : i32
      %dma_start3A_23 = tpu.memref_slice %arg5[%add3A, %dma_start3A_22] : memref<32x10240xf32, #tpu.memory_space<hbm>> -> memref<1x10240xf32, #tpu.memory_space<hbm>>
      %dma_start3A_24 = tpu.memref_squeeze %dma_start3A_23 : memref<1x10240xf32, #tpu.memory_space<hbm>> -> memref<10240xf32, #tpu.memory_space<hbm>>
      tpu.enqueue_dma source(%arg7 : memref<10240xf32, #tpu.memory_space<vmem>>) target(%dma_start3A_24 : memref<10240xf32, #tpu.memory_space<hbm>>) target_semaphore(%run_scoped3A_19 : memref<!tpu.dma_semaphore, #tpu.memory_space<semaphore_mem>>)
      %dma_wait3A = arith.constant 0 : i32
      %dma_wait3A_25 = tpu.memref_slice %arg5[%add3A, %dma_wait3A] : memref<32x10240xf32, #tpu.memory_space<hbm>> -> memref<1x10240xf32, #tpu.memory_space<hbm>>
      %dma_wait3A_26 = tpu.memref_squeeze %dma_wait3A_25 : memref<1x10240xf32, #tpu.memory_space<hbm>> -> memref<10240xf32, #tpu.memory_space<hbm>>
      %dma_wait3A_27 = arith.constant 0 : i32
      %dma_wait3A_28 = tpu.memref_slice %arg5[%add3A, %dma_wait3A_27] : memref<32x10240xf32, #tpu.memory_space<hbm>> -> memref<1x10240xf32, #tpu.memory_space<hbm>>
      %dma_wait3A_29 = tpu.memref_squeeze %dma_wait3A_28 : memref<1x10240xf32, #tpu.memory_space<hbm>> -> memref<10240xf32, #tpu.memory_space<hbm>>
      tpu.wait_dma2 semaphore(%run_scoped3A_19 : memref<!tpu.dma_semaphore, #tpu.memory_space<semaphore_mem>>) src(%arg7 : memref<10240xf32, #tpu.memory_space<vmem>>) dst(%dma_wait3A_29 : memref<10240xf32, #tpu.memory_space<hbm>>)
      tpu.yield
    }) : () -> ()
    return
  }
}

module attributes {stable_mosaic.version = 14 : i64} {
  func.func @_mid_body(%arg0: memref<2x10240x128xf32, #tpu.memory_space<vmem>>, %arg1: memref<2x10240x1xf32, #tpu.memory_space<vmem>>, %arg2: memref<10240x128xf32, #tpu.memory_space<vmem>>, %arg3: memref<128x128xf32, #tpu.memory_space<vmem>>, %arg4: memref<128xf32, #tpu.memory_space<vmem>>, %arg5: memref<128x128xf32, #tpu.memory_space<vmem>>, %arg6: memref<1x128xf32, #tpu.memory_space<vmem>>, %arg7: memref<10240x1xf32, #tpu.memory_space<vmem>>, %arg8: memref<10240x128xf32, #tpu.memory_space<vmem>>) attributes {dimension_semantics = [], scalar_prefetch = 0 : i64, scratch_operands = 0 : i64, tpu.core_type = #tpu.core_type<tc>} {
    %get3A = arith.constant 0 : index
    %get3A_0 = arith.constant 0 : index
    %get3A_1 = arith.constant 0 : index
    %get3A_2 = vector.load %arg1[%get3A, %get3A_0, %get3A_1] : memref<2x10240x1xf32, #tpu.memory_space<vmem>>, vector<1x10240x1xf32>
    %get3A_3 = vector.shape_cast %get3A_2 : vector<1x10240x1xf32> to vector<10240x1xf32>
    %get3A_4 = arith.constant 1 : index
    %get3A_5 = arith.constant 0 : index
    %get3A_6 = arith.constant 0 : index
    %get3A_7 = vector.load %arg1[%get3A_4, %get3A_5, %get3A_6] : memref<2x10240x1xf32, #tpu.memory_space<vmem>>, vector<1x10240x1xf32>
    %get3A_8 = vector.shape_cast %get3A_7 : vector<1x10240x1xf32> to vector<10240x1xf32>
    %add3A = arith.addf %get3A_3, %get3A_8 : vector<10240x1xf32>
    %max3A = arith.constant 1.000000e+00 : f32
    %max3A_9 = vector.broadcast %max3A : f32 to vector<10240x1xf32>
    %max3A_10 = arith.maximumf %add3A, %max3A_9 : vector<10240x1xf32>
    %div3A = arith.constant 1.000000e+00 : f32
    %div3A_11 = vector.broadcast %div3A : f32 to vector<10240x1xf32>
    %div3A_12 = arith.divf %div3A_11, %max3A_10 : vector<10240x1xf32>
    %get3A_13 = arith.constant 0 : index
    %get3A_14 = arith.constant 0 : index
    %get3A_15 = arith.constant 0 : index
    %get3A_16 = vector.load %arg0[%get3A_13, %get3A_14, %get3A_15] : memref<2x10240x128xf32, #tpu.memory_space<vmem>>, vector<1x10240x128xf32>
    %get3A_17 = vector.shape_cast %get3A_16 : vector<1x10240x128xf32> to vector<10240x128xf32>
    %get3A_18 = arith.constant 1 : index
    %get3A_19 = arith.constant 0 : index
    %get3A_20 = arith.constant 0 : index
    %get3A_21 = vector.load %arg0[%get3A_18, %get3A_19, %get3A_20] : memref<2x10240x128xf32, #tpu.memory_space<vmem>>, vector<1x10240x128xf32>
    %get3A_22 = vector.shape_cast %get3A_21 : vector<1x10240x128xf32> to vector<10240x128xf32>
    %add3A_23 = arith.addf %get3A_17, %get3A_22 : vector<10240x128xf32>
    %mul3A = vector.broadcast %div3A_12 : vector<10240x1xf32> to vector<10240x128xf32>
    %mul3A_24 = arith.mulf %add3A_23, %mul3A : vector<10240x128xf32>
    %get3A_25 = arith.constant 0 : index
    %get3A_26 = arith.constant 0 : index
    %get3A_27 = vector.load %arg3[%get3A_25, %get3A_26] : memref<128x128xf32, #tpu.memory_space<vmem>>, vector<128x128xf32>
    %dot_general3A = arith.constant dense<0.000000e+00> : vector<10240x128xf32>
    %dot_general3A_28 = tpu.matmul %mul3A_24, %get3A_27, %dot_general3A {dimension_numbers = #tpu.dot_dimension_numbers<[1], [1], [0], [0], [0, 0, 1, 0], [], []>, transpose_lhs_hint = false} : vector<10240x128xf32>, vector<128x128xf32>, vector<10240x128xf32> -> vector<10240x128xf32>
    %get3A_29 = arith.constant 0 : index
    %get3A_30 = arith.constant 0 : index
    %get3A_31 = vector.load %arg2[%get3A_29, %get3A_30] : memref<10240x128xf32, #tpu.memory_space<vmem>>, vector<10240x128xf32>
    %get3A_32 = arith.constant 0 : index
    %get3A_33 = arith.constant 0 : index
    %get3A_34 = vector.load %arg5[%get3A_32, %get3A_33] : memref<128x128xf32, #tpu.memory_space<vmem>>, vector<128x128xf32>
    %dot_general3A_35 = arith.constant dense<0.000000e+00> : vector<10240x128xf32>
    %dot_general3A_36 = tpu.matmul %get3A_31, %get3A_34, %dot_general3A_35 {dimension_numbers = #tpu.dot_dimension_numbers<[1], [1], [0], [0], [0, 0, 1, 0], [], []>, transpose_lhs_hint = false} : vector<10240x128xf32>, vector<128x128xf32>, vector<10240x128xf32> -> vector<10240x128xf32>
    %add3A_37 = arith.addf %dot_general3A_28, %dot_general3A_36 : vector<10240x128xf32>
    %get3A_38 = arith.constant 0 : index
    %get3A_39 = vector.load %arg4[%get3A_38] : memref<128xf32, #tpu.memory_space<vmem>>, vector<128xf32>
    %broadcast_in_dim3A = vector.shape_cast %get3A_39 : vector<128xf32> to vector<1x128xf32>
    %add3A_40 = vector.broadcast %broadcast_in_dim3A : vector<1x128xf32> to vector<10240x128xf32>
    %add3A_41 = arith.addf %add3A_37, %add3A_40 : vector<10240x128xf32>
    %max3A_42 = arith.constant 0.000000e+00 : f32
    %max3A_43 = vector.broadcast %max3A_42 : f32 to vector<10240x128xf32>
    %max3A_44 = arith.maximumf %add3A_41, %max3A_43 : vector<10240x128xf32>
    %iota3A = tpu.iota {dimensions = array<i32: 0>} : vector<10240x1xi32>
    %lt3A = arith.constant 10000 : i32
    %lt3A_45 = vector.broadcast %lt3A : i32 to vector<10240x1xi32>
    %lt3A_46 = arith.cmpi slt, %iota3A, %lt3A_45 : vector<10240x1xi32>
    %get3A_47 = arith.constant 0 : index
    %get3A_48 = arith.constant 0 : index
    %get3A_49 = vector.load %arg6[%get3A_47, %get3A_48] : memref<1x128xf32, #tpu.memory_space<vmem>>, vector<1x128xf32>
    %mul3A_50 = vector.broadcast %get3A_49 : vector<1x128xf32> to vector<10240x128xf32>
    %mul3A_51 = arith.mulf %max3A_44, %mul3A_50 : vector<10240x128xf32>
    %reduce_sum3A = arith.constant dense<0.000000e+00> : vector<10240xf32>
    %reduce_sum3A_52 = vector.multi_reduction <add>, %mul3A_51, %reduce_sum3A [1] : vector<10240x128xf32> to vector<10240xf32>
    %broadcast_in_dim3A_53 = vector.shape_cast %reduce_sum3A_52 : vector<10240xf32> to vector<10240x1xf32>
    %jit3A = arith.constant 0.000000e+00 : f32
    %broadcast_in_dim3A_54 = vector.broadcast %jit3A : f32 to vector<10240x1xf32>
    %select_n3A = arith.select %lt3A_46, %broadcast_in_dim3A_53, %broadcast_in_dim3A_54 : vector<10240x1xi1>, vector<10240x1xf32>
    %swap3A = arith.constant 0 : index
    %swap3A_55 = arith.constant 0 : index
    %swap3A_56 = vector.load %arg7[%swap3A, %swap3A_55] : memref<10240x1xf32, #tpu.memory_space<vmem>>, vector<10240x1xf32>
    tpu.vector_store %arg7[%swap3A, %swap3A_55], %select_n3A {strides = array<i32>} : memref<10240x1xf32, #tpu.memory_space<vmem>>, vector<10240x1xf32>,
    %swap3A_57 = arith.constant 0 : index
    %swap3A_58 = arith.constant 0 : index
    %swap3A_59 = vector.load %arg8[%swap3A_57, %swap3A_58] : memref<10240x128xf32, #tpu.memory_space<vmem>>, vector<10240x128xf32>
    tpu.vector_store %arg8[%swap3A_57, %swap3A_58], %max3A_44 {strides = array<i32>} : memref<10240x128xf32, #tpu.memory_space<vmem>>, vector<10240x128xf32>,
    return
  }
}

module attributes {stable_mosaic.version = 14 : i64} {
  func.func @_mid2_body(%arg0: memref<10240x128xf32, #tpu.memory_space<vmem>>, %arg1: memref<1x128xf32, #tpu.memory_space<vmem>>, %arg2: memref<1xf32, #tpu.memory_space<vmem>>, %arg3: memref<10240x1xf32, #tpu.memory_space<vmem>>) attributes {dimension_semantics = [], scalar_prefetch = 0 : i64, scratch_operands = 0 : i64, tpu.core_type = #tpu.core_type<tc>} {
    %get3A = arith.constant 0 : index
    %get3A_0 = arith.constant 0 : index
    %get3A_1 = vector.load %arg0[%get3A, %get3A_0] : memref<10240x128xf32, #tpu.memory_space<vmem>>, vector<10240x128xf32>
    %get3A_2 = arith.constant 0 : index
    %get3A_3 = arith.constant 0 : index
    %get3A_4 = vector.load %arg1[%get3A_2, %get3A_3] : memref<1x128xf32, #tpu.memory_space<vmem>>, vector<1x128xf32>
    %mul3A = vector.broadcast %get3A_4 : vector<1x128xf32> to vector<10240x128xf32>
    %mul3A_5 = arith.mulf %get3A_1, %mul3A : vector<10240x128xf32>
    %reduce_sum3A = arith.constant dense<0.000000e+00> : vector<10240xf32>
    %reduce_sum3A_6 = vector.multi_reduction <add>, %mul3A_5, %reduce_sum3A [1] : vector<10240x128xf32> to vector<10240xf32>
    %broadcast_in_dim3A = vector.shape_cast %reduce_sum3A_6 : vector<10240xf32> to vector<10240x1xf32>
    %get3A_7 = arith.constant 0 : index
    %get3A_8 = vector.load %arg2[%get3A_7] : memref<1xf32, #tpu.memory_space<vmem>>, vector<1xf32>
    %broadcast_in_dim3A_9 = vector.shape_cast %get3A_8 : vector<1xf32> to vector<1x1xf32>
    %add3A = vector.broadcast %broadcast_in_dim3A_9 : vector<1x1xf32> to vector<10240x1xf32>
    %add3A_10 = arith.addf %broadcast_in_dim3A, %add3A : vector<10240x1xf32>
    %swap3A = arith.constant 0 : index
    %swap3A_11 = arith.constant 0 : index
    %swap3A_12 = vector.load %arg3[%swap3A, %swap3A_11] : memref<10240x1xf32, #tpu.memory_space<vmem>>, vector<10240x1xf32>
    tpu.vector_store %arg3[%swap3A, %swap3A_11], %add3A_10 {strides = array<i32>} : memref<10240x1xf32, #tpu.memory_space<vmem>>, vector<10240x1xf32>,
    return
  }
}

module attributes {stable_mosaic.version = 14 : i64} {
  func.func @_final_body(%arg0: memref<32x80x128xf32, #tpu.memory_space<vmem>>, %arg1: memref<2x80x128xf32, #tpu.memory_space<vmem>>, %arg2: memref<80x128xf32, #tpu.memory_space<vmem>>, %arg3: memref<80x128xf32, #tpu.memory_space<vmem>>) attributes {dimension_semantics = [], scalar_prefetch = 0 : i64, scratch_operands = 0 : i64, tpu.core_type = #tpu.core_type<tc>} {
    %get3A = arith.constant 0 : index
    %get3A_0 = arith.constant 0 : index
    %get3A_1 = arith.constant 0 : index
    %get3A_2 = vector.load %arg0[%get3A, %get3A_0, %get3A_1] : memref<32x80x128xf32, #tpu.memory_space<vmem>>, vector<1x80x128xf32>
    %get3A_3 = vector.shape_cast %get3A_2 : vector<1x80x128xf32> to vector<80x128xf32>
    %get3A_4 = arith.constant 1 : index
    %get3A_5 = arith.constant 0 : index
    %get3A_6 = arith.constant 0 : index
    %get3A_7 = vector.load %arg0[%get3A_4, %get3A_5, %get3A_6] : memref<32x80x128xf32, #tpu.memory_space<vmem>>, vector<1x80x128xf32>
    %get3A_8 = vector.shape_cast %get3A_7 : vector<1x80x128xf32> to vector<80x128xf32>
    %add3A = arith.addf %get3A_3, %get3A_8 : vector<80x128xf32>
    %get3A_9 = arith.constant 2 : index
    %get3A_10 = arith.constant 0 : index
    %get3A_11 = arith.constant 0 : index
    %get3A_12 = vector.load %arg0[%get3A_9, %get3A_10, %get3A_11] : memref<32x80x128xf32, #tpu.memory_space<vmem>>, vector<1x80x128xf32>
    %get3A_13 = vector.shape_cast %get3A_12 : vector<1x80x128xf32> to vector<80x128xf32>
    %add3A_14 = arith.addf %add3A, %get3A_13 : vector<80x128xf32>
    %get3A_15 = arith.constant 3 : index
    %get3A_16 = arith.constant 0 : index
    %get3A_17 = arith.constant 0 : index
    %get3A_18 = vector.load %arg0[%get3A_15, %get3A_16, %get3A_17] : memref<32x80x128xf32, #tpu.memory_space<vmem>>, vector<1x80x128xf32>
    %get3A_19 = vector.shape_cast %get3A_18 : vector<1x80x128xf32> to vector<80x128xf32>
    %add3A_20 = arith.addf %add3A_14, %get3A_19 : vector<80x128xf32>
    %get3A_21 = arith.constant 4 : index
    %get3A_22 = arith.constant 0 : index
    %get3A_23 = arith.constant 0 : index
    %get3A_24 = vector.load %arg0[%get3A_21, %get3A_22, %get3A_23] : memref<32x80x128xf32, #tpu.memory_space<vmem>>, vector<1x80x128xf32>
    %get3A_25 = vector.shape_cast %get3A_24 : vector<1x80x128xf32> to vector<80x128xf32>
    %add3A_26 = arith.addf %add3A_20, %get3A_25 : vector<80x128xf32>
    %get3A_27 = arith.constant 5 : index
    %get3A_28 = arith.constant 0 : index
    %get3A_29 = arith.constant 0 : index
    %get3A_30 = vector.load %arg0[%get3A_27, %get3A_28, %get3A_29] : memref<32x80x128xf32, #tpu.memory_space<vmem>>, vector<1x80x128xf32>
    %get3A_31 = vector.shape_cast %get3A_30 : vector<1x80x128xf32> to vector<80x128xf32>
    %add3A_32 = arith.addf %add3A_26, %get3A_31 : vector<80x128xf32>
    %get3A_33 = arith.constant 6 : index
    %get3A_34 = arith.constant 0 : index
    %get3A_35 = arith.constant 0 : index
    %get3A_36 = vector.load %arg0[%get3A_33, %get3A_34, %get3A_35] : memref<32x80x128xf32, #tpu.memory_space<vmem>>, vector<1x80x128xf32>
    %get3A_37 = vector.shape_cast %get3A_36 : vector<1x80x128xf32> to vector<80x128xf32>
    %add3A_38 = arith.addf %add3A_32, %get3A_37 : vector<80x128xf32>
    %get3A_39 = arith.constant 7 : index
    %get3A_40 = arith.constant 0 : index
    %get3A_41 = arith.constant 0 : index
    %get3A_42 = vector.load %arg0[%get3A_39, %get3A_40, %get3A_41] : memref<32x80x128xf32, #tpu.memory_space<vmem>>, vector<1x80x128xf32>
    %get3A_43 = vector.shape_cast %get3A_42 : vector<1x80x128xf32> to vector<80x128xf32>
    %add3A_44 = arith.addf %add3A_38, %get3A_43 : vector<80x128xf32>
    %get3A_45 = arith.constant 8 : index
    %get3A_46 = arith.constant 0 : index
    %get3A_47 = arith.constant 0 : index
    %get3A_48 = vector.load %arg0[%get3A_45, %get3A_46, %get3A_47] : memref<32x80x128xf32, #tpu.memory_space<vmem>>, vector<1x80x128xf32>
    %get3A_49 = vector.shape_cast %get3A_48 : vector<1x80x128xf32> to vector<80x128xf32>
    %add3A_50 = arith.addf %add3A_44, %get3A_49 : vector<80x128xf32>
    %get3A_51 = arith.constant 9 : index
    %get3A_52 = arith.constant 0 : index
    %get3A_53 = arith.constant 0 : index
    %get3A_54 = vector.load %arg0[%get3A_51, %get3A_52, %get3A_53] : memref<32x80x128xf32, #tpu.memory_space<vmem>>, vector<1x80x128xf32>
    %get3A_55 = vector.shape_cast %get3A_54 : vector<1x80x128xf32> to vector<80x128xf32>
    %add3A_56 = arith.addf %add3A_50, %get3A_55 : vector<80x128xf32>
    %get3A_57 = arith.constant 10 : index
    %get3A_58 = arith.constant 0 : index
    %get3A_59 = arith.constant 0 : index
    %get3A_60 = vector.load %arg0[%get3A_57, %get3A_58, %get3A_59] : memref<32x80x128xf32, #tpu.memory_space<vmem>>, vector<1x80x128xf32>
    %get3A_61 = vector.shape_cast %get3A_60 : vector<1x80x128xf32> to vector<80x128xf32>
    %add3A_62 = arith.addf %add3A_56, %get3A_61 : vector<80x128xf32>
    %get3A_63 = arith.constant 11 : index
    %get3A_64 = arith.constant 0 : index
    %get3A_65 = arith.constant 0 : index
    %get3A_66 = vector.load %arg0[%get3A_63, %get3A_64, %get3A_65] : memref<32x80x128xf32, #tpu.memory_space<vmem>>, vector<1x80x128xf32>
    %get3A_67 = vector.shape_cast %get3A_66 : vector<1x80x128xf32> to vector<80x128xf32>
    %add3A_68 = arith.addf %add3A_62, %get3A_67 : vector<80x128xf32>
    %get3A_69 = arith.constant 12 : index
    %get3A_70 = arith.constant 0 : index
    %get3A_71 = arith.constant 0 : index
    %get3A_72 = vector.load %arg0[%get3A_69, %get3A_70, %get3A_71] : memref<32x80x128xf32, #tpu.memory_space<vmem>>, vector<1x80x128xf32>
    %get3A_73 = vector.shape_cast %get3A_72 : vector<1x80x128xf32> to vector<80x128xf32>
    %add3A_74 = arith.addf %add3A_68, %get3A_73 : vector<80x128xf32>
    %get3A_75 = arith.constant 13 : index
    %get3A_76 = arith.constant 0 : index
    %get3A_77 = arith.constant 0 : index
    %get3A_78 = vector.load %arg0[%get3A_75, %get3A_76, %get3A_77] : memref<32x80x128xf32, #tpu.memory_space<vmem>>, vector<1x80x128xf32>
    %get3A_79 = vector.shape_cast %get3A_78 : vector<1x80x128xf32> to vector<80x128xf32>
    %add3A_80 = arith.addf %add3A_74, %get3A_79 : vector<80x128xf32>
    %get3A_81 = arith.constant 14 : index
    %get3A_82 = arith.constant 0 : index
    %get3A_83 = arith.constant 0 : index
    %get3A_84 = vector.load %arg0[%get3A_81, %get3A_82, %get3A_83] : memref<32x80x128xf32, #tpu.memory_space<vmem>>, vector<1x80x128xf32>
    %get3A_85 = vector.shape_cast %get3A_84 : vector<1x80x128xf32> to vector<80x128xf32>
    %add3A_86 = arith.addf %add3A_80, %get3A_85 : vector<80x128xf32>
    %get3A_87 = arith.constant 15 : index
    %get3A_88 = arith.constant 0 : index
    %get3A_89 = arith.constant 0 : index
    %get3A_90 = vector.load %arg0[%get3A_87, %get3A_88, %get3A_89] : memref<32x80x128xf32, #tpu.memory_space<vmem>>, vector<1x80x128xf32>
    %get3A_91 = vector.shape_cast %get3A_90 : vector<1x80x128xf32> to vector<80x128xf32>
    %add3A_92 = arith.addf %add3A_86, %get3A_91 : vector<80x128xf32>
    %get3A_93 = arith.constant 16 : index
    %get3A_94 = arith.constant 0 : index
    %get3A_95 = arith.constant 0 : index
    %get3A_96 = vector.load %arg0[%get3A_93, %get3A_94, %get3A_95] : memref<32x80x128xf32, #tpu.memory_space<vmem>>, vector<1x80x128xf32>
    %get3A_97 = vector.shape_cast %get3A_96 : vector<1x80x128xf32> to vector<80x128xf32>
    %add3A_98 = arith.addf %add3A_92, %get3A_97 : vector<80x128xf32>
    %get3A_99 = arith.constant 17 : index
    %get3A_100 = arith.constant 0 : index
    %get3A_101 = arith.constant 0 : index
    %get3A_102 = vector.load %arg0[%get3A_99, %get3A_100, %get3A_101] : memref<32x80x128xf32, #tpu.memory_space<vmem>>, vector<1x80x128xf32>
    %get3A_103 = vector.shape_cast %get3A_102 : vector<1x80x128xf32> to vector<80x128xf32>
    %add3A_104 = arith.addf %add3A_98, %get3A_103 : vector<80x128xf32>
    %get3A_105 = arith.constant 18 : index
    %get3A_106 = arith.constant 0 : index
    %get3A_107 = arith.constant 0 : index
    %get3A_108 = vector.load %arg0[%get3A_105, %get3A_106, %get3A_107] : memref<32x80x128xf32, #tpu.memory_space<vmem>>, vector<1x80x128xf32>
    %get3A_109 = vector.shape_cast %get3A_108 : vector<1x80x128xf32> to vector<80x128xf32>
    %add3A_110 = arith.addf %add3A_104, %get3A_109 : vector<80x128xf32>
    %get3A_111 = arith.constant 19 : index
    %get3A_112 = arith.constant 0 : index
    %get3A_113 = arith.constant 0 : index
    %get3A_114 = vector.load %arg0[%get3A_111, %get3A_112, %get3A_113] : memref<32x80x128xf32, #tpu.memory_space<vmem>>, vector<1x80x128xf32>
    %get3A_115 = vector.shape_cast %get3A_114 : vector<1x80x128xf32> to vector<80x128xf32>
    %add3A_116 = arith.addf %add3A_110, %get3A_115 : vector<80x128xf32>
    %get3A_117 = arith.constant 20 : index
    %get3A_118 = arith.constant 0 : index
    %get3A_119 = arith.constant 0 : index
    %get3A_120 = vector.load %arg0[%get3A_117, %get3A_118, %get3A_119] : memref<32x80x128xf32, #tpu.memory_space<vmem>>, vector<1x80x128xf32>
    %get3A_121 = vector.shape_cast %get3A_120 : vector<1x80x128xf32> to vector<80x128xf32>
    %add3A_122 = arith.addf %add3A_116, %get3A_121 : vector<80x128xf32>
    %get3A_123 = arith.constant 21 : index
    %get3A_124 = arith.constant 0 : index
    %get3A_125 = arith.constant 0 : index
    %get3A_126 = vector.load %arg0[%get3A_123, %get3A_124, %get3A_125] : memref<32x80x128xf32, #tpu.memory_space<vmem>>, vector<1x80x128xf32>
    %get3A_127 = vector.shape_cast %get3A_126 : vector<1x80x128xf32> to vector<80x128xf32>
    %add3A_128 = arith.addf %add3A_122, %get3A_127 : vector<80x128xf32>
    %get3A_129 = arith.constant 22 : index
    %get3A_130 = arith.constant 0 : index
    %get3A_131 = arith.constant 0 : index
    %get3A_132 = vector.load %arg0[%get3A_129, %get3A_130, %get3A_131] : memref<32x80x128xf32, #tpu.memory_space<vmem>>, vector<1x80x128xf32>
    %get3A_133 = vector.shape_cast %get3A_132 : vector<1x80x128xf32> to vector<80x128xf32>
    %add3A_134 = arith.addf %add3A_128, %get3A_133 : vector<80x128xf32>
    %get3A_135 = arith.constant 23 : index
    %get3A_136 = arith.constant 0 : index
    %get3A_137 = arith.constant 0 : index
    %get3A_138 = vector.load %arg0[%get3A_135, %get3A_136, %get3A_137] : memref<32x80x128xf32, #tpu.memory_space<vmem>>, vector<1x80x128xf32>
    %get3A_139 = vector.shape_cast %get3A_138 : vector<1x80x128xf32> to vector<80x128xf32>
    %add3A_140 = arith.addf %add3A_134, %get3A_139 : vector<80x128xf32>
    %get3A_141 = arith.constant 24 : index
    %get3A_142 = arith.constant 0 : index
    %get3A_143 = arith.constant 0 : index
    %get3A_144 = vector.load %arg0[%get3A_141, %get3A_142, %get3A_143] : memref<32x80x128xf32, #tpu.memory_space<vmem>>, vector<1x80x128xf32>
    %get3A_145 = vector.shape_cast %get3A_144 : vector<1x80x128xf32> to vector<80x128xf32>
    %add3A_146 = arith.addf %add3A_140, %get3A_145 : vector<80x128xf32>
    %get3A_147 = arith.constant 25 : index
    %get3A_148 = arith.constant 0 : index
    %get3A_149 = arith.constant 0 : index
    %get3A_150 = vector.load %arg0[%get3A_147, %get3A_148, %get3A_149] : memref<32x80x128xf32, #tpu.memory_space<vmem>>, vector<1x80x128xf32>
    %get3A_151 = vector.shape_cast %get3A_150 : vector<1x80x128xf32> to vector<80x128xf32>
    %add3A_152 = arith.addf %add3A_146, %get3A_151 : vector<80x128xf32>
    %get3A_153 = arith.constant 26 : index
    %get3A_154 = arith.constant 0 : index
    %get3A_155 = arith.constant 0 : index
    %get3A_156 = vector.load %arg0[%get3A_153, %get3A_154, %get3A_155] : memref<32x80x128xf32, #tpu.memory_space<vmem>>, vector<1x80x128xf32>
    %get3A_157 = vector.shape_cast %get3A_156 : vector<1x80x128xf32> to vector<80x128xf32>
    %add3A_158 = arith.addf %add3A_152, %get3A_157 : vector<80x128xf32>
    %get3A_159 = arith.constant 27 : index
    %get3A_160 = arith.constant 0 : index
    %get3A_161 = arith.constant 0 : index
    %get3A_162 = vector.load %arg0[%get3A_159, %get3A_160, %get3A_161] : memref<32x80x128xf32, #tpu.memory_space<vmem>>, vector<1x80x128xf32>
    %get3A_163 = vector.shape_cast %get3A_162 : vector<1x80x128xf32> to vector<80x128xf32>
    %add3A_164 = arith.addf %add3A_158, %get3A_163 : vector<80x128xf32>
    %get3A_165 = arith.constant 28 : index
    %get3A_166 = arith.constant 0 : index
    %get3A_167 = arith.constant 0 : index
    %get3A_168 = vector.load %arg0[%get3A_165, %get3A_166, %get3A_167] : memref<32x80x128xf32, #tpu.memory_space<vmem>>, vector<1x80x128xf32>
    %get3A_169 = vector.shape_cast %get3A_168 : vector<1x80x128xf32> to vector<80x128xf32>
    %add3A_170 = arith.addf %add3A_164, %get3A_169 : vector<80x128xf32>
    %get3A_171 = arith.constant 29 : index
    %get3A_172 = arith.constant 0 : index
    %get3A_173 = arith.constant 0 : index
    %get3A_174 = vector.load %arg0[%get3A_171, %get3A_172, %get3A_173] : memref<32x80x128xf32, #tpu.memory_space<vmem>>, vector<1x80x128xf32>
    %get3A_175 = vector.shape_cast %get3A_174 : vector<1x80x128xf32> to vector<80x128xf32>
    %add3A_176 = arith.addf %add3A_170, %get3A_175 : vector<80x128xf32>
    %get3A_177 = arith.constant 30 : index
    %get3A_178 = arith.constant 0 : index
    %get3A_179 = arith.constant 0 : index
    %get3A_180 = vector.load %arg0[%get3A_177, %get3A_178, %get3A_179] : memref<32x80x128xf32, #tpu.memory_space<vmem>>, vector<1x80x128xf32>
    %get3A_181 = vector.shape_cast %get3A_180 : vector<1x80x128xf32> to vector<80x128xf32>
    %add3A_182 = arith.addf %add3A_176, %get3A_181 : vector<80x128xf32>
    %get3A_183 = arith.constant 31 : index
    %get3A_184 = arith.constant 0 : index
    %get3A_185 = arith.constant 0 : index
    %get3A_186 = vector.load %arg0[%get3A_183, %get3A_184, %get3A_185] : memref<32x80x128xf32, #tpu.memory_space<vmem>>, vector<1x80x128xf32>
    %get3A_187 = vector.shape_cast %get3A_186 : vector<1x80x128xf32> to vector<80x128xf32>
    %add3A_188 = arith.addf %add3A_182, %get3A_187 : vector<80x128xf32>
    %get3A_189 = arith.constant 0 : index
    %get3A_190 = arith.constant 0 : index
    %get3A_191 = arith.constant 0 : index
    %get3A_192 = vector.load %arg1[%get3A_189, %get3A_190, %get3A_191] : memref<2x80x128xf32, #tpu.memory_space<vmem>>, vector<1x80x128xf32>
    %get3A_193 = vector.shape_cast %get3A_192 : vector<1x80x128xf32> to vector<80x128xf32>
    %get3A_194 = arith.constant 1 : index
    %get3A_195 = arith.constant 0 : index
    %get3A_196 = arith.constant 0 : index
    %get3A_197 = vector.load %arg1[%get3A_194, %get3A_195, %get3A_196] : memref<2x80x128xf32, #tpu.memory_space<vmem>>, vector<1x80x128xf32>
    %get3A_198 = vector.shape_cast %get3A_197 : vector<1x80x128xf32> to vector<80x128xf32>
    %add3A_199 = arith.addf %get3A_193, %get3A_198 : vector<80x128xf32>
    %max3A = arith.constant 1.000000e+00 : f32
    %max3A_200 = vector.broadcast %max3A : f32 to vector<80x128xf32>
    %max3A_201 = arith.maximumf %add3A_199, %max3A_200 : vector<80x128xf32>
    %div3A = arith.constant 1.000000e+00 : f32
    %div3A_202 = vector.broadcast %div3A : f32 to vector<80x128xf32>
    %div3A_203 = arith.divf %div3A_202, %max3A_201 : vector<80x128xf32>
    %mul3A = arith.mulf %add3A_188, %div3A_203 : vector<80x128xf32>
    %get3A_204 = arith.constant 0 : index
    %get3A_205 = arith.constant 0 : index
    %get3A_206 = vector.load %arg2[%get3A_204, %get3A_205] : memref<80x128xf32, #tpu.memory_space<vmem>>, vector<80x128xf32>
    %add3A_207 = arith.addf %mul3A, %get3A_206 : vector<80x128xf32>
    %swap3A = arith.constant 0 : index
    %swap3A_208 = arith.constant 0 : index
    %swap3A_209 = vector.load %arg3[%swap3A, %swap3A_208] : memref<80x128xf32, #tpu.memory_space<vmem>>, vector<80x128xf32>
    tpu.vector_store %arg3[%swap3A, %swap3A_208], %add3A_207 {strides = array<i32>} : memref<80x128xf32, #tpu.memory_space<vmem>>, vector<80x128xf32>,
    return
  }
}

</mosaic_0001>

<sc_bundles>
// kernel: kernel.10.cloned.1.call-start
scs
__scs_entry_jumppad:
0x0: {  	(pc) =	sbr.rel $0x88, $3  }
0x1: {  	(tag) =	ssettag $0x0;
	lr =	simm.s32 $0x1  }
0x2: {  	[smem:$0x3F99] =	sst lr;
	_ =	strace $0xD0000000  }
0x3: {  	_ = 	snop  }
0x4: {  	_ = 	snop  }
0x5: {  	_ = 	snop  }
0x6: {  	_ = 	snop  }
0x7: {  	_ = 	snop  }
__scs_overlays_trampoline_lowered:
0x8: {  	[smem:$0x3FA8] =	sst s0  }
0x9: {  	[smem:$0x3FA9] =	sst s1  }
0xa: {  	[smem:$0x3FAA] =	sst s2  }
0xb: {  	[smem:$0x3FAB] =	sst s3  }
0xc: {  	[smem:$0x3FAC] =	sst s4  }
0xd: {  	[smem:$0x3FAD] =	sst s5  }
0xe: {  	[smem:$0x3FAE] =	sst s6  }
0xf: {  	[smem:$0x3FAF] =	sst s7  }
0x10: {  	[smem:$0x3FB0] =	sst s8  }
0x11: {  	[smem:$0x3FB1] =	sst s9;
	s0 =	simm.s32 @!p0 $0x0  }
0x12: {  	s1 =	sld [smem:$0x3F97];
	s0 =	simm.s32 @p0 $0x1  }
0x13: {  	[smem:$0x3FB2] =	sst s0;
	s0 =	simm.s32 @!p1 $0x0  }
0x14: {  	s2 =	sld [smem:$0x3F96];
	s0 =	simm.s32 @p1 $0x1  }
0x15: {  	[smem:$0x3FB3] =	sst s0;
	s0 =	simm.s32 @!p2 $0x0  }
0x16: {  	s3 =	sld [smem:$0x3FDB];
	s0 =	simm.s32 @p2 $0x1  }
0x17: {  	s4 =	simm.s32 $0x1BF5;
	[smem:$0x3FB5] =	sst s0  }
0x18: {  	s0 =	sld [smem:$0x3F98];
	_ =	swait.ge [sflag:s4], $0x0  }
0x19: {  	s7 =	sld [smem:$0x3F99]  }
0x1a: {  	s8 =	sadd.s32 $0xFFFFE003, lr  }
0x1b: {  	s9 =	sadd.s32 $0xFFFFFEF7, lr;
	s5 =	simm.s32 $0xFFFFFFFF;
	p2 =	slt.u32 s8, $0xFFFFF086  }
0x1c: {  	p1 =	slt.u32 s9, $0xF7A;
	s5 =	simm.s32 @!p2 $0x0  }
0x1d: {  	s5 =	simm.s32 @p1 $0x1;
	p0 =	seq.s32 s7, s2  }
0x1e: {  	s7 =	smul.u32 @!p0 $0xF7A, s2;
	p2 =	seq.s32 @!p0 s5, $0x0  }
0x1f: {  	s9 =	smul.u32 $0xF7A, s1;
	s8 =	simm.s32 @!p0 $0x1BF5;
	p2 =	por !p2, p0  }
0x20: {  	[sflag:s8] =	ssyncset.s32 @!p0 $0xFFFFF086;
	s6 =	sadd.s32 @!p0 s3, s7;
	s7 =	simm.s32 @!p0 $0x108  }
0x21: {  	s3 =	sadd.s32 s3, s9;
	s6 =	sadd.s32 @!p0 $0x88, s6;
	s7 =	simm.s32 @p2 $0x1082  }
0x22: {  	[simem:s7], [sflag:s8] =	dma.local @!p0 [hbm:s6], $0xF7A  }
0x23: {  	s9 =	sor.u32 $0xD0000000, s2;
	s6 =	simm.s32 $0x108;
	_ =	swait.ge @!p0 [sflag:s8], $0x0  }
0x24: {  	s3 =	sadd.s32 $0x88, s3;
	s6 =	simm.s32 @!p1 $0x1082;
	[sflag:s4] =	ssyncset.s32 $0xFFFFF086  }
0x25: {  	[simem:s6], [sflag:s4] =	dma.local [hbm:s3], $0xF7A  }
0x26: {  	[smem:$0x3F99] =	sst s1;
	(tag) =	ssettag s2;
	_ =	strace s9  }
0x27: {  	s1 =	sld [smem:$0x3FA9]  }
0x28: {  	s2 =	sld [smem:$0x3FAA]  }
0x29: {  	s4 =	sld [smem:$0x3FAC]  }
0x2a: {  	p0 =	seq.s32 s5, $0x0;
	s5 =	sld [smem:$0x3FAD]  }
0x2b: {  	s6 =	sld [smem:$0x3FAE]  }
0x2c: {  	s7 =	sld [smem:$0x3FAF]  }
0x2d: {  	s3 =	simm.s32 $0x108;
	s8 =	sld [smem:$0x3FB0]  }
0x2e: {  	s3 =	simm.s32 @!p0 $0x1082;
	s9 =	sld [smem:$0x3FB1]  }
0x2f: {  	lr =	sadd.s32 s0, s3;
	s0 =	sld [smem:$0x3FA8]  }
0x30: {  	s3 =	sld [smem:$0x3FAB]  }
0x31: {  	[smem:$0x3FB4] =	sst s10  }
0x32: {  	s10 =	sld [smem:$0x3FB2];
	_ =	sdelay $0x3  }
0x33: {  	p0 =	seq.s32 s10, $0x1;
	s10 =	sld [smem:$0x3FB4];
	_ =	sdelay $0x3  }
0x34: {  	[smem:$0x3FB4] =	sst s10  }
0x35: {  	s10 =	sld [smem:$0x3FB3];
	_ =	sdelay $0x3  }
0x36: {  	p1 =	seq.s32 s10, $0x1;
	s10 =	sld [smem:$0x3FB4];
	_ =	sdelay $0x3  }
0x37: {  	[smem:$0x3FB4] =	sst s10  }
0x38: {  	s10 =	sld [smem:$0x3FB5]  }
0x39: {  	_ = 	snop;
	(pc) =	sbr.ind lr, $3  }
0x3a: {  	_ = 	snop  }
0x3b: {  	_ = 	snop  }
0x3c: {  	p2 =	seq.s32 s10, $0x1;
	s10 =	sld [smem:$0x3FB4]  }
0x3d: {  	_ =	shalt  }
0x3e: {  	_ =	shalt  }
0x3f: {  	_ =	shalt  }
0x40: {  	_ =	shalt  }
0x41: {  	_ =	shalt  }
0x42: {  	_ =	shalt  }
0x43: {  	_ =	shalt  }
0x44: {  	_ =	shalt  }
0x45: {  	_ =	shalt  }
0x46: {  	_ =	shalt  }
0x47: {  	_ =	shalt  }
0x48: {  	_ =	shalt  }
0x49: {  	_ =	shalt  }
0x4a: {  	_ =	shalt  }
0x4b: {  	_ =	shalt  }
0x4c: {  	_ =	shalt  }
0x4d: {  	_ =	shalt  }
0x4e: {  	_ =	shalt  }
0x4f: {  	_ =	shalt  }
0x50: {  	_ =	shalt  }
0x51: {  	_ =	shalt  }
0x52: {  	_ =	shalt  }
0x53: {  	_ =	shalt  }
0x54: {  	_ =	shalt  }
0x55: {  	_ =	shalt  }
0x56: {  	_ =	shalt  }
0x57: {  	_ =	shalt  }
0x58: {  	_ =	shalt  }
0x59: {  	_ =	shalt  }
0x5a: {  	_ =	shalt  }
0x5b: {  	_ =	shalt  }
0x5c: {  	_ =	shalt  }
0x5d: {  	_ =	shalt  }
0x5e: {  	_ =	shalt  }
0x5f: {  	_ =	shalt  }
0x60: {  	_ =	shalt  }
0x61: {  	_ =	shalt  }
0x62: {  	_ =	shalt  }
0x63: {  	_ =	shalt  }
0x64: {  	_ =	shalt  }
0x65: {  	_ =	shalt  }
0x66: {  	_ =	shalt  }
0x67: {  	_ =	shalt  }
0x68: {  	_ =	shalt  }
0x69: {  	_ =	shalt  }
0x6a: {  	_ =	shalt  }
0x6b: {  	_ =	shalt  }
0x6c: {  	_ =	shalt  }
0x6d: {  	_ =	shalt  }
0x6e: {  	_ =	shalt  }
0x6f: {  	_ =	shalt  }
0x70: {  	_ =	shalt  }
0x71: {  	_ =	shalt  }
0x72: {  	_ =	shalt  }
0x73: {  	_ =	shalt  }
0x74: {  	_ =	shalt  }
0x75: {  	_ =	shalt  }
0x76: {  	_ =	shalt  }
0x77: {  	_ =	shalt  }
0x78: {  	_ =	shalt  }
0x79: {  	_ =	shalt  }
0x7a: {  	_ =	shalt  }
0x7b: {  	_ =	shalt  }
0x7c: {  	_ =	shalt  }
0x7d: {  	_ =	shalt  }
0x7e: {  	_ =	shalt  }
0x7f: {  	_ =	shalt  }
0x80: {  	_ =	shalt  }
0x81: {  	_ =	shalt  }
0x82: {  	_ =	shalt  }
0x83: {  	_ =	shalt  }
0x84: {  	_ =	shalt  }
0x85: {  	_ =	shalt  }
0x86: {  	_ =	shalt  }
0x87: {  	_ =	shalt  }
.Lfunc_end0:
.L_simem_size_0:
called_computation.1_lowered:
.L_overlay_start_0:
0x88: {  	s2 =	sld [smem:$0x3FD9]  }
0x89: {  	s3 =	sld [smem:$0x3FFE];
	_ =	sdelay $0x1  }
0x8a: {  	s1 =	srdreg.scid  }
0x8b: {  	s0 =	sand.u32 $0x1, s1  }
0x8c: {  	s16 =	sshll.u32 s0, $0xA;
	s2 =	sadd.s32 s3, s2  }
0x8d: {  	s2 =	sadd.s32 s2, s16  }
0x8e: {  	[smem:$0x3FC0] =	sst s2  }
0x8f: {  	_ = 	snop  }
0x90: {  	(tm) =	ssettm $0x1  }
0x91: {  	s17 =	sld [smem:$0x3FFB];
	_ =	sdelay $0x3  }
0x92: {  	_ =	strace s17  }
0x93: {  	s2 =	sld [smem:$0x3FFC];
	_ =	sdelay $0x3  }
0x94: {  	_ =	strace s2  }
0x95: {  	s2 =	sld [smem:$0x3FFD];
	_ =	sdelay $0x3  }
0x96: {  	_ =	strace s2  }
0x97: {  	_ =	strace $0x8FFFFFFF  }
0x98: {  	s18 =	sld [smem:$0x3FDB];
	_ =	sdelay $0x1  }
0x99: {  	s19 =	simm.s32 $_scs_section_size  }
0x9a: {  	s4 =	simm.s32 $_size__tile_overlayer_lowered;
	s5 =	simm.s32 $_tile_overlayer_lowered  }
0x9b: {  	s22 =	simm.s32 $0x1BFF;
	s21 =	sshll.u32 s5, $0x1;
	s2 =	sadd.s32 s19, s18  }
0x9c: {  	s6 =	simm.s32 $0x0;
	s20 =	sshll.u32 s4, $0x1;
	s4 =	sadd.s32 s21, s2  }
0x9d: {  	[timem:s6], [sflag:s22] =	dma.local [hbm:s4], s20  }
0x9e: {  	_ =	swait.ge [sflag:s22], s20  }
0x9f: {  	s3 =	ssub.s32 $0x0, s20;
	[sflag:s22] =	ssyncset.done $0x0  }
0xa0: {  	[sflag:s22] =	ssyncadd.s32 s3;
	_ =	sdelay $0x1  }
0xa1: {  	s23 =	simm.s32 $0x1B8B  }
0xa2: {  	_ =	swait.ge [sflag:s23], $0x1  }
0xa3: {  	[sflag:s23] =	ssyncset.done $0x0  }
0xa4: {  	s25 =	simm.s32 $0x1B8E;
	s24 =	sld [smem:$0x3FFE];
	[sflag:s23] =	ssyncadd.s32 $0xFFFFFFFF  }
0xa5: {  	s26 =	simm.s32 $execute0_lowered;
	[smem:$0x3FD2] =	sst s25  }
0xa6: {  	s4 =	sshll.u32 s26, $0x1;
	_ =	strace $0x80000049;
	[dreg:$0x1] =	wrdreg $0xFFFFFFFF  }
0xa7: {  	s28 =	simm.s32 $_size_execute0_lowered;
	s2 =	sadd.s32 s2, s4;
	[dreg:$0x0] =	wrdreg $0x0  }
0xa8: {  	s4 =	sshll.u32 s28, $0x1;
	[dreg:$0x2] =	wrdreg s2  }
0xa9: {  	[dreg:$0x3] =	wrdreg s4  }
0xaa: {  	[dreg:$0x4] =	wrdreg $0xC0  }
0xab: {  	_ =	task [dreg:s6], $0x5FFFF  }
0xac: {  	[dreg:$0x1] =	wrdreg $0xFFFFFFFF  }
0xad: {  	[dreg:$0x0] =	wrdreg $0x60  }
0xae: {  	[dreg:$0x2] =	wrdreg s24  }
0xaf: {  	[dreg:$0x3] =	wrdreg $0x9  }
0xb0: {  	_ =	task.clear_ibuf [dreg:s6], $0x4FFFF;
	_ =	strace $0x90000049  }
0xb1: {  	s29 =	simm.s32 $0x9;
	_ =	strace $0x8000004B  }
0xb2: {  	_ =	swait.ge [sflag:s29], $0x1  }
0xb3: {  	[sflag:s29] =	ssyncadd.s32 $0xFFFFFFFF  }
0xb4: {  	_ =	strace $0x9000004B  }
0xb5: {  	_ =	sfence  }
0xb6: {  	s30 =	sld [smem:$0x0];
	_ =	sdelay $0x2  }
0xb7: {  	s31 =	sshll.u32 s1, $0xD;
	s1 =	sshrl.u32 s1, $0x2  }
0xb8: {  	s3 =	sand.u32 $0x4000, s31;
	s1 =	sadd.s32 s1, s30  }
0xb9: {  	s0 =	sor.u32 s3, s0;
	s1 =	sshll.u32 s1, $0x11  }
0xba: {  	s0 =	sor.u32 s1, s0  }
0xbb: {  	s0 =	sadd.s32 $0x8F2B, s0  }
0xbc: {  	[sflag:s0] =	ssyncadd.remote.s32 $0x1  }
0xbd: {  	_ =	sfence.sel $0xFFFF  }
0xbe: {  	[dreg:$0x0] =	wrdreg $0xFFFFFFFF;
	(pc) =	sbr.abs _section_cstart, $3  }
0xbf: {  	[dreg:$0x1] =	wrdreg $0xFFFFFFFF  }
0xc0: {  	_ =	task.clear_ibuf [dreg:s6], $0x2FFFF;
	_ =	strace $0x9FFFFFFF  }
0xc1: {  	(tm) =	ssettm $0x7FFFFFFF  }
tec
execute0_lowered:
.L_overlay_start_1:
0x0: {  	(tag) =	ssettag $0x1  }
0x1: {  	s4 =	rddreg [dreg:$0x0]  }
0x2: {  	s0 =	rddreg [dreg:$0x1]  }
0x3: {  	s2 =	simm.s32 $0x0;
	s3 =	srdreg.scid;
	s1 =	stileid.u32  }
0x4: {  	s13 =	simm.s32 $0x6400;
	s14 =	simm.s32 $0x8C00;
	s15 =	simm.s32 $0x2800  }
0x5: {  	s16 =	simm.s32 $0x80;
	s17 =	simm.s32 $0x400;
	s18 =	simm.s32 $0x0  }
0x6: {  	[smem:$0x7FF] =	sst s2;
	s5 =	sand.u32 $0x1, s3;
	s29 =	sshll.u32 s1, $0x1  }
0x7: {  	s7 =	sshrl.u32 s1, $0x2;
	s3 =	sadd.s32 $0x15800, s4;
	s9 =	sadd.s32 $0x1800, s4  }
0x8: {  	s10 =	sadd.s32 $0xB800, s4;
	s6 =	sor.u32 s5, s29;
	s7 =	smul.u32 $0x14000, s7  }
0x9: {  	s5 =	ssub.s32 $0x2, s5;
	s8 =	sshll.u32 s6, $0x7;
	s6 =	smul.u32 $0x2800, s6  }
0xa: {  	_ =	strace $0x8000004A;
	s30 =	sshrl.u32 s5, $0x1;
	s8 =	sand.u32 $0x380, s8  }
0xb: {  	s12 =	ssub.s32 s5, s30;
	s7 =	sor.u32 s7, s8;
	s6 =	sshrl.u32 s6, $0x3  }
0xc: {  	s7 =	sshrl.u32 s7, $0x3;
	s31 =	sadd.s32 $0x280, s6;
	s5 =	sadd.s32 s10, s6  }
0xd: {  	s11 =	sadd.s32 s7, s4;
	s4 =	sadd.s32 s9, s6;
	s6 =	sadd.s32 s9, s31  }
0xe: {  	s7 =	sadd.s32 s10, s31;
	s9 =	smax.u32 s12, $0x1;
	s10 =	simm.s32 $0x1  }
0xf: {  	v0 =	vimm.f32 $0.0e+00;
	s12 =	simm.s32 $0x7800;
	s8 =	sadd.s32 $0x15E00, s11;
	s11 =	simm.s32 $0x5000  }
.LBB2_1:
0x10: {  	[tilespmem:s2], [sflag:$0x1] =	stream.linear.gather [hbm4b:s3+s2], $0x2800, $0x38;
	[tilespmem:$0xA000] =	vst v63  }
0x11: {  	_ =	swait.ge [sflag:s10], $0x2800  }
0x12: {  	[sflag:s10] =	ssyncset.done $0x0  }
0x13: {  	[sflag:s10] =	ssyncadd.s32 $0xFFFFD800  }
0x14: {  	[tilespmem:s11], [sflag:$0x1] =	stream.linear.gather [hbm4b:s4+s2], $0x1400, $0x38;
	[tilespmem:$0xA000] =	vst v63  }
0x15: {  	_ =	swait.ge [sflag:s10], $0x1400  }
0x16: {  	[sflag:s10] =	ssyncset.done $0x0  }
0x17: {  	[sflag:s10] =	ssyncadd.s32 $0xFFFFEC00  }
0x18: {  	[tilespmem:s12], [sflag:$0x1] =	stream.linear.gather [hbm4b:s5+s2], $0x1400, $0x38;
	[tilespmem:$0xA000] =	vst v63  }
0x19: {  	_ =	swait.ge [sflag:s10], $0x1400  }
0x1a: {  	[sflag:s10] =	ssyncset.done $0x0  }
0x1b: {  	[sflag:s10] =	ssyncadd.s32 $0xFFFFEC00  }
0x1c: {  	[tilespmem:s13], [sflag:$0x1] =	stream.linear.gather [hbm4b:s6+s2], $0x1400, $0x38;
	[tilespmem:$0xA000] =	vst v63  }
0x1d: {  	_ =	swait.ge [sflag:s10], $0x1400  }
0x1e: {  	[sflag:s10] =	ssyncset.done $0x0  }
0x1f: {  	[sflag:s10] =	ssyncadd.s32 $0xFFFFEC00  }
0x20: {  	[tilespmem:s14], [sflag:$0x1] =	stream.linear.gather [hbm4b:s7+s2], $0x1400, $0x38;
	[tilespmem:$0xA000] =	vst v63  }
0x21: {  	_ =	swait.ge [sflag:s10], $0x1400  }
0x22: {  	[sflag:s10] =	ssyncset.done $0x0  }
0x23: {  	s19 =	simm.s32 $0x0;
	[sflag:s10] =	ssyncadd.s32 $0xFFFFEC00  }
.LBB2_2:
0x24: {  	p0 =	sne.s32 s19, $0x9FC0  }
.Ltmp0:
0x25: {  	_ = 	snop;
	(pc) =	sbr.rel @p0 .LBB2_2-.Ltmp0, $3  }
0x26: {  	_ =	sdelay $0x1  }
0x27: {  	s20 =	sshra.s32 s19, $0x2  }
0x28: {  	s19 =	sadd.s32 $0x40, s19;
	[tilespmem:s20+$0x2800] =	vst v0  }
0x29: {  	s19 =	simm.s32 $0x0  }
.LBB2_4:
0x2a: {  	s20 =	sshra.s32 s19, $0x2  }
0x2b: {  	v1 =	vld [tilespmem:s20+$0x5000];
	_ =	sdelay $0x4  }
0x2c: {  	v2 =	vld [tilespmem:s20+$0x7800];
	_ =	sdelay $0x2  }
0x2d: {  	v1 =	vld.idx.msk [tilespmem:v1+s2+$0x0], $0xffff;
	_ =	sdelay $0x4  }
0x2e: {  	[tilespmem:v2+s15+$0x0] =	vst.idx.add.f32.msk $0xffff, v1  }
0x2f: {  	v1 =	vld [tilespmem:s20+$0x5010];
	_ =	sdelay $0x4  }
0x30: {  	v2 =	vld [tilespmem:s20+$0x7810];
	_ =	sdelay $0x2  }
0x31: {  	v1 =	vld.idx.msk [tilespmem:v1+s2+$0x0], $0xffff;
	_ =	sdelay $0x4  }
0x32: {  	[tilespmem:v2+s15+$0x0] =	vst.idx.add.f32.msk $0xffff, v1  }
0x33: {  	v1 =	vld [tilespmem:s20+$0x5020];
	_ =	sdelay $0x4  }
0x34: {  	v2 =	vld [tilespmem:s20+$0x7820];
	_ =	sdelay $0x2  }
0x35: {  	v1 =	vld.idx.msk [tilespmem:v1+s2+$0x0], $0xffff;
	_ =	sdelay $0x4  }
0x36: {  	[tilespmem:v2+s15+$0x0] =	vst.idx.add.f32.msk $0xffff, v1  }
0x37: {  	v1 =	vld [tilespmem:s20+$0x5030];
	_ =	sdelay $0x4  }
0x38: {  	v2 =	vld [tilespmem:s20+$0x7830];
	_ =	sdelay $0x2  }
0x39: {  	v1 =	vld.idx.msk [tilespmem:v1+s2+$0x0], $0xffff;
	_ =	sdelay $0x4  }
0x3a: {  	[tilespmem:v2+s15+$0x0] =	vst.idx.add.f32.msk $0xffff, v1  }
0x3b: {  	v1 =	vld [tilespmem:s20+$0x5040];
	_ =	sdelay $0x4  }
0x3c: {  	v2 =	vld [tilespmem:s20+$0x7840];
	_ =	sdelay $0x2  }
0x3d: {  	v1 =	vld.idx.msk [tilespmem:v1+s2+$0x0], $0xffff;
	_ =	sdelay $0x4  }
0x3e: {  	[tilespmem:v2+s15+$0x0] =	vst.idx.add.f32.msk $0xffff, v1  }
0x3f: {  	v1 =	vld [tilespmem:s20+$0x5050];
	_ =	sdelay $0x4  }
0x40: {  	v2 =	vld [tilespmem:s20+$0x7850];
	_ =	sdelay $0x2  }
0x41: {  	v1 =	vld.idx.msk [tilespmem:v1+s2+$0x0], $0xffff;
	_ =	sdelay $0x4  }
0x42: {  	[tilespmem:v2+s15+$0x0] =	vst.idx.add.f32.msk $0xffff, v1  }
0x43: {  	v1 =	vld [tilespmem:s20+$0x5060];
	_ =	sdelay $0x4  }
0x44: {  	v2 =	vld [tilespmem:s20+$0x7860];
	_ =	sdelay $0x2  }
0x45: {  	v1 =	vld.idx.msk [tilespmem:v1+s2+$0x0], $0xffff;
	_ =	sdelay $0x4  }
0x46: {  	[tilespmem:v2+s15+$0x0] =	vst.idx.add.f32.msk $0xffff, v1  }
0x47: {  	v1 =	vld [tilespmem:s20+$0x5070];
	_ =	sdelay $0x4  }
0x48: {  	v2 =	vld [tilespmem:s20+$0x7870];
	_ =	sdelay $0x2  }
0x49: {  	v1 =	vld.idx.msk [tilespmem:v1+s2+$0x0], $0xffff;
	_ =	sdelay $0x4  }
0x4a: {  	[tilespmem:v2+s15+$0x0] =	vst.idx.add.f32.msk $0xffff, v1  }
0x4b: {  	v1 =	vld [tilespmem:s20+$0x6400];
	_ =	sdelay $0x4  }
0x4c: {  	v2 =	vld [tilespmem:s20+$0x8C00];
	_ =	sdelay $0x2  }
0x4d: {  	v1 =	vld.idx.msk [tilespmem:v1+s2+$0x0], $0xffff;
	_ =	sdelay $0x4  }
0x4e: {  	[tilespmem:v2+s15+$0x0] =	vst.idx.add.f32.msk $0xffff, v1  }
0x4f: {  	v1 =	vld [tilespmem:s20+$0x6410];
	_ =	sdelay $0x4  }
0x50: {  	v2 =	vld [tilespmem:s20+$0x8C10];
	_ =	sdelay $0x2  }
0x51: {  	v1 =	vld.idx.msk [tilespmem:v1+s2+$0x0], $0xffff;
	_ =	sdelay $0x4  }
0x52: {  	[tilespmem:v2+s15+$0x0] =	vst.idx.add.f32.msk $0xffff, v1  }
0x53: {  	v1 =	vld [tilespmem:s20+$0x6420];
	_ =	sdelay $0x4  }
0x54: {  	v2 =	vld [tilespmem:s20+$0x8C20];
	_ =	sdelay $0x2  }
0x55: {  	v1 =	vld.idx.msk [tilespmem:v1+s2+$0x0], $0xffff;
	_ =	sdelay $0x4  }
0x56: {  	[tilespmem:v2+s15+$0x0] =	vst.idx.add.f32.msk $0xffff, v1  }
0x57: {  	v1 =	vld [tilespmem:s20+$0x6430];
	_ =	sdelay $0x4  }
0x58: {  	v2 =	vld [tilespmem:s20+$0x8C30];
	_ =	sdelay $0x2  }
0x59: {  	v1 =	vld.idx.msk [tilespmem:v1+s2+$0x0], $0xffff;
	_ =	sdelay $0x4  }
0x5a: {  	[tilespmem:v2+s15+$0x0] =	vst.idx.add.f32.msk $0xffff, v1  }
0x5b: {  	v1 =	vld [tilespmem:s20+$0x6440];
	_ =	sdelay $0x4  }
0x5c: {  	v2 =	vld [tilespmem:s20+$0x8C40];
	_ =	sdelay $0x2  }
0x5d: {  	v1 =	vld.idx.msk [tilespmem:v1+s2+$0x0], $0xffff;
	_ =	sdelay $0x4  }
0x5e: {  	[tilespmem:v2+s15+$0x0] =	vst.idx.add.f32.msk $0xffff, v1  }
0x5f: {  	v1 =	vld [tilespmem:s20+$0x6450];
	_ =	sdelay $0x4  }
0x60: {  	v2 =	vld [tilespmem:s20+$0x8C50];
	_ =	sdelay $0x2  }
0x61: {  	v1 =	vld.idx.msk [tilespmem:v1+s2+$0x0], $0xffff;
	_ =	sdelay $0x4  }
0x62: {  	[tilespmem:v2+s15+$0x0] =	vst.idx.add.f32.msk $0xffff, v1  }
0x63: {  	v1 =	vld [tilespmem:s20+$0x6460];
	_ =	sdelay $0x4  }
0x64: {  	v2 =	vld [tilespmem:s20+$0x8C60];
	_ =	sdelay $0x2  }
0x65: {  	v1 =	vld.idx.msk [tilespmem:v1+s2+$0x0], $0xffff;
	_ =	sdelay $0x4  }
0x66: {  	[tilespmem:v2+s15+$0x0] =	vst.idx.add.f32.msk $0xffff, v1  }
0x67: {  	v1 =	vld [tilespmem:s20+$0x6470];
	_ =	sdelay $0x4  }
0x68: {  	v2 =	vld [tilespmem:s20+$0x8C70];
	_ =	sdelay $0x2  }
0x69: {  	p0 =	sne.s32 s19, $0x4E00;
	v1 =	vld.idx.msk [tilespmem:v1+s2+$0x0], $0xffff  }
.Ltmp1:
0x6a: {  	_ = 	snop;
	(pc) =	sbr.rel @p0 .LBB2_4-.Ltmp1, $2  }
0x6b: {  	_ =	sdelay $0x2  }
0x6c: {  	s19 =	sadd.s32 $0x200, s19;
	[tilespmem:v2+s15+$0x0] =	vst.idx.add.f32.msk $0xffff, v1  }
0x6d: {  	s18 =	sadd.s32 $0x1, s18  }
0x6e: {  	p0 =	sne.s32 s18, s9  }
.Ltmp2:
0x6f: {  	_ = 	snop;
	(pc) =	sbr.rel @p0 .LBB2_1-.Ltmp2, $4  }
0x70: {  	[hbm4b:s8+s16] =	stream.strided.scatter [tilespmem:s15], [sflag:$0x1], $0x2800, s17, s16, $0x38;
	[tilespmem:$0xA000] =	vst v63  }
0x71: {  	_ =	swait.ge [sflag:s10], $0x2800  }
0x72: {  	[sflag:s10] =	ssyncset.done $0x0  }
0x73: {  	[sflag:s10] =	ssyncadd.s32 $0xFFFFD800  }
0x74: {  	_ =	sfence.sel $0x180000  }
0x75: {  	[bflag:$0x0] =	sbarrier.arrive $0xFFFF  }
0x76: {  	p0 =	sne.s32 s1, $0x0;
	_ =	strace $0x9000004A  }
0x77: {  	s0 =	sadd.s32 @!p0 $0x100000, s0;
	[bflag:$0x2] =	sbarrier.arrive $0xFFFF  }
0x78: {  	[sflag:s0] =	ssyncadd.tile.s32 @!p0 $0x1;
	_ =	shalt  }
.Lfunc_end2:
_tile_overlayer_lowered:
.L_overlay_start_2:
0x79: {  	(tag) =	ssettag $0x2  }
0x7a: {  	s0 =	rddreg [dreg:$0x0];
	s2 =	stileid.u32  }
0x7b: {  	s1 =	rddreg [dreg:$0x1];
	p0 =	sne.s32 s2, $0x0  }
0x7c: {  	s3 =	rddreg [dreg:$0x2];
	[bflag:$0x3] =	sbarrier.arrive $0xFFFF;
	s2 =	simm.s32 @!p0 $0x1C01  }
0x7d: {  	[timem:s3], [sflag:s2] =	dma.local @!p0 [hbm:s0], s1  }
0x7e: {  	s0 =	simm.s32 @!p0 $0x1  }
0x7f: {  	_ =	swait.ge @!p0 [sflag:s0], s1  }
0x80: {  	s1 =	ssub.s32 @!p0 $0x0, s1;
	[sflag:s0] =	ssyncset.done @!p0 $0x0  }
0x81: {  	[sflag:s0] =	ssyncadd.s32 @!p0 s1  }
0x82: {  	[bflag:$0x3] =	sbarrier.arrive $0xFFFF  }
0x83: {  	_ =	shalt  }

// kernel: kernel.7.cloned.1.call-start
scs
__scs_entry_jumppad:
0x0: {  	(pc) =	sbr.rel $0x88, $3  }
0x1: {  	(tag) =	ssettag $0x0;
	lr =	simm.s32 $0x1  }
0x2: {  	[smem:$0x3F99] =	sst lr;
	_ =	strace $0xD0000000  }
0x3: {  	_ = 	snop  }
0x4: {  	_ = 	snop  }
0x5: {  	_ = 	snop  }
0x6: {  	_ = 	snop  }
0x7: {  	_ = 	snop  }
__scs_overlays_trampoline_lowered:
0x8: {  	[smem:$0x3FA8] =	sst s0  }
0x9: {  	[smem:$0x3FA9] =	sst s1  }
0xa: {  	[smem:$0x3FAA] =	sst s2  }
0xb: {  	[smem:$0x3FAB] =	sst s3  }
0xc: {  	[smem:$0x3FAC] =	sst s4  }
0xd: {  	[smem:$0x3FAD] =	sst s5  }
0xe: {  	[smem:$0x3FAE] =	sst s6  }
0xf: {  	[smem:$0x3FAF] =	sst s7  }
0x10: {  	[smem:$0x3FB0] =	sst s8  }
0x11: {  	[smem:$0x3FB1] =	sst s9;
	s0 =	simm.s32 @!p0 $0x0  }
0x12: {  	s1 =	sld [smem:$0x3F97];
	s0 =	simm.s32 @p0 $0x1  }
0x13: {  	[smem:$0x3FB2] =	sst s0;
	s0 =	simm.s32 @!p1 $0x0  }
0x14: {  	s2 =	sld [smem:$0x3F96];
	s0 =	simm.s32 @p1 $0x1  }
0x15: {  	[smem:$0x3FB3] =	sst s0;
	s0 =	simm.s32 @!p2 $0x0  }
0x16: {  	s3 =	sld [smem:$0x3FDB];
	s0 =	simm.s32 @p2 $0x1  }
0x17: {  	s4 =	simm.s32 $0x1BF5;
	[smem:$0x3FB5] =	sst s0  }
0x18: {  	s0 =	sld [smem:$0x3F98];
	_ =	swait.ge [sflag:s4], $0x0  }
0x19: {  	s7 =	sld [smem:$0x3F99]  }
0x1a: {  	s8 =	sadd.s32 $0xFFFFE003, lr  }
0x1b: {  	s9 =	sadd.s32 $0xFFFFFEF7, lr;
	s5 =	simm.s32 $0xFFFFFFFF;
	p2 =	slt.u32 s8, $0xFFFFF086  }
0x1c: {  	p1 =	slt.u32 s9, $0xF7A;
	s5 =	simm.s32 @!p2 $0x0  }
0x1d: {  	s5 =	simm.s32 @p1 $0x1;
	p0 =	seq.s32 s7, s2  }
0x1e: {  	s7 =	smul.u32 @!p0 $0xF7A, s2;
	p2 =	seq.s32 @!p0 s5, $0x0  }
0x1f: {  	s9 =	smul.u32 $0xF7A, s1;
	s8 =	simm.s32 @!p0 $0x1BF5;
	p2 =	por !p2, p0  }
0x20: {  	[sflag:s8] =	ssyncset.s32 @!p0 $0xFFFFF086;
	s6 =	sadd.s32 @!p0 s3, s7;
	s7 =	simm.s32 @!p0 $0x108  }
0x21: {  	s3 =	sadd.s32 s3, s9;
	s6 =	sadd.s32 @!p0 $0x88, s6;
	s7 =	simm.s32 @p2 $0x1082  }
0x22: {  	[simem:s7], [sflag:s8] =	dma.local @!p0 [hbm:s6], $0xF7A  }
0x23: {  	s9 =	sor.u32 $0xD0000000, s2;
	s6 =	simm.s32 $0x108;
	_ =	swait.ge @!p0 [sflag:s8], $0x0  }
0x24: {  	s3 =	sadd.s32 $0x88, s3;
	s6 =	simm.s32 @!p1 $0x1082;
	[sflag:s4] =	ssyncset.s32 $0xFFFFF086  }
0x25: {  	[simem:s6], [sflag:s4] =	dma.local [hbm:s3], $0xF7A  }
0x26: {  	[smem:$0x3F99] =	sst s1;
	(tag) =	ssettag s2;
	_ =	strace s9  }
0x27: {  	s1 =	sld [smem:$0x3FA9]  }
0x28: {  	s2 =	sld [smem:$0x3FAA]  }
0x29: {  	s4 =	sld [smem:$0x3FAC]  }
0x2a: {  	p0 =	seq.s32 s5, $0x0;
	s5 =	sld [smem:$0x3FAD]  }
0x2b: {  	s6 =	sld [smem:$0x3FAE]  }
0x2c: {  	s7 =	sld [smem:$0x3FAF]  }
0x2d: {  	s3 =	simm.s32 $0x108;
	s8 =	sld [smem:$0x3FB0]  }
0x2e: {  	s3 =	simm.s32 @!p0 $0x1082;
	s9 =	sld [smem:$0x3FB1]  }
0x2f: {  	lr =	sadd.s32 s0, s3;
	s0 =	sld [smem:$0x3FA8]  }
0x30: {  	s3 =	sld [smem:$0x3FAB]  }
0x31: {  	[smem:$0x3FB4] =	sst s10  }
0x32: {  	s10 =	sld [smem:$0x3FB2];
	_ =	sdelay $0x3  }
0x33: {  	p0 =	seq.s32 s10, $0x1;
	s10 =	sld [smem:$0x3FB4];
	_ =	sdelay $0x3  }
0x34: {  	[smem:$0x3FB4] =	sst s10  }
0x35: {  	s10 =	sld [smem:$0x3FB3];
	_ =	sdelay $0x3  }
0x36: {  	p1 =	seq.s32 s10, $0x1;
	s10 =	sld [smem:$0x3FB4];
	_ =	sdelay $0x3  }
0x37: {  	[smem:$0x3FB4] =	sst s10  }
0x38: {  	s10 =	sld [smem:$0x3FB5]  }
0x39: {  	_ = 	snop;
	(pc) =	sbr.ind lr, $3  }
0x3a: {  	_ = 	snop  }
0x3b: {  	_ = 	snop  }
0x3c: {  	p2 =	seq.s32 s10, $0x1;
	s10 =	sld [smem:$0x3FB4]  }
0x3d: {  	_ =	shalt  }
0x3e: {  	_ =	shalt  }
0x3f: {  	_ =	shalt  }
0x40: {  	_ =	shalt  }
0x41: {  	_ =	shalt  }
0x42: {  	_ =	shalt  }
0x43: {  	_ =	shalt  }
0x44: {  	_ =	shalt  }
0x45: {  	_ =	shalt  }
0x46: {  	_ =	shalt  }
0x47: {  	_ =	shalt  }
0x48: {  	_ =	shalt  }
0x49: {  	_ =	shalt  }
0x4a: {  	_ =	shalt  }
0x4b: {  	_ =	shalt  }
0x4c: {  	_ =	shalt  }
0x4d: {  	_ =	shalt  }
0x4e: {  	_ =	shalt  }
0x4f: {  	_ =	shalt  }
0x50: {  	_ =	shalt  }
0x51: {  	_ =	shalt  }
0x52: {  	_ =	shalt  }
0x53: {  	_ =	shalt  }
0x54: {  	_ =	shalt  }
0x55: {  	_ =	shalt  }
0x56: {  	_ =	shalt  }
0x57: {  	_ =	shalt  }
0x58: {  	_ =	shalt  }
0x59: {  	_ =	shalt  }
0x5a: {  	_ =	shalt  }
0x5b: {  	_ =	shalt  }
0x5c: {  	_ =	shalt  }
0x5d: {  	_ =	shalt  }
0x5e: {  	_ =	shalt  }
0x5f: {  	_ =	shalt  }
0x60: {  	_ =	shalt  }
0x61: {  	_ =	shalt  }
0x62: {  	_ =	shalt  }
0x63: {  	_ =	shalt  }
0x64: {  	_ =	shalt  }
0x65: {  	_ =	shalt  }
0x66: {  	_ =	shalt  }
0x67: {  	_ =	shalt  }
0x68: {  	_ =	shalt  }
0x69: {  	_ =	shalt  }
0x6a: {  	_ =	shalt  }
0x6b: {  	_ =	shalt  }
0x6c: {  	_ =	shalt  }
0x6d: {  	_ =	shalt  }
0x6e: {  	_ =	shalt  }
0x6f: {  	_ =	shalt  }
0x70: {  	_ =	shalt  }
0x71: {  	_ =	shalt  }
0x72: {  	_ =	shalt  }
0x73: {  	_ =	shalt  }
0x74: {  	_ =	shalt  }
0x75: {  	_ =	shalt  }
0x76: {  	_ =	shalt  }
0x77: {  	_ =	shalt  }
0x78: {  	_ =	shalt  }
0x79: {  	_ =	shalt  }
0x7a: {  	_ =	shalt  }
0x7b: {  	_ =	shalt  }
0x7c: {  	_ =	shalt  }
0x7d: {  	_ =	shalt  }
0x7e: {  	_ =	shalt  }
0x7f: {  	_ =	shalt  }
0x80: {  	_ =	shalt  }
0x81: {  	_ =	shalt  }
0x82: {  	_ =	shalt  }
0x83: {  	_ =	shalt  }
0x84: {  	_ =	shalt  }
0x85: {  	_ =	shalt  }
0x86: {  	_ =	shalt  }
0x87: {  	_ =	shalt  }
.Lfunc_end0:
.L_simem_size_0:
called_computation_lowered:
.L_overlay_start_0:
0x88: {  	s2 =	sld [smem:$0x3FD9]  }
0x89: {  	s3 =	sld [smem:$0x3FFE];
	_ =	sdelay $0x1  }
0x8a: {  	s1 =	srdreg.scid  }
0x8b: {  	s0 =	sand.u32 $0x1, s1  }
0x8c: {  	s16 =	sshll.u32 s0, $0xA;
	s2 =	sadd.s32 s3, s2  }
0x8d: {  	s2 =	sadd.s32 s2, s16  }
0x8e: {  	[smem:$0x3FC0] =	sst s2  }
0x8f: {  	_ = 	snop  }
0x90: {  	(tm) =	ssettm $0x1  }
0x91: {  	s17 =	sld [smem:$0x3FFB];
	_ =	sdelay $0x3  }
0x92: {  	_ =	strace s17  }
0x93: {  	s2 =	sld [smem:$0x3FFC];
	_ =	sdelay $0x3  }
0x94: {  	_ =	strace s2  }
0x95: {  	s2 =	sld [smem:$0x3FFD];
	_ =	sdelay $0x3  }
0x96: {  	_ =	strace s2  }
0x97: {  	_ =	strace $0x8FFFFFFF  }
0x98: {  	s18 =	sld [smem:$0x3FDB];
	_ =	sdelay $0x1  }
0x99: {  	s19 =	simm.s32 $_scs_section_size  }
0x9a: {  	s4 =	simm.s32 $_size__tile_overlayer_lowered;
	s5 =	simm.s32 $_tile_overlayer_lowered  }
0x9b: {  	s22 =	simm.s32 $0x1BFF;
	s21 =	sshll.u32 s5, $0x1;
	s2 =	sadd.s32 s19, s18  }
0x9c: {  	s6 =	simm.s32 $0x0;
	s20 =	sshll.u32 s4, $0x1;
	s4 =	sadd.s32 s21, s2  }
0x9d: {  	[timem:s6], [sflag:s22] =	dma.local [hbm:s4], s20  }
0x9e: {  	_ =	swait.ge [sflag:s22], s20  }
0x9f: {  	s3 =	ssub.s32 $0x0, s20;
	[sflag:s22] =	ssyncset.done $0x0  }
0xa0: {  	[sflag:s22] =	ssyncadd.s32 s3;
	_ =	sdelay $0x1  }
0xa1: {  	s23 =	simm.s32 $0x1B8B  }
0xa2: {  	_ =	swait.ge [sflag:s23], $0x1  }
0xa3: {  	[sflag:s23] =	ssyncset.done $0x0  }
0xa4: {  	s25 =	simm.s32 $0x1B8E;
	s24 =	sld [smem:$0x3FFE];
	[sflag:s23] =	ssyncadd.s32 $0xFFFFFFFF  }
0xa5: {  	s26 =	simm.s32 $execute0_lowered;
	[smem:$0x3FD2] =	sst s25  }
0xa6: {  	s4 =	sshll.u32 s26, $0x1;
	_ =	strace $0x80000046;
	[dreg:$0x1] =	wrdreg $0xFFFFFFFF  }
0xa7: {  	s28 =	simm.s32 $_size_execute0_lowered;
	s2 =	sadd.s32 s2, s4;
	[dreg:$0x0] =	wrdreg $0x0  }
0xa8: {  	s4 =	sshll.u32 s28, $0x1;
	[dreg:$0x2] =	wrdreg s2  }
0xa9: {  	[dreg:$0x3] =	wrdreg s4  }
0xaa: {  	[dreg:$0x4] =	wrdreg $0xC0  }
0xab: {  	_ =	task [dreg:s6], $0x5FFFF  }
0xac: {  	[dreg:$0x1] =	wrdreg $0xFFFFFFFF  }
0xad: {  	[dreg:$0x0] =	wrdreg $0x60  }
0xae: {  	[dreg:$0x2] =	wrdreg s24  }
0xaf: {  	[dreg:$0x3] =	wrdreg $0xAB000  }
0xb0: {  	[dreg:$0x4] =	wrdreg $0x1EB000  }
0xb1: {  	[dreg:$0x5] =	wrdreg $0x9  }
0xb2: {  	_ =	task.clear_ibuf [dreg:s6], $0x6FFFF;
	_ =	strace $0x90000046  }
0xb3: {  	s29 =	simm.s32 $0x9;
	_ =	strace $0x80000048  }
0xb4: {  	_ =	swait.ge [sflag:s29], $0x1  }
0xb5: {  	[sflag:s29] =	ssyncadd.s32 $0xFFFFFFFF  }
0xb6: {  	_ =	strace $0x90000048  }
0xb7: {  	_ =	sfence  }
0xb8: {  	s30 =	sld [smem:$0x0];
	_ =	sdelay $0x2  }
0xb9: {  	s31 =	sshll.u32 s1, $0xD;
	s1 =	sshrl.u32 s1, $0x2  }
0xba: {  	s3 =	sand.u32 $0x4000, s31;
	s1 =	sadd.s32 s1, s30  }
0xbb: {  	s0 =	sor.u32 s3, s0;
	s1 =	sshll.u32 s1, $0x11  }
0xbc: {  	s0 =	sor.u32 s1, s0  }
0xbd: {  	s0 =	sadd.s32 $0x8F2B, s0  }
0xbe: {  	[sflag:s0] =	ssyncadd.remote.s32 $0x1  }
0xbf: {  	_ =	sfence.sel $0xFFFF  }
0xc0: {  	[dreg:$0x0] =	wrdreg $0xFFFFFFFF;
	(pc) =	sbr.abs _section_cstart, $3  }
0xc1: {  	[dreg:$0x1] =	wrdreg $0xFFFFFFFF  }
0xc2: {  	_ =	task.clear_ibuf [dreg:s6], $0x2FFFF;
	_ =	strace $0x9FFFFFFF  }
0xc3: {  	(tm) =	ssettm $0x7FFFFFFF  }
tec
execute0_lowered:
.L_overlay_start_1:
0x0: {  	(tag) =	ssettag $0x1  }
0x1: {  	s0 =	rddreg [dreg:$0x0]  }
0x2: {  	s2 =	rddreg [dreg:$0x1]  }
0x3: {  	s3 =	rddreg [dreg:$0x2];
	s4 =	simm.s32 $0x0;
	s14 =	stileid.u32  }
0x4: {  	s1 =	srdreg.scid;
	s17 =	simm.s32 $0x6;
	s19 =	simm.s32 $0x1400  }
0x5: {  	s28 =	simm.s32 $0x4;
	s29 =	simm.s32 $0x2780;
	s30 =	simm.s32 $0x5  }
0x6: {  	[smem:$0x7FF] =	sst s4;
	s6 =	smul.u32 $0x14000, s14;
	s1 =	sand.u32 $0x1, s1  }
0x7: {  	s5 =	sadd.s32 $0x15800, s0;
	s11 =	sadd.s32 $0x1800, s0;
	s8 =	smul.u32 $0x500, s14  }
0x8: {  	s12 =	sadd.s32 $0xB800, s0;
	s21 =	sshll.u32 s14, $0x1;
	s22 =	smul.u32 $0x50000, s14  }
0x9: {  	s24 =	smul.u32 $0xA00, s14;
	s25 =	sshll.u32 s14, $0x6;
	_ =	strace $0x80000047  }
0xa: {  	s7 =	smul.u32 $0x140000, s1;
	s9 =	sshll.u32 s1, $0x7;
	s23 =	ssub.s32 $0x2, s1  }
0xb: {  	s1 =	sor.u32 s1, s21;
	s21 =	simm.s32 $0x2800;
	s8 =	sor.u32 s9, s8  }
0xc: {  	s10 =	sshrl.u32 s23, $0x1;
	s1 =	smul.u32 $0x2800, s1;
	s26 =	sshrl.u32 s24, $0x2  }
0xd: {  	s24 =	simm.s32 $0x6800;
	s7 =	sadd.s32 s6, s7;
	s6 =	sshrl.u32 s6, $0x3  }
0xe: {  	s20 =	sshrl.u32 s8, $0x3;
	s8 =	sshrl.u32 s22, $0x2;
	s15 =	ssub.s32 s23, s10  }
0xf: {  	s22 =	simm.s32 $0x1;
	s23 =	simm.s32 $0xA800;
	s7 =	sshrl.u32 s7, $0x3  }
0x10: {  	s6 =	sadd.s32 s6, s0;
	s16 =	sadd.s32 s8, s2;
	s1 =	sshrl.u32 s1, $0x3  }
0x11: {  	s8 =	sadd.s32 s26, s3;
	s15 =	smax.u32 s15, $0x1;
	s26 =	simm.s32 $0x3  }
0x12: {  	s13 =	sadd.s32 s7, s0;
	s0 =	sadd.s32 s20, s0;
	s6 =	sadd.s32 $0x3D800, s6  }
0x13: {  	s7 =	sor.u32 $0x1C06, s25;
	s31 =	sadd.s32 $0x280, s1;
	s9 =	sadd.s32 s11, s1  }
0x14: {  	s10 =	sadd.s32 s12, s1;
	s16 =	sshrl.u32 s16, $0x3;
	s20 =	simm.s32 $0x80  }
0x15: {  	s25 =	simm.s32 $0x2;
	s1 =	simm.s32 $0x0;
	s11 =	sadd.s32 s11, s31  }
0x16: {  	v0 =	vimm.f32 $0.0e+00;
	v1 =	vimm.f32 $1.000000000e+00;
	s12 =	sadd.s32 s12, s31;
	s13 =	sadd.s32 $0x65800, s13;
	s14 =	sadd.s32 $0xB5800, s0  }
.LBB2_1:
0x17: {  	[spmem:s16], [sflag:s7] =	dma.local [hbm:s6], $0x2800  }
0x18: {  	_ =	swait.ge [sflag:s17], $0x2800  }
0x19: {  	[sflag:s17] =	ssyncset.done $0x0  }
0x1a: {  	[sflag:s17] =	ssyncadd.s32 $0xFFFFD800  }
0x1b: {  	[tilespmem:$0xA880] =	vst v0  }
0x1c: {  	[tilespmem:$0xA890] =	vst v0  }
0x1d: {  	[tilespmem:$0xA8A0] =	vst v0  }
0x1e: {  	[tilespmem:$0xA8B0] =	vst v0  }
0x1f: {  	[tilespmem:$0xA8C0] =	vst v0  }
0x20: {  	[tilespmem:$0xA8D0] =	vst v0  }
0x21: {  	[tilespmem:$0xA8E0] =	vst v0  }
0x22: {  	[tilespmem:$0xA8F0] =	vst v0  }
0x23: {  	[tilespmem:$0xA900] =	vst v0  }
0x24: {  	[tilespmem:$0xA910] =	vst v0  }
0x25: {  	[tilespmem:$0xA920] =	vst v0  }
0x26: {  	[tilespmem:$0xA930] =	vst v0  }
0x27: {  	[tilespmem:$0xA940] =	vst v0  }
0x28: {  	[tilespmem:$0xA950] =	vst v0  }
0x29: {  	[tilespmem:$0xA960] =	vst v0  }
0x2a: {  	[tilespmem:$0xA970] =	vst v0  }
0x2b: {  	[tilespmem:$0xA980] =	vst v0  }
0x2c: {  	[tilespmem:$0xA990] =	vst v0  }
0x2d: {  	[tilespmem:$0xA9A0] =	vst v0  }
0x2e: {  	[tilespmem:$0xA9B0] =	vst v0  }
0x2f: {  	[tilespmem:$0xA9C0] =	vst v0  }
0x30: {  	[tilespmem:$0xA9D0] =	vst v0  }
0x31: {  	[tilespmem:$0xA9E0] =	vst v0  }
0x32: {  	[tilespmem:$0xA9F0] =	vst v0  }
0x33: {  	[tilespmem:$0xAA00] =	vst v0  }
0x34: {  	[tilespmem:$0xAA10] =	vst v0  }
0x35: {  	[tilespmem:$0xAA20] =	vst v0  }
0x36: {  	[tilespmem:$0xAA30] =	vst v0  }
0x37: {  	[tilespmem:$0xAA40] =	vst v0  }
0x38: {  	[tilespmem:$0xAA50] =	vst v0  }
0x39: {  	[tilespmem:$0xAA60] =	vst v0  }
0x3a: {  	[tilespmem:$0xAA70] =	vst v0  }
0x3b: {  	[tilespmem:$0xAA80] =	vst v0  }
0x3c: {  	[tilespmem:$0xAA90] =	vst v0  }
0x3d: {  	[tilespmem:$0xAAA0] =	vst v0  }
0x3e: {  	[tilespmem:$0xAAB0] =	vst v0  }
0x3f: {  	[tilespmem:$0xAAC0] =	vst v0  }
0x40: {  	[tilespmem:$0xAAD0] =	vst v0  }
0x41: {  	[tilespmem:$0xAAE0] =	vst v0  }
0x42: {  	s0 =	simm.s32 $0xA880;
	[tilespmem:$0xAAF0] =	vst v0  }
0x43: {  	[spmem:s8] =	stream.linear.scatter [tilespmem:s0], [sflag:$0x6], $0x280, $0x38;
	[tilespmem:$0x1ED80] =	vst v63  }
0x44: {  	_ =	swait.ge [sflag:s17], $0x280  }
0x45: {  	[sflag:s17] =	ssyncset.done $0x0  }
0x46: {  	[sflag:s17] =	ssyncadd.s32 $0xFFFFFD80  }
0x47: {  	[tilespmem:$0xA800] =	vst v1  }
0x48: {  	[tilespmem:$0xA810] =	vst v1  }
0x49: {  	[tilespmem:$0xA820] =	vst v1  }
0x4a: {  	[tilespmem:$0xA830] =	vst v1  }
0x4b: {  	[tilespmem:$0xA840] =	vst v1  }
0x4c: {  	[tilespmem:$0xA850] =	vst v1  }
0x4d: {  	[tilespmem:$0xA860] =	vst v1  }
0x4e: {  	[tilespmem:$0xA870] =	vst v1  }
0x4f: {  	[bflag:$0x0] =	sbarrier.arrive $0xFFFF  }
0x50: {  	[tilespmem:s4], [sflag:$0x6] =	stream.linear.gather [hbm4b:s9+s4], $0x1400, $0x38;
	[tilespmem:$0x1ED80] =	vst v63  }
0x51: {  	_ =	swait.ge [sflag:s17], $0x1400  }
0x52: {  	[sflag:s17] =	ssyncset.done $0x0  }
0x53: {  	[sflag:s17] =	ssyncadd.s32 $0xFFFFEC00  }
0x54: {  	[tilespmem:s19], [sflag:$0x6] =	stream.linear.gather [hbm4b:s10+s4], $0x1400, $0x38;
	[tilespmem:$0x1ED80] =	vst v63  }
0x55: {  	_ =	swait.ge [sflag:s17], $0x1400  }
0x56: {  	[sflag:s17] =	ssyncset.done $0x0  }
0x57: {  	[sflag:s17] =	ssyncadd.s32 $0xFFFFEC00  }
0x58: {  	[tilespmem:s21], [sflag:$0x1] =	stream.indirect.gather [hbm4b:s5+s20], $0x80, s4, s20, $0xb8;
	[tilespmem:$0x1ED80] =	vst v63  }
0x59: {  	_ =	swait.ge [sflag:s22], $0x4000  }
0x5a: {  	[sflag:s22] =	ssyncset.done $0x0  }
0x5b: {  	[sflag:s22] =	ssyncadd.s32 $0xFFFFC000  }
0x5c: {  	[spmem:s2] =	stream.indirect.scatter.add.f32 [tilespmem:s21], [sflag:$0x3], $0x80, s19, s20, $0xb8;
	[tilespmem:$0x1ED80] =	vst v63  }
0x5d: {  	_ = 	snop  }
0x5e: {  	[spmem:s3] =	stream.indirect.scatter.add.f32 [tilespmem:s23], [sflag:$0x5], $0x1, s19, s20, $0xb8;
	[tilespmem:$0x1ED80] =	vst v63  }
0x5f: {  	_ = 	snop  }
0x60: {  	[tilespmem:s24], [sflag:$0x2] =	stream.indirect.gather [hbm4b:s5+s20], $0x80, s20, s20, $0xb8;
	[tilespmem:$0x1ED80] =	vst v63  }
0x61: {  	_ =	swait.ge [sflag:s25], $0x4000  }
0x62: {  	[sflag:s25] =	ssyncset.done $0x0  }
0x63: {  	s18 =	simm.s32 $0x1480;
	[sflag:s25] =	ssyncadd.s32 $0xFFFFC000  }
0x64: {  	[spmem:s2] =	stream.indirect.scatter.add.f32 [tilespmem:s24], [sflag:$0x4], $0x80, s18, s20, $0xb8;
	[tilespmem:$0x1ED80] =	vst v63  }
0x65: {  	_ = 	snop  }
0x66: {  	[spmem:s3] =	stream.indirect.scatter.add.f32 [tilespmem:s23], [sflag:$0x5], $0x1, s18, s20, $0xb8;
	[tilespmem:$0x1ED80] =	vst v63  }
0x67: {  	_ =	swait.ge [sflag:s26], $0x4000  }
0x68: {  	[sflag:s26] =	ssyncset.done $0x0  }
0x69: {  	s0 =	simm.s32 $0x100;
	[sflag:s26] =	ssyncadd.s32 $0xFFFFC000  }
0x6a: {  	[tilespmem:s21], [sflag:$0x1] =	stream.indirect.gather [hbm4b:s5+s20], $0x80, s0, s20, $0xb8;
	[tilespmem:$0x1ED80] =	vst v63  }
0x6b: {  	_ =	swait.ge [sflag:s22], $0x4000  }
0x6c: {  	[sflag:s22] =	ssyncset.done $0x0  }
0x6d: {  	s0 =	simm.s32 $0x1500;
	[sflag:s22] =	ssyncadd.s32 $0xFFFFC000  }
0x6e: {  	[spmem:s2] =	stream.indirect.scatter.add.f32 [tilespmem:s21], [sflag:$0x3], $0x80, s0, s20, $0xb8;
	[tilespmem:$0x1ED80] =	vst v63  }
0x6f: {  	_ = 	snop  }
0x70: {  	[spmem:s3] =	stream.indirect.scatter.add.f32 [tilespmem:s23], [sflag:$0x5], $0x1, s0, s20, $0xb8;
	[tilespmem:$0x1ED80] =	vst v63  }
0x71: {  	_ =	swait.ge [sflag:s28], $0x4000  }
0x72: {  	[sflag:s28] =	ssyncset.done $0x0  }
0x73: {  	s31 =	simm.s32 $0x180;
	s18 =	simm.s32 $0xFFFFB800;
	[sflag:s28] =	ssyncadd.s32 $0xFFFFC000  }
.LBB2_2:
0x74: {  	[tilespmem:s24], [sflag:$0x2] =	stream.indirect.gather [hbm4b:s5+s20], $0x80, s31, s20, $0xb8;
	[tilespmem:$0x1ED80] =	vst v63  }
0x75: {  	s31 =	smov.u32 s18  }
0x76: {  	p0 =	sne.s32 s18, $0xFFFFFC00;
	s18 =	sadd.s32 $0x400, s18;
	_ =	swait.ge [sflag:s25], $0x4000  }
0x77: {  	s31 =	sshra.s32 s31, $0x2;
	[sflag:s25] =	ssyncset.done $0x0  }
0x78: {  	s0 =	sadd.s32 $0x2780, s31;
	[sflag:s25] =	ssyncadd.s32 $0xFFFFC000  }
0x79: {  	[spmem:s2] =	stream.indirect.scatter.add.f32 [tilespmem:s24], [sflag:$0x4], $0x80, s0, s20, $0xb8;
	[tilespmem:$0x1ED80] =	vst v63  }
0x7a: {  	_ = 	snop  }
0x7b: {  	[spmem:s3] =	stream.indirect.scatter.add.f32 [tilespmem:s23], [sflag:$0x5], $0x1, s0, s20, $0xb8;
	[tilespmem:$0x1ED80] =	vst v63  }
0x7c: {  	_ =	swait.ge [sflag:s26], $0x4000  }
0x7d: {  	[sflag:s26] =	ssyncset.done $0x0  }
0x7e: {  	s0 =	sadd.s32 $0x1400, s31;
	[sflag:s26] =	ssyncadd.s32 $0xFFFFC000  }
0x7f: {  	[tilespmem:s21], [sflag:$0x1] =	stream.indirect.gather [hbm4b:s5+s20], $0x80, s0, s20, $0xb8;
	[tilespmem:$0x1ED80] =	vst v63  }
0x80: {  	_ =	swait.ge [sflag:s22], $0x4000  }
0x81: {  	[sflag:s22] =	ssyncset.done $0x0  }
0x82: {  	s0 =	sadd.s32 $0x2800, s31;
	[sflag:s22] =	ssyncadd.s32 $0xFFFFC000  }
0x83: {  	[spmem:s2] =	stream.indirect.scatter.add.f32 [tilespmem:s21], [sflag:$0x3], $0x80, s0, s20, $0xb8;
	[tilespmem:$0x1ED80] =	vst v63  }
.Ltmp0:
0x84: {  	(pc) =	sbr.rel @p0 .LBB2_2-.Ltmp0, $4  }
0x85: {  	[spmem:s3] =	stream.indirect.scatter.add.f32 [tilespmem:s23], [sflag:$0x5], $0x1, s0, s20, $0xb8;
	[tilespmem:$0x1ED80] =	vst v63  }
0x86: {  	_ =	swait.ge [sflag:s28], $0x4000  }
0x87: {  	[sflag:s28] =	ssyncset.done $0x0  }
0x88: {  	s31 =	sadd.s32 $0x1480, s31;
	[sflag:s28] =	ssyncadd.s32 $0xFFFFC000  }
0x89: {  	[tilespmem:s24], [sflag:$0x2] =	stream.indirect.gather [hbm4b:s5+s20], $0x80, s31, s20, $0xb8;
	[tilespmem:$0x1ED80] =	vst v63  }
0x8a: {  	_ =	swait.ge [sflag:s25], $0x4000  }
0x8b: {  	[sflag:s25] =	ssyncset.done $0x0  }
0x8c: {  	[sflag:s25] =	ssyncadd.s32 $0xFFFFC000  }
0x8d: {  	[spmem:s2] =	stream.indirect.scatter.add.f32 [tilespmem:s24], [sflag:$0x4], $0x80, s29, s20, $0xb8;
	[tilespmem:$0x1ED80] =	vst v63  }
0x8e: {  	_ = 	snop  }
0x8f: {  	[spmem:s3] =	stream.indirect.scatter.add.f32 [tilespmem:s23], [sflag:$0x5], $0x1, s29, s20, $0xb8;
	[tilespmem:$0x1ED80] =	vst v63  }
0x90: {  	_ =	swait.ge [sflag:s26], $0x4000  }
0x91: {  	[sflag:s26] =	ssyncset.done $0x0  }
0x92: {  	[sflag:s26] =	ssyncadd.s32 $0xFFFFC000  }
0x93: {  	_ =	swait.ge [sflag:s28], $0x4000  }
0x94: {  	[sflag:s28] =	ssyncset.done $0x0  }
0x95: {  	[sflag:s28] =	ssyncadd.s32 $0xFFFFC000  }
0x96: {  	_ =	swait.ge [sflag:s30], $0x80  }
0x97: {  	[sflag:s30] =	ssyncset.done $0x0  }
0x98: {  	[sflag:s30] =	ssyncadd.s32 $0xFFFFFF80  }
0x99: {  	_ =	swait.ge [sflag:s30], $0x80  }
0x9a: {  	[sflag:s30] =	ssyncset.done $0x0  }
0x9b: {  	[sflag:s30] =	ssyncadd.s32 $0xFFFFFF80  }
0x9c: {  	_ =	swait.ge [sflag:s30], $0x80  }
0x9d: {  	[sflag:s30] =	ssyncset.done $0x0  }
0x9e: {  	[sflag:s30] =	ssyncadd.s32 $0xFFFFFF80  }
0x9f: {  	_ =	swait.ge [sflag:s30], $0x80  }
0xa0: {  	[sflag:s30] =	ssyncset.done $0x0  }
0xa1: {  	[sflag:s30] =	ssyncadd.s32 $0xFFFFFF80  }
0xa2: {  	_ =	swait.ge [sflag:s30], $0x80  }
0xa3: {  	[sflag:s30] =	ssyncset.done $0x0  }
0xa4: {  	[sflag:s30] =	ssyncadd.s32 $0xFFFFFF80  }
0xa5: {  	_ =	swait.ge [sflag:s30], $0x80  }
0xa6: {  	[sflag:s30] =	ssyncset.done $0x0  }
0xa7: {  	[sflag:s30] =	ssyncadd.s32 $0xFFFFFF80  }
0xa8: {  	_ =	swait.ge [sflag:s30], $0x80  }
0xa9: {  	[sflag:s30] =	ssyncset.done $0x0  }
0xaa: {  	[sflag:s30] =	ssyncadd.s32 $0xFFFFFF80  }
0xab: {  	_ =	swait.ge [sflag:s30], $0x80  }
0xac: {  	[sflag:s30] =	ssyncset.done $0x0  }
0xad: {  	[sflag:s30] =	ssyncadd.s32 $0xFFFFFF80  }
0xae: {  	_ =	swait.ge [sflag:s30], $0x80  }
0xaf: {  	[sflag:s30] =	ssyncset.done $0x0  }
0xb0: {  	[sflag:s30] =	ssyncadd.s32 $0xFFFFFF80  }
0xb1: {  	_ =	swait.ge [sflag:s30], $0x80  }
0xb2: {  	[sflag:s30] =	ssyncset.done $0x0  }
0xb3: {  	[sflag:s30] =	ssyncadd.s32 $0xFFFFFF80  }
0xb4: {  	_ =	swait.ge [sflag:s30], $0x80  }
0xb5: {  	[sflag:s30] =	ssyncset.done $0x0  }
0xb6: {  	[sflag:s30] =	ssyncadd.s32 $0xFFFFFF80  }
0xb7: {  	_ =	swait.ge [sflag:s30], $0x80  }
0xb8: {  	[sflag:s30] =	ssyncset.done $0x0  }
0xb9: {  	[sflag:s30] =	ssyncadd.s32 $0xFFFFFF80  }
0xba: {  	_ =	swait.ge [sflag:s30], $0x80  }
0xbb: {  	[sflag:s30] =	ssyncset.done $0x0  }
0xbc: {  	[sflag:s30] =	ssyncadd.s32 $0xFFFFFF80  }
0xbd: {  	_ =	swait.ge [sflag:s30], $0x80  }
0xbe: {  	[sflag:s30] =	ssyncset.done $0x0  }
0xbf: {  	[sflag:s30] =	ssyncadd.s32 $0xFFFFFF80  }
0xc0: {  	_ =	swait.ge [sflag:s30], $0x80  }
0xc1: {  	[sflag:s30] =	ssyncset.done $0x0  }
0xc2: {  	[sflag:s30] =	ssyncadd.s32 $0xFFFFFF80  }
0xc3: {  	_ =	swait.ge [sflag:s30], $0x80  }
0xc4: {  	[sflag:s30] =	ssyncset.done $0x0  }
0xc5: {  	[sflag:s30] =	ssyncadd.s32 $0xFFFFFF80  }
0xc6: {  	_ =	swait.ge [sflag:s30], $0x80  }
0xc7: {  	[sflag:s30] =	ssyncset.done $0x0  }
0xc8: {  	[sflag:s30] =	ssyncadd.s32 $0xFFFFFF80  }
0xc9: {  	_ =	swait.ge [sflag:s30], $0x80  }
0xca: {  	[sflag:s30] =	ssyncset.done $0x0  }
0xcb: {  	[sflag:s30] =	ssyncadd.s32 $0xFFFFFF80  }
0xcc: {  	_ =	swait.ge [sflag:s30], $0x80  }
0xcd: {  	[sflag:s30] =	ssyncset.done $0x0  }
0xce: {  	[sflag:s30] =	ssyncadd.s32 $0xFFFFFF80  }
0xcf: {  	_ =	swait.ge [sflag:s30], $0x80  }
0xd0: {  	[sflag:s30] =	ssyncset.done $0x0  }
0xd1: {  	[sflag:s30] =	ssyncadd.s32 $0xFFFFFF80  }
0xd2: {  	_ =	swait.ge [sflag:s30], $0x80  }
0xd3: {  	[sflag:s30] =	ssyncset.done $0x0  }
0xd4: {  	[sflag:s30] =	ssyncadd.s32 $0xFFFFFF80  }
0xd5: {  	_ =	swait.ge [sflag:s30], $0x80  }
0xd6: {  	[sflag:s30] =	ssyncset.done $0x0  }
0xd7: {  	[sflag:s30] =	ssyncadd.s32 $0xFFFFFF80  }
0xd8: {  	_ =	swait.ge [sflag:s30], $0x80  }
0xd9: {  	[sflag:s30] =	ssyncset.done $0x0  }
0xda: {  	[sflag:s30] =	ssyncadd.s32 $0xFFFFFF80  }
0xdb: {  	_ =	swait.ge [sflag:s30], $0x80  }
0xdc: {  	[sflag:s30] =	ssyncset.done $0x0  }
0xdd: {  	[sflag:s30] =	ssyncadd.s32 $0xFFFFFF80  }
0xde: {  	_ =	swait.ge [sflag:s30], $0x80  }
0xdf: {  	[sflag:s30] =	ssyncset.done $0x0  }
0xe0: {  	[sflag:s30] =	ssyncadd.s32 $0xFFFFFF80  }
0xe1: {  	_ =	swait.ge [sflag:s30], $0x80  }
0xe2: {  	[sflag:s30] =	ssyncset.done $0x0  }
0xe3: {  	[sflag:s30] =	ssyncadd.s32 $0xFFFFFF80  }
0xe4: {  	_ =	swait.ge [sflag:s30], $0x80  }
0xe5: {  	[sflag:s30] =	ssyncset.done $0x0  }
0xe6: {  	[sflag:s30] =	ssyncadd.s32 $0xFFFFFF80  }
0xe7: {  	_ =	swait.ge [sflag:s30], $0x80  }
0xe8: {  	[sflag:s30] =	ssyncset.done $0x0  }
0xe9: {  	[sflag:s30] =	ssyncadd.s32 $0xFFFFFF80  }
0xea: {  	_ =	swait.ge [sflag:s30], $0x80  }
0xeb: {  	[sflag:s30] =	ssyncset.done $0x0  }
0xec: {  	[sflag:s30] =	ssyncadd.s32 $0xFFFFFF80  }
0xed: {  	_ =	swait.ge [sflag:s30], $0x80  }
0xee: {  	[sflag:s30] =	ssyncset.done $0x0  }
0xef: {  	[sflag:s30] =	ssyncadd.s32 $0xFFFFFF80  }
0xf0: {  	_ =	swait.ge [sflag:s30], $0x80  }
0xf1: {  	[sflag:s30] =	ssyncset.done $0x0  }
0xf2: {  	[sflag:s30] =	ssyncadd.s32 $0xFFFFFF80  }
0xf3: {  	_ =	swait.ge [sflag:s30], $0x80  }
0xf4: {  	[sflag:s30] =	ssyncset.done $0x0  }
0xf5: {  	[sflag:s30] =	ssyncadd.s32 $0xFFFFFF80  }
0xf6: {  	_ =	swait.ge [sflag:s30], $0x80  }
0xf7: {  	[sflag:s30] =	ssyncset.done $0x0  }
0xf8: {  	[sflag:s30] =	ssyncadd.s32 $0xFFFFFF80  }
0xf9: {  	_ =	swait.ge [sflag:s30], $0x80  }
0xfa: {  	[sflag:s30] =	ssyncset.done $0x0  }
0xfb: {  	[sflag:s30] =	ssyncadd.s32 $0xFFFFFF80  }
0xfc: {  	_ =	swait.ge [sflag:s30], $0x80  }
0xfd: {  	[sflag:s30] =	ssyncset.done $0x0  }
0xfe: {  	[sflag:s30] =	ssyncadd.s32 $0xFFFFFF80  }
0xff: {  	_ =	swait.ge [sflag:s30], $0x80  }
0x100: {  	[sflag:s30] =	ssyncset.done $0x0  }
0x101: {  	[sflag:s30] =	ssyncadd.s32 $0xFFFFFF80  }
0x102: {  	_ =	swait.ge [sflag:s30], $0x80  }
0x103: {  	[sflag:s30] =	ssyncset.done $0x0  }
0x104: {  	[sflag:s30] =	ssyncadd.s32 $0xFFFFFF80  }
0x105: {  	_ =	swait.ge [sflag:s30], $0x80  }
0x106: {  	[sflag:s30] =	ssyncset.done $0x0  }
0x107: {  	[sflag:s30] =	ssyncadd.s32 $0xFFFFFF80  }
0x108: {  	_ =	swait.ge [sflag:s30], $0x80  }
0x109: {  	[sflag:s30] =	ssyncset.done $0x0  }
0x10a: {  	[sflag:s30] =	ssyncadd.s32 $0xFFFFFF80  }
0x10b: {  	_ =	swait.ge [sflag:s30], $0x80  }
0x10c: {  	[sflag:s30] =	ssyncset.done $0x0  }
0x10d: {  	[sflag:s30] =	ssyncadd.s32 $0xFFFFFF80  }
0x10e: {  	[tilespmem:s4], [sflag:$0x6] =	stream.linear.gather [hbm4b:s11+s4], $0x1400, $0x38;
	[tilespmem:$0x1ED80] =	vst v63  }
0x10f: {  	_ =	swait.ge [sflag:s17], $0x1400  }
0x110: {  	[sflag:s17] =	ssyncset.done $0x0  }
0x111: {  	[sflag:s17] =	ssyncadd.s32 $0xFFFFEC00  }
0x112: {  	[tilespmem:s19], [sflag:$0x6] =	stream.linear.gather [hbm4b:s12+s4], $0x1400, $0x38;
	[tilespmem:$0x1ED80] =	vst v63  }
0x113: {  	_ =	swait.ge [sflag:s17], $0x1400  }
0x114: {  	[sflag:s17] =	ssyncset.done $0x0  }
0x115: {  	[sflag:s17] =	ssyncadd.s32 $0xFFFFEC00  }
0x116: {  	[tilespmem:s21], [sflag:$0x1] =	stream.indirect.gather [hbm4b:s5+s20], $0x80, s4, s20, $0xb8;
	[tilespmem:$0x1ED80] =	vst v63  }
0x117: {  	_ =	swait.ge [sflag:s22], $0x4000  }
0x118: {  	[sflag:s22] =	ssyncset.done $0x0  }
0x119: {  	[sflag:s22] =	ssyncadd.s32 $0xFFFFC000  }
0x11a: {  	[spmem:s2] =	stream.indirect.scatter.add.f32 [tilespmem:s21], [sflag:$0x3], $0x80, s19, s20, $0xb8;
	[tilespmem:$0x1ED80] =	vst v63  }
0x11b: {  	_ = 	snop  }
0x11c: {  	[spmem:s3] =	stream.indirect.scatter.add.f32 [tilespmem:s23], [sflag:$0x5], $0x1, s19, s20, $0xb8;
	[tilespmem:$0x1ED80] =	vst v63  }
0x11d: {  	_ = 	snop  }
0x11e: {  	[tilespmem:s24], [sflag:$0x2] =	stream.indirect.gather [hbm4b:s5+s20], $0x80, s20, s20, $0xb8;
	[tilespmem:$0x1ED80] =	vst v63  }
0x11f: {  	_ =	swait.ge [sflag:s25], $0x4000  }
0x120: {  	[sflag:s25] =	ssyncset.done $0x0  }
0x121: {  	s0 =	simm.s32 $0x1480;
	[sflag:s25] =	ssyncadd.s32 $0xFFFFC000  }
0x122: {  	[spmem:s2] =	stream.indirect.scatter.add.f32 [tilespmem:s24], [sflag:$0x4], $0x80, s0, s20, $0xb8;
	[tilespmem:$0x1ED80] =	vst v63  }
0x123: {  	_ = 	snop  }
0x124: {  	[spmem:s3] =	stream.indirect.scatter.add.f32 [tilespmem:s23], [sflag:$0x5], $0x1, s0, s20, $0xb8;
	[tilespmem:$0x1ED80] =	vst v63  }
0x125: {  	_ =	swait.ge [sflag:s26], $0x4000  }
0x126: {  	[sflag:s26] =	ssyncset.done $0x0  }
0x127: {  	s18 =	simm.s32 $0x100;
	[sflag:s26] =	ssyncadd.s32 $0xFFFFC000  }
0x128: {  	[tilespmem:s21], [sflag:$0x1] =	stream.indirect.gather [hbm4b:s5+s20], $0x80, s18, s20, $0xb8;
	[tilespmem:$0x1ED80] =	vst v63  }
0x129: {  	_ =	swait.ge [sflag:s22], $0x4000  }
0x12a: {  	[sflag:s22] =	ssyncset.done $0x0  }
0x12b: {  	s18 =	simm.s32 $0x1500;
	[sflag:s22] =	ssyncadd.s32 $0xFFFFC000  }
0x12c: {  	[spmem:s2] =	stream.indirect.scatter.add.f32 [tilespmem:s21], [sflag:$0x3], $0x80, s18, s20, $0xb8;
	[tilespmem:$0x1ED80] =	vst v63  }
0x12d: {  	_ = 	snop  }
0x12e: {  	[spmem:s3] =	stream.indirect.scatter.add.f32 [tilespmem:s23], [sflag:$0x5], $0x1, s18, s20, $0xb8;
	[tilespmem:$0x1ED80] =	vst v63  }
0x12f: {  	_ =	swait.ge [sflag:s28], $0x4000  }
0x130: {  	[sflag:s28] =	ssyncset.done $0x0  }
0x131: {  	s31 =	simm.s32 $0x180;
	s18 =	simm.s32 $0xFFFFB800;
	[sflag:s28] =	ssyncadd.s32 $0xFFFFC000  }
.LBB2_4:
0x132: {  	[tilespmem:s24], [sflag:$0x2] =	stream.indirect.gather [hbm4b:s5+s20], $0x80, s31, s20, $0xb8;
	[tilespmem:$0x1ED80] =	vst v63  }
0x133: {  	s0 =	smov.u32 s18  }
0x134: {  	p0 =	sne.s32 s18, $0xFFFFFC00;
	s18 =	sadd.s32 $0x400, s18;
	_ =	swait.ge [sflag:s25], $0x4000  }
0x135: {  	s0 =	sshra.s32 s0, $0x2;
	[sflag:s25] =	ssyncset.done $0x0  }
0x136: {  	s31 =	sadd.s32 $0x2780, s0;
	[sflag:s25] =	ssyncadd.s32 $0xFFFFC000  }
0x137: {  	[spmem:s2] =	stream.indirect.scatter.add.f32 [tilespmem:s24], [sflag:$0x4], $0x80, s31, s20, $0xb8;
	[tilespmem:$0x1ED80] =	vst v63  }
0x138: {  	_ = 	snop  }
0x139: {  	[spmem:s3] =	stream.indirect.scatter.add.f32 [tilespmem:s23], [sflag:$0x5], $0x1, s31, s20, $0xb8;
	[tilespmem:$0x1ED80] =	vst v63  }
0x13a: {  	_ =	swait.ge [sflag:s26], $0x4000  }
0x13b: {  	[sflag:s26] =	ssyncset.done $0x0  }
0x13c: {  	s31 =	sadd.s32 $0x1400, s0;
	[sflag:s26] =	ssyncadd.s32 $0xFFFFC000  }
0x13d: {  	[tilespmem:s21], [sflag:$0x1] =	stream.indirect.gather [hbm4b:s5+s20], $0x80, s31, s20, $0xb8;
	[tilespmem:$0x1ED80] =	vst v63  }
0x13e: {  	_ =	swait.ge [sflag:s22], $0x4000  }
0x13f: {  	[sflag:s22] =	ssyncset.done $0x0  }
0x140: {  	s31 =	sadd.s32 $0x2800, s0;
	[sflag:s22] =	ssyncadd.s32 $0xFFFFC000  }
0x141: {  	[spmem:s2] =	stream.indirect.scatter.add.f32 [tilespmem:s21], [sflag:$0x3], $0x80, s31, s20, $0xb8;
	[tilespmem:$0x1ED80] =	vst v63  }
.Ltmp1:
0x142: {  	(pc) =	sbr.rel @p0 .LBB2_4-.Ltmp1, $4  }
0x143: {  	[spmem:s3] =	stream.indirect.scatter.add.f32 [tilespmem:s23], [sflag:$0x5], $0x1, s31, s20, $0xb8;
	[tilespmem:$0x1ED80] =	vst v63  }
0x144: {  	_ =	swait.ge [sflag:s28], $0x4000  }
0x145: {  	[sflag:s28] =	ssyncset.done $0x0  }
0x146: {  	s31 =	sadd.s32 $0x1480, s0;
	[sflag:s28] =	ssyncadd.s32 $0xFFFFC000  }
0x147: {  	[tilespmem:s24], [sflag:$0x2] =	stream.indirect.gather [hbm4b:s5+s20], $0x80, s31, s20, $0xb8;
	[tilespmem:$0x1ED80] =	vst v63  }
0x148: {  	_ =	swait.ge [sflag:s25], $0x4000  }
0x149: {  	[sflag:s25] =	ssyncset.done $0x0  }
0x14a: {  	[sflag:s25] =	ssyncadd.s32 $0xFFFFC000  }
0x14b: {  	[spmem:s2] =	stream.indirect.scatter.add.f32 [tilespmem:s24], [sflag:$0x4], $0x80, s29, s20, $0xb8;
	[tilespmem:$0x1ED80] =	vst v63  }
0x14c: {  	_ = 	snop  }
0x14d: {  	[spmem:s3] =	stream.indirect.scatter.add.f32 [tilespmem:s23], [sflag:$0x5], $0x1, s29, s20, $0xb8;
	[tilespmem:$0x1ED80] =	vst v63  }
0x14e: {  	_ =	swait.ge [sflag:s26], $0x4000  }
0x14f: {  	[sflag:s26] =	ssyncset.done $0x0  }
0x150: {  	[sflag:s26] =	ssyncadd.s32 $0xFFFFC000  }
0x151: {  	_ =	swait.ge [sflag:s28], $0x4000  }
0x152: {  	[sflag:s28] =	ssyncset.done $0x0  }
0x153: {  	[sflag:s28] =	ssyncadd.s32 $0xFFFFC000  }
0x154: {  	_ =	swait.ge [sflag:s30], $0x80  }
0x155: {  	[sflag:s30] =	ssyncset.done $0x0  }
0x156: {  	[sflag:s30] =	ssyncadd.s32 $0xFFFFFF80  }
0x157: {  	_ =	swait.ge [sflag:s30], $0x80  }
0x158: {  	[sflag:s30] =	ssyncset.done $0x0  }
0x159: {  	[sflag:s30] =	ssyncadd.s32 $0xFFFFFF80  }
0x15a: {  	_ =	swait.ge [sflag:s30], $0x80  }
0x15b: {  	[sflag:s30] =	ssyncset.done $0x0  }
0x15c: {  	[sflag:s30] =	ssyncadd.s32 $0xFFFFFF80  }
0x15d: {  	_ =	swait.ge [sflag:s30], $0x80  }
0x15e: {  	[sflag:s30] =	ssyncset.done $0x0  }
0x15f: {  	[sflag:s30] =	ssyncadd.s32 $0xFFFFFF80  }
0x160: {  	_ =	swait.ge [sflag:s30], $0x80  }
0x161: {  	[sflag:s30] =	ssyncset.done $0x0  }
0x162: {  	[sflag:s30] =	ssyncadd.s32 $0xFFFFFF80  }
0x163: {  	_ =	swait.ge [sflag:s30], $0x80  }
0x164: {  	[sflag:s30] =	ssyncset.done $0x0  }
0x165: {  	[sflag:s30] =	ssyncadd.s32 $0xFFFFFF80  }
0x166: {  	_ =	swait.ge [sflag:s30], $0x80  }
0x167: {  	[sflag:s30] =	ssyncset.done $0x0  }
0x168: {  	[sflag:s30] =	ssyncadd.s32 $0xFFFFFF80  }
0x169: {  	_ =	swait.ge [sflag:s30], $0x80  }
0x16a: {  	[sflag:s30] =	ssyncset.done $0x0  }
0x16b: {  	[sflag:s30] =	ssyncadd.s32 $0xFFFFFF80  }
0x16c: {  	_ =	swait.ge [sflag:s30], $0x80  }
0x16d: {  	[sflag:s30] =	ssyncset.done $0x0  }
0x16e: {  	[sflag:s30] =	ssyncadd.s32 $0xFFFFFF80  }
0x16f: {  	_ =	swait.ge [sflag:s30], $0x80  }
0x170: {  	[sflag:s30] =	ssyncset.done $0x0  }
0x171: {  	[sflag:s30] =	ssyncadd.s32 $0xFFFFFF80  }
0x172: {  	_ =	swait.ge [sflag:s30], $0x80  }
0x173: {  	[sflag:s30] =	ssyncset.done $0x0  }
0x174: {  	[sflag:s30] =	ssyncadd.s32 $0xFFFFFF80  }
0x175: {  	_ =	swait.ge [sflag:s30], $0x80  }
0x176: {  	[sflag:s30] =	ssyncset.done $0x0  }
0x177: {  	[sflag:s30] =	ssyncadd.s32 $0xFFFFFF80  }
0x178: {  	_ =	swait.ge [sflag:s30], $0x80  }
0x179: {  	[sflag:s30] =	ssyncset.done $0x0  }
0x17a: {  	[sflag:s30] =	ssyncadd.s32 $0xFFFFFF80  }
0x17b: {  	_ =	swait.ge [sflag:s30], $0x80  }
0x17c: {  	[sflag:s30] =	ssyncset.done $0x0  }
0x17d: {  	[sflag:s30] =	ssyncadd.s32 $0xFFFFFF80  }
0x17e: {  	_ =	swait.ge [sflag:s30], $0x80  }
0x17f: {  	[sflag:s30] =	ssyncset.done $0x0  }
0x180: {  	[sflag:s30] =	ssyncadd.s32 $0xFFFFFF80  }
0x181: {  	_ =	swait.ge [sflag:s30], $0x80  }
0x182: {  	[sflag:s30] =	ssyncset.done $0x0  }
0x183: {  	[sflag:s30] =	ssyncadd.s32 $0xFFFFFF80  }
0x184: {  	_ =	swait.ge [sflag:s30], $0x80  }
0x185: {  	[sflag:s30] =	ssyncset.done $0x0  }
0x186: {  	[sflag:s30] =	ssyncadd.s32 $0xFFFFFF80  }
0x187: {  	_ =	swait.ge [sflag:s30], $0x80  }
0x188: {  	[sflag:s30] =	ssyncset.done $0x0  }
0x189: {  	[sflag:s30] =	ssyncadd.s32 $0xFFFFFF80  }
0x18a: {  	_ =	swait.ge [sflag:s30], $0x80  }
0x18b: {  	[sflag:s30] =	ssyncset.done $0x0  }
0x18c: {  	[sflag:s30] =	ssyncadd.s32 $0xFFFFFF80  }
0x18d: {  	_ =	swait.ge [sflag:s30], $0x80  }
0x18e: {  	[sflag:s30] =	ssyncset.done $0x0  }
0x18f: {  	[sflag:s30] =	ssyncadd.s32 $0xFFFFFF80  }
0x190: {  	_ =	swait.ge [sflag:s30], $0x80  }
0x191: {  	[sflag:s30] =	ssyncset.done $0x0  }
0x192: {  	[sflag:s30] =	ssyncadd.s32 $0xFFFFFF80  }
0x193: {  	_ =	swait.ge [sflag:s30], $0x80  }
0x194: {  	[sflag:s30] =	ssyncset.done $0x0  }
0x195: {  	[sflag:s30] =	ssyncadd.s32 $0xFFFFFF80  }
0x196: {  	_ =	swait.ge [sflag:s30], $0x80  }
0x197: {  	[sflag:s30] =	ssyncset.done $0x0  }
0x198: {  	[sflag:s30] =	ssyncadd.s32 $0xFFFFFF80  }
0x199: {  	_ =	swait.ge [sflag:s30], $0x80  }
0x19a: {  	[sflag:s30] =	ssyncset.done $0x0  }
0x19b: {  	[sflag:s30] =	ssyncadd.s32 $0xFFFFFF80  }
0x19c: {  	_ =	swait.ge [sflag:s30], $0x80  }
0x19d: {  	[sflag:s30] =	ssyncset.done $0x0  }
0x19e: {  	[sflag:s30] =	ssyncadd.s32 $0xFFFFFF80  }
0x19f: {  	_ =	swait.ge [sflag:s30], $0x80  }
0x1a0: {  	[sflag:s30] =	ssyncset.done $0x0  }
0x1a1: {  	[sflag:s30] =	ssyncadd.s32 $0xFFFFFF80  }
0x1a2: {  	_ =	swait.ge [sflag:s30], $0x80  }
0x1a3: {  	[sflag:s30] =	ssyncset.done $0x0  }
0x1a4: {  	[sflag:s30] =	ssyncadd.s32 $0xFFFFFF80  }
0x1a5: {  	_ =	swait.ge [sflag:s30], $0x80  }
0x1a6: {  	[sflag:s30] =	ssyncset.done $0x0  }
0x1a7: {  	[sflag:s30] =	ssyncadd.s32 $0xFFFFFF80  }
0x1a8: {  	_ =	swait.ge [sflag:s30], $0x80  }
0x1a9: {  	[sflag:s30] =	ssyncset.done $0x0  }
0x1aa: {  	[sflag:s30] =	ssyncadd.s32 $0xFFFFFF80  }
0x1ab: {  	_ =	swait.ge [sflag:s30], $0x80  }
0x1ac: {  	[sflag:s30] =	ssyncset.done $0x0  }
0x1ad: {  	[sflag:s30] =	ssyncadd.s32 $0xFFFFFF80  }
0x1ae: {  	_ =	swait.ge [sflag:s30], $0x80  }
0x1af: {  	[sflag:s30] =	ssyncset.done $0x0  }
0x1b0: {  	[sflag:s30] =	ssyncadd.s32 $0xFFFFFF80  }
0x1b1: {  	_ =	swait.ge [sflag:s30], $0x80  }
0x1b2: {  	[sflag:s30] =	ssyncset.done $0x0  }
0x1b3: {  	[sflag:s30] =	ssyncadd.s32 $0xFFFFFF80  }
0x1b4: {  	_ =	swait.ge [sflag:s30], $0x80  }
0x1b5: {  	[sflag:s30] =	ssyncset.done $0x0  }
0x1b6: {  	[sflag:s30] =	ssyncadd.s32 $0xFFFFFF80  }
0x1b7: {  	_ =	swait.ge [sflag:s30], $0x80  }
0x1b8: {  	[sflag:s30] =	ssyncset.done $0x0  }
0x1b9: {  	[sflag:s30] =	ssyncadd.s32 $0xFFFFFF80  }
0x1ba: {  	_ =	swait.ge [sflag:s30], $0x80  }
0x1bb: {  	[sflag:s30] =	ssyncset.done $0x0  }
0x1bc: {  	[sflag:s30] =	ssyncadd.s32 $0xFFFFFF80  }
0x1bd: {  	_ =	swait.ge [sflag:s30], $0x80  }
0x1be: {  	[sflag:s30] =	ssyncset.done $0x0  }
0x1bf: {  	[sflag:s30] =	ssyncadd.s32 $0xFFFFFF80  }
0x1c0: {  	_ =	swait.ge [sflag:s30], $0x80  }
0x1c1: {  	[sflag:s30] =	ssyncset.done $0x0  }
0x1c2: {  	[sflag:s30] =	ssyncadd.s32 $0xFFFFFF80  }
0x1c3: {  	_ =	swait.ge [sflag:s30], $0x80  }
0x1c4: {  	[sflag:s30] =	ssyncset.done $0x0  }
0x1c5: {  	[sflag:s30] =	ssyncadd.s32 $0xFFFFFF80  }
0x1c6: {  	_ =	swait.ge [sflag:s30], $0x80  }
0x1c7: {  	[sflag:s30] =	ssyncset.done $0x0  }
0x1c8: {  	[sflag:s30] =	ssyncadd.s32 $0xFFFFFF80  }
0x1c9: {  	_ =	swait.ge [sflag:s30], $0x80  }
0x1ca: {  	[sflag:s30] =	ssyncset.done $0x0  }
0x1cb: {  	[sflag:s30] =	ssyncadd.s32 $0xFFFFFF80  }
0x1cc: {  	[bflag:$0x0] =	sbarrier.arrive $0xFFFF  }
0x1cd: {  	[hbm:s13], [sflag:s7] =	dma.local [spmem:s16], $0x2800  }
0x1ce: {  	s0 =	sshrl.u32 s8, $0x3;
	s1 =	sadd.s32 $0x1, s1;
	_ =	swait.ge [sflag:s17], $0x2800  }
0x1cf: {  	s18 =	simm.s32 $0x20;
	p0 =	sne.s32 s1, s15;
	[sflag:s17] =	ssyncset.done $0x0  }
.Ltmp2:
0x1d0: {  	s31 =	simm.s32 $0x10;
	[sflag:s17] =	ssyncadd.s32 $0xFFFFD800;
	(pc) =	sbr.rel @p0 .LBB2_1-.Ltmp2, $4  }
0x1d1: {  	[hbm:s14@s18], [sflag:s7] =	dma.strided [spmem:s0@s31], $0x50, s22, $0x10   }
0x1d2: {  	_ =	swait.ge [sflag:s17], $0x50  }
0x1d3: {  	[sflag:s17] =	ssyncset.done $0x0  }
0x1d4: {  	[sflag:s17] =	ssyncadd.s32 $0xFFFFFFB0  }
0x1d5: {  	_ =	sfence.sel $0x180000  }
0x1d6: {  	[bflag:$0x0] =	sbarrier.arrive $0xFFFF  }
0x1d7: {  	_ =	strace $0x90000047  }
0x1d8: {  	s0 =	stileid.u32;
	[bflag:$0x2] =	sbarrier.arrive $0xFFFF  }
0x1d9: {  	p0 =	sne.s32 s0, $0x0;
	s0 =	rddreg [dreg:$0x3]  }
0x1da: {  	s0 =	sadd.s32 @!p0 $0x100000, s0  }
0x1db: {  	[sflag:s0] =	ssyncadd.tile.s32 @!p0 $0x1;
	_ =	shalt  }
.Lfunc_end2:
_tile_overlayer_lowered:
.L_overlay_start_2:
0x1dc: {  	(tag) =	ssettag $0x2  }
0x1dd: {  	s0 =	rddreg [dreg:$0x0];
	s2 =	stileid.u32  }
0x1de: {  	s1 =	rddreg [dreg:$0x1];
	p0 =	sne.s32 s2, $0x0  }
0x1df: {  	s3 =	rddreg [dreg:$0x2];
	[bflag:$0x3] =	sbarrier.arrive $0xFFFF;
	s2 =	simm.s32 @!p0 $0x1C06  }
0x1e0: {  	[timem:s3], [sflag:s2] =	dma.local @!p0 [hbm:s0], s1  }
0x1e1: {  	s0 =	simm.s32 @!p0 $0x6  }
0x1e2: {  	_ =	swait.ge @!p0 [sflag:s0], s1  }
0x1e3: {  	s1 =	ssub.s32 @!p0 $0x0, s1;
	[sflag:s0] =	ssyncset.done @!p0 $0x0  }
0x1e4: {  	[sflag:s0] =	ssyncadd.s32 @!p0 s1  }
0x1e5: {  	[bflag:$0x3] =	sbarrier.arrive $0xFFFF  }
0x1e6: {  	_ =	shalt  }

</sc_bundles>
